<compile_context>
chip_gen: v7x
topology: tpu7x:2x2x1
jax: 0.10.2.dev20260603
libtpu: 0.0.44.dev20260713+nightly
codegen_flags: <defaults>
</compile_context>

<pallas_src>
import functools

import jax
import jax.numpy as jnp
from jax import lax
from jax.experimental import pallas as pl
from jax.experimental.pallas import tpu as pltpu
from jax.experimental.pallas import tpu_sc as plsc

_MAX_POS = 8192
_HIDDEN = 2048
_B, _S = 4, 4096
_N = _B * _S
_NC, _NS = 2, 16
_NW = _NC * _NS
_ROWS_PER_W = _N // _NW
_K = 4
_CHUNKS = _ROWS_PER_W // _K
_LANES = 16
_NT = 8
_NX = 4


def _pos_add_body(inp_hbm, idx_hbm, tab_hbm, out_hbm, idx_v,
                  x0, x1, x2, x3, t0, t1, t2, t3, t4, t5, t6, t7,
                  si0, si1, si2, si3,
                  sg0, sg1, sg2, sg3, sg4, sg5, sg6, sg7,
                  so0, so1, so2, so3, so4, so5, so6, so7):
    X = [x0, x1, x2, x3]
    T = [t0, t1, t2, t3, t4, t5, t6, t7]
    SI = [si0, si1, si2, si3]
    SG = [sg0, sg1, sg2, sg3, sg4, sg5, sg6, sg7]
    SO = [so0, so1, so2, so3, so4, so5, so6, so7]

    wid = lax.axis_index("s") * _NC + lax.axis_index("c")
    base = wid * _ROWS_PER_W
    pltpu.sync_copy(idx_hbm.at[wid], idx_v)

    def start_in(c, bx):
        pltpu.async_copy(inp_hbm.at[pl.ds(base + c * _K, _K)], X[bx], SI[bx])

    def start_gather(c, bt):
        pltpu.async_copy(tab_hbm.at[idx_v.at[c]], T[bt], SG[bt])

    for p in range(_NX):
        start_in(p, p)
        start_gather(p, p)

    def group(g, carry):
        for b in range(_NT):
            c = g * _NT + b
            bx = b % _NX
            pltpu.make_async_copy(
                inp_hbm.at[pl.ds(base, _K)], X[bx], SI[bx]).wait()
            pltpu.make_async_copy(
                tab_hbm.at[idx_v.at[0]], T[b], SG[b]).wait()

            bt2 = (b + _NX) % _NT

            @pl.when(c < _CHUNKS - _NX)
            def _():
                @pl.when(c >= _NX)
                def _():
                    pltpu.make_async_copy(
                        T[bt2], out_hbm.at[pl.ds(base, _K)], SO[bt2]).wait()

                start_gather(c + _NX, bt2)

            def add_row(r, car):
                def add_word(j, car2):
                    sl = pl.ds(j * _LANES, _LANES)
                    plsc.addupdate(T[b].at[r, sl], X[bx][r, sl])
                    return car2

                lax.fori_loop(0, _HIDDEN // _LANES, add_word, 0, unroll=16)
                return car

            lax.fori_loop(0, _K, add_row, 0)
            pltpu.async_copy(T[b], out_hbm.at[pl.ds(base + c * _K, _K)], SO[b])

            @pl.when(c < _CHUNKS - _NX)
            def _():
                start_in(c + _NX, bx)
        return carry

    lax.fori_loop(0, _CHUNKS // _NT, group, 0)
    for b in range(_NT):
        pltpu.make_async_copy(
            T[b], out_hbm.at[pl.ds(base, _K)], SO[b]).wait()


@jax.jit
def _pos_add(inp, idx, tab):
    mesh = plsc.VectorSubcoreMesh(core_axis_name="c", subcore_axis_name="s")
    f = pl.kernel(
        _pos_add_body,
        out_type=jax.ShapeDtypeStruct((_N, _HIDDEN), jnp.float32),
        mesh=mesh,
        scratch_types=(
            [pltpu.VMEM((_CHUNKS, _K), jnp.int32)]
            + [pltpu.VMEM((_K, _HIDDEN), jnp.float32)] * (_NX + _NT)
            + [pltpu.SemaphoreType.DMA] * (_NX + 2 * _NT)
        ),
        compiler_params=pltpu.CompilerParams(
            disable_bounds_checks=True,
            disable_semaphore_checks=True,
        ),
    )
    return f(inp, idx, tab)


def kernel(input_ids, position_ids, pos_table):
    inp = input_ids.reshape(_N, _HIDDEN)
    idx = position_ids.astype(jnp.int32).reshape(_NW, _CHUNKS, _K)
    out = _pos_add(inp, idx, pos_table)
    return out.reshape(_B, _S, _HIDDEN)

# --- scband reference (transcript-rebuilt; emitter-appended) ---
"""Pipeline reference for scband-learned-positional-encoding-32263794327894 (READ-ONLY COPY).

The authoritative reference and input builder live on the scoring server;
editing this copy changes nothing except your own understanding.
"""

import jax, jax.numpy as jnp
import numpy as np

MAX_POS = 8192
HIDDEN = 2048
B, S = 4, 4096

def setup_inputs(seed: int = 0) -> dict:
    key = jax.random.key(seed)
    k1, k2, k3 = jax.random.split(key, 3)
    input_ids = jax.random.normal(k1, (B, S, HIDDEN), dtype=jnp.float32)
    position_ids = jax.random.randint(k2, (B, S), 0, MAX_POS, dtype=jnp.int64)
    pos_table = jax.random.normal(k3, (MAX_POS, HIDDEN), dtype=jnp.float32) * 0.1
    return {"input_ids": input_ids, "position_ids": position_ids, "pos_table": pos_table}

def reference(input_ids, position_ids, pos_table):
    # gather learned position embeddings and add (dropout=0.0 -> identity)
    position_embeddings = jnp.take(pos_table, position_ids, axis=0)
    embeddings_with_pos = input_ids + position_embeddings
    return embeddings_with_pos

if __name__ == "__main__":
    import jax
    _d = setup_inputs()
    print(jax.jit(kernel)(*tuple(_d.values())))

</pallas_src>

<mosaic_0001>
#map = affine_map<(d0, d1) -> (0, 0)>
#map1 = affine_map<(d0, d1) -> (0, 0, 0)>
module attributes {stable_mosaic.version = 14 : i64} {
  func.func @_pos_add_body(%arg0: i32, %arg1: i32, %arg2: memref<16384x2048xf32, #tpu.memory_space<hbm>>, %arg3: memref<32x128x4xi32, #tpu.memory_space<hbm>>, %arg4: memref<8192x2048xf32, #tpu.memory_space<hbm>>, %arg5: memref<16384x2048xf32, #tpu.memory_space<hbm>>, %arg6: memref<128x4xi32, #tpu.memory_space<vmem>>, %arg7: memref<4x2048xf32, #tpu.memory_space<vmem>>, %arg8: memref<4x2048xf32, #tpu.memory_space<vmem>>, %arg9: memref<4x2048xf32, #tpu.memory_space<vmem>>, %arg10: memref<4x2048xf32, #tpu.memory_space<vmem>>, %arg11: memref<4x2048xf32, #tpu.memory_space<vmem>>, %arg12: memref<4x2048xf32, #tpu.memory_space<vmem>>, %arg13: memref<4x2048xf32, #tpu.memory_space<vmem>>, %arg14: memref<4x2048xf32, #tpu.memory_space<vmem>>, %arg15: memref<4x2048xf32, #tpu.memory_space<vmem>>, %arg16: memref<4x2048xf32, #tpu.memory_space<vmem>>, %arg17: memref<4x2048xf32, #tpu.memory_space<vmem>>, %arg18: memref<4x2048xf32, #tpu.memory_space<vmem>>, %arg19: memref<!tpu.dma_semaphore, #tpu.memory_space<semaphore_mem>>, %arg20: memref<!tpu.dma_semaphore, #tpu.memory_space<semaphore_mem>>, %arg21: memref<!tpu.dma_semaphore, #tpu.memory_space<semaphore_mem>>, %arg22: memref<!tpu.dma_semaphore, #tpu.memory_space<semaphore_mem>>, %arg23: memref<!tpu.dma_semaphore, #tpu.memory_space<semaphore_mem>>, %arg24: memref<!tpu.dma_semaphore, #tpu.memory_space<semaphore_mem>>, %arg25: memref<!tpu.dma_semaphore, #tpu.memory_space<semaphore_mem>>, %arg26: memref<!tpu.dma_semaphore, #tpu.memory_space<semaphore_mem>>, %arg27: memref<!tpu.dma_semaphore, #tpu.memory_space<semaphore_mem>>, %arg28: memref<!tpu.dma_semaphore, #tpu.memory_space<semaphore_mem>>, %arg29: memref<!tpu.dma_semaphore, #tpu.memory_space<semaphore_mem>>, %arg30: memref<!tpu.dma_semaphore, #tpu.memory_space<semaphore_mem>>, %arg31: memref<!tpu.dma_semaphore, #tpu.memory_space<semaphore_mem>>, %arg32: memref<!tpu.dma_semaphore, #tpu.memory_space<semaphore_mem>>, %arg33: memref<!tpu.dma_semaphore, #tpu.memory_space<semaphore_mem>>, %arg34: memref<!tpu.dma_semaphore, #tpu.memory_space<semaphore_mem>>, %arg35: memref<!tpu.dma_semaphore, #tpu.memory_space<semaphore_mem>>, %arg36: memref<!tpu.dma_semaphore, #tpu.memory_space<semaphore_mem>>, %arg37: memref<!tpu.dma_semaphore, #tpu.memory_space<semaphore_mem>>, %arg38: memref<!tpu.dma_semaphore, #tpu.memory_space<semaphore_mem>>) attributes {dimension_semantics = [#tpu.dimension_semantics<core_parallel>, #tpu.dimension_semantics<subcore_parallel>], iteration_bounds = array<i64: 2, 16>, scalar_prefetch = 0 : i64, scratch_operands = 33 : i64, tpu.core_type = #tpu.core_type<sc_vector_subcore>, window_params = [{transform_indices = #map}, {transform_indices = #map1}, {transform_indices = #map}, {transform_indices = #map}]} {
    %mul3A = arith.constant 2 : i32
    %mul3A_0 = arith.muli %arg1, %mul3A : i32
    %add3A = arith.addi %mul3A_0, %arg0 : i32
    %mul3A_1 = arith.constant 512 : i32
    %mul3A_2 = arith.muli %add3A, %mul3A_1 : i32
    "tpu.region"() ({
      %run_scoped3A = tpu.sem_alloc : memref<!tpu.dma_semaphore, #tpu.memory_space<semaphore_mem>>
      %dma_start3A_90 = arith.constant 0 : i32
      %dma_start3A_91 = arith.constant 0 : i32
      %dma_start3A_92 = tpu.memref_slice %arg3[%add3A, %dma_start3A_90, %dma_start3A_91] : memref<32x128x4xi32, #tpu.memory_space<hbm>> -> memref<1x128x4xi32, #tpu.memory_space<hbm>>
      %dma_start3A_93 = tpu.memref_squeeze %dma_start3A_92 : memref<1x128x4xi32, #tpu.memory_space<hbm>> -> memref<128x4xi32, #tpu.memory_space<hbm>>
      %dma_start3A_94 = arith.constant 0 : i32
      %dma_start3A_95 = arith.constant 0 : i32
      %dma_start3A_96 = tpu.memref_slice %arg3[%add3A, %dma_start3A_94, %dma_start3A_95] : memref<32x128x4xi32, #tpu.memory_space<hbm>> -> memref<1x128x4xi32, #tpu.memory_space<hbm>>
      %dma_start3A_97 = tpu.memref_squeeze %dma_start3A_96 : memref<1x128x4xi32, #tpu.memory_space<hbm>> -> memref<128x4xi32, #tpu.memory_space<hbm>>
      tpu.enqueue_dma source(%dma_start3A_97 : memref<128x4xi32, #tpu.memory_space<hbm>>) target(%arg6 : memref<128x4xi32, #tpu.memory_space<vmem>>) target_semaphore(%run_scoped3A : memref<!tpu.dma_semaphore, #tpu.memory_space<semaphore_mem>>)
      %dma_wait3A_98 = arith.constant 0 : i32
      %dma_wait3A_99 = arith.constant 0 : i32
      %dma_wait3A_100 = tpu.memref_slice %arg3[%add3A, %dma_wait3A_98, %dma_wait3A_99] : memref<32x128x4xi32, #tpu.memory_space<hbm>> -> memref<1x128x4xi32, #tpu.memory_space<hbm>>
      %dma_wait3A_101 = tpu.memref_squeeze %dma_wait3A_100 : memref<1x128x4xi32, #tpu.memory_space<hbm>> -> memref<128x4xi32, #tpu.memory_space<hbm>>
      %dma_wait3A_102 = arith.constant 0 : i32
      %dma_wait3A_103 = arith.constant 0 : i32
      %dma_wait3A_104 = tpu.memref_slice %arg3[%add3A, %dma_wait3A_102, %dma_wait3A_103] : memref<32x128x4xi32, #tpu.memory_space<hbm>> -> memref<1x128x4xi32, #tpu.memory_space<hbm>>
      %dma_wait3A_105 = tpu.memref_squeeze %dma_wait3A_104 : memref<1x128x4xi32, #tpu.memory_space<hbm>> -> memref<128x4xi32, #tpu.memory_space<hbm>>
      tpu.wait_dma2 semaphore(%run_scoped3A : memref<!tpu.dma_semaphore, #tpu.memory_space<semaphore_mem>>) src(%dma_wait3A_105 : memref<128x4xi32, #tpu.memory_space<hbm>>) dst(%arg6 : memref<128x4xi32, #tpu.memory_space<vmem>>)
      tpu.yield
    }) : () -> ()
    %add3A_3 = arith.constant 0 : i32
    %add3A_4 = arith.addi %mul3A_2, %add3A_3 : i32
    %dma_start3A = arith.constant 0 : i32
    %dma_start3A_5 = tpu.memref_slice %arg2[%add3A_4, %dma_start3A] : memref<16384x2048xf32, #tpu.memory_space<hbm>> -> memref<4x2048xf32, #tpu.memory_space<hbm>>
    %dma_start3A_6 = arith.constant 0 : i32
    %dma_start3A_7 = tpu.memref_slice %arg2[%add3A_4, %dma_start3A_6] : memref<16384x2048xf32, #tpu.memory_space<hbm>> -> memref<4x2048xf32, #tpu.memory_space<hbm>>
    tpu.enqueue_dma source(%dma_start3A_7 : memref<4x2048xf32, #tpu.memory_space<hbm>>) target(%arg7 : memref<4x2048xf32, #tpu.memory_space<vmem>>) target_semaphore(%arg19 : memref<!tpu.dma_semaphore, #tpu.memory_space<semaphore_mem>>)
    %dma_start3A_8 = arith.constant 0 : i32
    %dma_start3A_9 = arith.constant 0 : i32
    %dma_start3A_10 = tpu.memref_slice %arg6[%dma_start3A_8, %dma_start3A_9] : memref<128x4xi32, #tpu.memory_space<vmem>> -> memref<1x4xi32, #tpu.memory_space<vmem>>
    %dma_start3A_11 = tpu.memref_squeeze %dma_start3A_10 : memref<1x4xi32, #tpu.memory_space<vmem>> -> memref<4xi32, #tpu.memory_space<vmem>>
    %dma_start3A_12 = arith.constant 0 : i32
    %dma_start3A_13 = arith.constant 0 : i32
    %dma_start3A_14 = tpu.memref_slice %arg4[%dma_start3A_12, %dma_start3A_13] : memref<8192x2048xf32, #tpu.memory_space<hbm>> -> memref<8192x2048xf32, #tpu.memory_space<hbm>>
    tpu.enqueue_indirect_dma source(%dma_start3A_14 : memref<8192x2048xf32, #tpu.memory_space<hbm>>) target(%arg11 : memref<4x2048xf32, #tpu.memory_space<vmem>>) offsets(%dma_start3A_11 : memref<4xi32, #tpu.memory_space<vmem>>) semaphore(%arg23 : memref<!tpu.dma_semaphore, #tpu.memory_space<semaphore_mem>>)
    %add3A_15 = arith.constant 4 : i32
    %add3A_16 = arith.addi %mul3A_2, %add3A_15 : i32
    %dma_start3A_17 = arith.constant 0 : i32
    %dma_start3A_18 = tpu.memref_slice %arg2[%add3A_16, %dma_start3A_17] : memref<16384x2048xf32, #tpu.memory_space<hbm>> -> memref<4x2048xf32, #tpu.memory_space<hbm>>
    %dma_start3A_19 = arith.constant 0 : i32
    %dma_start3A_20 = tpu.memref_slice %arg2[%add3A_16, %dma_start3A_19] : memref<16384x2048xf32, #tpu.memory_space<hbm>> -> memref<4x2048xf32, #tpu.memory_space<hbm>>
    tpu.enqueue_dma source(%dma_start3A_20 : memref<4x2048xf32, #tpu.memory_space<hbm>>) target(%arg8 : memref<4x2048xf32, #tpu.memory_space<vmem>>) target_semaphore(%arg20 : memref<!tpu.dma_semaphore, #tpu.memory_space<semaphore_mem>>)
    %dma_start3A_21 = arith.constant 1 : i32
    %dma_start3A_22 = arith.constant 0 : i32
    %dma_start3A_23 = tpu.memref_slice %arg6[%dma_start3A_21, %dma_start3A_22] : memref<128x4xi32, #tpu.memory_space<vmem>> -> memref<1x4xi32, #tpu.memory_space<vmem>>
    %dma_start3A_24 = tpu.memref_squeeze %dma_start3A_23 : memref<1x4xi32, #tpu.memory_space<vmem>> -> memref<4xi32, #tpu.memory_space<vmem>>
    %dma_start3A_25 = arith.constant 0 : i32
    %dma_start3A_26 = arith.constant 0 : i32
    %dma_start3A_27 = tpu.memref_slice %arg4[%dma_start3A_25, %dma_start3A_26] : memref<8192x2048xf32, #tpu.memory_space<hbm>> -> memref<8192x2048xf32, #tpu.memory_space<hbm>>
    tpu.enqueue_indirect_dma source(%dma_start3A_27 : memref<8192x2048xf32, #tpu.memory_space<hbm>>) target(%arg12 : memref<4x2048xf32, #tpu.memory_space<vmem>>) offsets(%dma_start3A_24 : memref<4xi32, #tpu.memory_space<vmem>>) semaphore(%arg24 : memref<!tpu.dma_semaphore, #tpu.memory_space<semaphore_mem>>)
    %add3A_28 = arith.constant 8 : i32
    %add3A_29 = arith.addi %mul3A_2, %add3A_28 : i32
    %dma_start3A_30 = arith.constant 0 : i32
    %dma_start3A_31 = tpu.memref_slice %arg2[%add3A_29, %dma_start3A_30] : memref<16384x2048xf32, #tpu.memory_space<hbm>> -> memref<4x2048xf32, #tpu.memory_space<hbm>>
    %dma_start3A_32 = arith.constant 0 : i32
    %dma_start3A_33 = tpu.memref_slice %arg2[%add3A_29, %dma_start3A_32] : memref<16384x2048xf32, #tpu.memory_space<hbm>> -> memref<4x2048xf32, #tpu.memory_space<hbm>>
    tpu.enqueue_dma source(%dma_start3A_33 : memref<4x2048xf32, #tpu.memory_space<hbm>>) target(%arg9 : memref<4x2048xf32, #tpu.memory_space<vmem>>) target_semaphore(%arg21 : memref<!tpu.dma_semaphore, #tpu.memory_space<semaphore_mem>>)
    %dma_start3A_34 = arith.constant 2 : i32
    %dma_start3A_35 = arith.constant 0 : i32
    %dma_start3A_36 = tpu.memref_slice %arg6[%dma_start3A_34, %dma_start3A_35] : memref<128x4xi32, #tpu.memory_space<vmem>> -> memref<1x4xi32, #tpu.memory_space<vmem>>
    %dma_start3A_37 = tpu.memref_squeeze %dma_start3A_36 : memref<1x4xi32, #tpu.memory_space<vmem>> -> memref<4xi32, #tpu.memory_space<vmem>>
    %dma_start3A_38 = arith.constant 0 : i32
    %dma_start3A_39 = arith.constant 0 : i32
    %dma_start3A_40 = tpu.memref_slice %arg4[%dma_start3A_38, %dma_start3A_39] : memref<8192x2048xf32, #tpu.memory_space<hbm>> -> memref<8192x2048xf32, #tpu.memory_space<hbm>>
    tpu.enqueue_indirect_dma source(%dma_start3A_40 : memref<8192x2048xf32, #tpu.memory_space<hbm>>) target(%arg13 : memref<4x2048xf32, #tpu.memory_space<vmem>>) offsets(%dma_start3A_37 : memref<4xi32, #tpu.memory_space<vmem>>) semaphore(%arg25 : memref<!tpu.dma_semaphore, #tpu.memory_space<semaphore_mem>>)
    %add3A_41 = arith.constant 12 : i32
    %add3A_42 = arith.addi %mul3A_2, %add3A_41 : i32
    %dma_start3A_43 = arith.constant 0 : i32
    %dma_start3A_44 = tpu.memref_slice %arg2[%add3A_42, %dma_start3A_43] : memref<16384x2048xf32, #tpu.memory_space<hbm>> -> memref<4x2048xf32, #tpu.memory_space<hbm>>
    %dma_start3A_45 = arith.constant 0 : i32
    %dma_start3A_46 = tpu.memref_slice %arg2[%add3A_42, %dma_start3A_45] : memref<16384x2048xf32, #tpu.memory_space<hbm>> -> memref<4x2048xf32, #tpu.memory_space<hbm>>
    tpu.enqueue_dma source(%dma_start3A_46 : memref<4x2048xf32, #tpu.memory_space<hbm>>) target(%arg10 : memref<4x2048xf32, #tpu.memory_space<vmem>>) target_semaphore(%arg22 : memref<!tpu.dma_semaphore, #tpu.memory_space<semaphore_mem>>)
    %dma_start3A_47 = arith.constant 3 : i32
    %dma_start3A_48 = arith.constant 0 : i32
    %dma_start3A_49 = tpu.memref_slice %arg6[%dma_start3A_47, %dma_start3A_48] : memref<128x4xi32, #tpu.memory_space<vmem>> -> memref<1x4xi32, #tpu.memory_space<vmem>>
    %dma_start3A_50 = tpu.memref_squeeze %dma_start3A_49 : memref<1x4xi32, #tpu.memory_space<vmem>> -> memref<4xi32, #tpu.memory_space<vmem>>
    %dma_start3A_51 = arith.constant 0 : i32
    %dma_start3A_52 = arith.constant 0 : i32
    %dma_start3A_53 = tpu.memref_slice %arg4[%dma_start3A_51, %dma_start3A_52] : memref<8192x2048xf32, #tpu.memory_space<hbm>> -> memref<8192x2048xf32, #tpu.memory_space<hbm>>
    tpu.enqueue_indirect_dma source(%dma_start3A_53 : memref<8192x2048xf32, #tpu.memory_space<hbm>>) target(%arg14 : memref<4x2048xf32, #tpu.memory_space<vmem>>) offsets(%dma_start3A_50 : memref<4xi32, #tpu.memory_space<vmem>>) semaphore(%arg26 : memref<!tpu.dma_semaphore, #tpu.memory_space<semaphore_mem>>)
    %scan3A = arith.constant 0 : i32
    %scan3A_54 = arith.constant 0 : i32
    %scan3A_55 = arith.constant 16 : i32
    %scan3A_56 = arith.addi %scan3A_54, %scan3A_55 : i32
    %scan3A_57 = arith.constant 1 : i32
    scf.for %scan3A_90 = %scan3A_54 to %scan3A_56 step %scan3A_57  : i32 {
      %mul3A_91 = arith.constant 8 : i32
      %mul3A_92 = arith.muli %scan3A_90, %mul3A_91 : i32
      %add3A_93 = arith.constant 0 : i32
      %add3A_94 = arith.addi %mul3A_92, %add3A_93 : i32
      %dma_wait3A_95 = arith.constant 0 : i32
      %dma_wait3A_96 = tpu.memref_slice %arg2[%mul3A_2, %dma_wait3A_95] : memref<16384x2048xf32, #tpu.memory_space<hbm>> -> memref<4x2048xf32, #tpu.memory_space<hbm>>
      %dma_wait3A_97 = arith.constant 0 : i32
      %dma_wait3A_98 = tpu.memref_slice %arg2[%mul3A_2, %dma_wait3A_97] : memref<16384x2048xf32, #tpu.memory_space<hbm>> -> memref<4x2048xf32, #tpu.memory_space<hbm>>
      tpu.wait_dma2 semaphore(%arg19 : memref<!tpu.dma_semaphore, #tpu.memory_space<semaphore_mem>>) src(%dma_wait3A_98 : memref<4x2048xf32, #tpu.memory_space<hbm>>) dst(%arg7 : memref<4x2048xf32, #tpu.memory_space<vmem>>)
      %dma_wait3A_99 = arith.constant 0 : i32
      %dma_wait3A_100 = arith.constant 0 : i32
      %dma_wait3A_101 = tpu.memref_slice %arg6[%dma_wait3A_99, %dma_wait3A_100] : memref<128x4xi32, #tpu.memory_space<vmem>> -> memref<1x4xi32, #tpu.memory_space<vmem>>
      %dma_wait3A_102 = tpu.memref_squeeze %dma_wait3A_101 : memref<1x4xi32, #tpu.memory_space<vmem>> -> memref<4xi32, #tpu.memory_space<vmem>>
      %dma_wait3A_103 = arith.constant 0 : i32
      %dma_wait3A_104 = arith.constant 0 : i32
      %dma_wait3A_105 = tpu.memref_slice %arg4[%dma_wait3A_103, %dma_wait3A_104] : memref<8192x2048xf32, #tpu.memory_space<hbm>> -> memref<8192x2048xf32, #tpu.memory_space<hbm>>
      tpu.wait_indirect_dma semaphore(%arg23 : memref<!tpu.dma_semaphore, #tpu.memory_space<semaphore_mem>>) src(%dma_wait3A_105 : memref<8192x2048xf32, #tpu.memory_space<hbm>>) dst(%arg11 : memref<4x2048xf32, #tpu.memory_space<vmem>>)
      %lt3A = arith.constant 124 : i32
      %lt3A_106 = arith.cmpi slt, %add3A_94, %lt3A : i32
      %convert_element_type3A = arith.extui %lt3A_106 : i1 to i32
      %cond3A = arith.constant 0 : i32
      %cond3A_107 = arith.cmpi ne, %convert_element_type3A, %cond3A : i32
      scf.if %cond3A_107 {
        %ge3A = arith.constant 4 : i32
        %ge3A_392 = arith.cmpi sge, %add3A_94, %ge3A : i32
        %convert_element_type3A_393 = arith.extui %ge3A_392 : i1 to i32
        %cond3A_394 = arith.constant 0 : i32
        %cond3A_395 = arith.cmpi ne, %convert_element_type3A_393, %cond3A_394 : i32
        scf.if %cond3A_395 {
          %dma_wait3A_404 = arith.constant 0 : i32
          %dma_wait3A_405 = tpu.memref_slice %arg5[%mul3A_2, %dma_wait3A_404] : memref<16384x2048xf32, #tpu.memory_space<hbm>> -> memref<4x2048xf32, #tpu.memory_space<hbm>>
          %dma_wait3A_406 = arith.constant 0 : i32
          %dma_wait3A_407 = tpu.memref_slice %arg5[%mul3A_2, %dma_wait3A_406] : memref<16384x2048xf32, #tpu.memory_space<hbm>> -> memref<4x2048xf32, #tpu.memory_space<hbm>>
          tpu.wait_dma2 semaphore(%arg35 : memref<!tpu.dma_semaphore, #tpu.memory_space<semaphore_mem>>) src(%arg15 : memref<4x2048xf32, #tpu.memory_space<vmem>>) dst(%dma_wait3A_407 : memref<4x2048xf32, #tpu.memory_space<hbm>>)
        } else {
        }
        %add3A_396 = arith.constant 4 : i32
        %add3A_397 = arith.addi %add3A_94, %add3A_396 : i32
        %dma_start3A_398 = arith.constant 0 : i32
        %dma_start3A_399 = tpu.memref_slice %arg6[%add3A_397, %dma_start3A_398] : memref<128x4xi32, #tpu.memory_space<vmem>> -> memref<1x4xi32, #tpu.memory_space<vmem>>
        %dma_start3A_400 = tpu.memref_squeeze %dma_start3A_399 : memref<1x4xi32, #tpu.memory_space<vmem>> -> memref<4xi32, #tpu.memory_space<vmem>>
        %dma_start3A_401 = arith.constant 0 : i32
        %dma_start3A_402 = arith.constant 0 : i32
        %dma_start3A_403 = tpu.memref_slice %arg4[%dma_start3A_401, %dma_start3A_402] : memref<8192x2048xf32, #tpu.memory_space<hbm>> -> memref<8192x2048xf32, #tpu.memory_space<hbm>>
        tpu.enqueue_indirect_dma source(%dma_start3A_403 : memref<8192x2048xf32, #tpu.memory_space<hbm>>) target(%arg15 : memref<4x2048xf32, #tpu.memory_space<vmem>>) offsets(%dma_start3A_400 : memref<4xi32, #tpu.memory_space<vmem>>) semaphore(%arg27 : memref<!tpu.dma_semaphore, #tpu.memory_space<semaphore_mem>>)
      } else {
      }
      %scan3A_108 = arith.constant 0 : i32
      %scan3A_109 = arith.constant 0 : i32
      %scan3A_110 = arith.constant 4 : i32
      %scan3A_111 = arith.addi %scan3A_109, %scan3A_110 : i32
      %scan3A_112 = arith.constant 1 : i32
      scf.for %scan3A_392 = %scan3A_109 to %scan3A_111 step %scan3A_112  : i32 {
        %scan3A_393 = arith.constant 0 : i32
        %scan3A_394 = arith.constant 0 : i32
        %scan3A_395 = arith.constant 128 : i32
        %scan3A_396 = arith.addi %scan3A_394, %scan3A_395 : i32
        %scan3A_397 = arith.constant 16 : i32
        scf.for %scan3A_399 = %scan3A_394 to %scan3A_396 step %scan3A_397  : i32 {
          %mul3A_400 = arith.constant 16 : i32
          %mul3A_401 = arith.muli %scan3A_399, %mul3A_400 : i32
          %get3A = arith.index_cast %scan3A_392 : i32 to index
          %get3A_402 = arith.index_cast %mul3A_401 : i32 to index
          %get3A_403 = tpu.vector_load %arg7[%get3A, %get3A_402] {strides = array<i32>} : memref<4x2048xf32, #tpu.memory_space<vmem>>, vector<1x16xf32>,
          %get3A_404 = vector.shape_cast %get3A_403 : vector<1x16xf32> to vector<16xf32>
          %swap3A = arith.index_cast %scan3A_392 : i32 to index
          %swap3A_405 = arith.index_cast %mul3A_401 : i32 to index
          %swap3A_406 = tpu.vector_load %arg11[%swap3A, %swap3A_405] {strides = array<i32>} : memref<4x2048xf32, #tpu.memory_space<vmem>>, vector<1x16xf32>,
          %swap3A_407 = vector.shape_cast %swap3A_406 : vector<1x16xf32> to vector<16xf32>
          %swap3A_408 = vector.shape_cast %get3A_404 : vector<16xf32> to vector<1x16xf32>
          tpu.vector_store %arg11[%swap3A, %swap3A_405], %swap3A_408 {add = true, strides = array<i32>} : memref<4x2048xf32, #tpu.memory_space<vmem>>, vector<1x16xf32>,
          %scan3A_409 = arith.constant 1 : i32
          %scan3A_410 = arith.addi %scan3A_399, %scan3A_409 : i32
          %mul3A_411 = arith.constant 16 : i32
          %mul3A_412 = arith.muli %scan3A_410, %mul3A_411 : i32
          %get3A_413 = arith.index_cast %scan3A_392 : i32 to index
          %get3A_414 = arith.index_cast %mul3A_412 : i32 to index
          %get3A_415 = tpu.vector_load %arg7[%get3A_413, %get3A_414] {strides = array<i32>} : memref<4x2048xf32, #tpu.memory_space<vmem>>, vector<1x16xf32>,
          %get3A_416 = vector.shape_cast %get3A_415 : vector<1x16xf32> to vector<16xf32>
          %swap3A_417 = arith.index_cast %scan3A_392 : i32 to index
          %swap3A_418 = arith.index_cast %mul3A_412 : i32 to index
          %swap3A_419 = tpu.vector_load %arg11[%swap3A_417, %swap3A_418] {strides = array<i32>} : memref<4x2048xf32, #tpu.memory_space<vmem>>, vector<1x16xf32>,
          %swap3A_420 = vector.shape_cast %swap3A_419 : vector<1x16xf32> to vector<16xf32>
          %swap3A_421 = vector.shape_cast %get3A_416 : vector<16xf32> to vector<1x16xf32>
          tpu.vector_store %arg11[%swap3A_417, %swap3A_418], %swap3A_421 {add = true, strides = array<i32>} : memref<4x2048xf32, #tpu.memory_space<vmem>>, vector<1x16xf32>,
          %scan3A_422 = arith.constant 2 : i32
          %scan3A_423 = arith.addi %scan3A_399, %scan3A_422 : i32
          %mul3A_424 = arith.constant 16 : i32
          %mul3A_425 = arith.muli %scan3A_423, %mul3A_424 : i32
          %get3A_426 = arith.index_cast %scan3A_392 : i32 to index
          %get3A_427 = arith.index_cast %mul3A_425 : i32 to index
          %get3A_428 = tpu.vector_load %arg7[%get3A_426, %get3A_427] {strides = array<i32>} : memref<4x2048xf32, #tpu.memory_space<vmem>>, vector<1x16xf32>,
          %get3A_429 = vector.shape_cast %get3A_428 : vector<1x16xf32> to vector<16xf32>
          %swap3A_430 = arith.index_cast %scan3A_392 : i32 to index
          %swap3A_431 = arith.index_cast %mul3A_425 : i32 to index
          %swap3A_432 = tpu.vector_load %arg11[%swap3A_430, %swap3A_431] {strides = array<i32>} : memref<4x2048xf32, #tpu.memory_space<vmem>>, vector<1x16xf32>,
          %swap3A_433 = vector.shape_cast %swap3A_432 : vector<1x16xf32> to vector<16xf32>
          %swap3A_434 = vector.shape_cast %get3A_429 : vector<16xf32> to vector<1x16xf32>
          tpu.vector_store %arg11[%swap3A_430, %swap3A_431], %swap3A_434 {add = true, strides = array<i32>} : memref<4x2048xf32, #tpu.memory_space<vmem>>, vector<1x16xf32>,
          %scan3A_435 = arith.constant 3 : i32
          %scan3A_436 = arith.addi %scan3A_399, %scan3A_435 : i32
          %mul3A_437 = arith.constant 16 : i32
          %mul3A_438 = arith.muli %scan3A_436, %mul3A_437 : i32
          %get3A_439 = arith.index_cast %scan3A_392 : i32 to index
          %get3A_440 = arith.index_cast %mul3A_438 : i32 to index
          %get3A_441 = tpu.vector_load %arg7[%get3A_439, %get3A_440] {strides = array<i32>} : memref<4x2048xf32, #tpu.memory_space<vmem>>, vector<1x16xf32>,
          %get3A_442 = vector.shape_cast %get3A_441 : vector<1x16xf32> to vector<16xf32>
          %swap3A_443 = arith.index_cast %scan3A_392 : i32 to index
          %swap3A_444 = arith.index_cast %mul3A_438 : i32 to index
          %swap3A_445 = tpu.vector_load %arg11[%swap3A_443, %swap3A_444] {strides = array<i32>} : memref<4x2048xf32, #tpu.memory_space<vmem>>, vector<1x16xf32>,
          %swap3A_446 = vector.shape_cast %swap3A_445 : vector<1x16xf32> to vector<16xf32>
          %swap3A_447 = vector.shape_cast %get3A_442 : vector<16xf32> to vector<1x16xf32>
          tpu.vector_store %arg11[%swap3A_443, %swap3A_444], %swap3A_447 {add = true, strides = array<i32>} : memref<4x2048xf32, #tpu.memory_space<vmem>>, vector<1x16xf32>,
          %scan3A_448 = arith.constant 4 : i32
          %scan3A_449 = arith.addi %scan3A_399, %scan3A_448 : i32
          %mul3A_450 = arith.constant 16 : i32
          %mul3A_451 = arith.muli %scan3A_449, %mul3A_450 : i32
          %get3A_452 = arith.index_cast %scan3A_392 : i32 to index
          %get3A_453 = arith.index_cast %mul3A_451 : i32 to index
          %get3A_454 = tpu.vector_load %arg7[%get3A_452, %get3A_453] {strides = array<i32>} : memref<4x2048xf32, #tpu.memory_space<vmem>>, vector<1x16xf32>,
          %get3A_455 = vector.shape_cast %get3A_454 : vector<1x16xf32> to vector<16xf32>
          %swap3A_456 = arith.index_cast %scan3A_392 : i32 to index
          %swap3A_457 = arith.index_cast %mul3A_451 : i32 to index
          %swap3A_458 = tpu.vector_load %arg11[%swap3A_456, %swap3A_457] {strides = array<i32>} : memref<4x2048xf32, #tpu.memory_space<vmem>>, vector<1x16xf32>,
          %swap3A_459 = vector.shape_cast %swap3A_458 : vector<1x16xf32> to vector<16xf32>
          %swap3A_460 = vector.shape_cast %get3A_455 : vector<16xf32> to vector<1x16xf32>
          tpu.vector_store %arg11[%swap3A_456, %swap3A_457], %swap3A_460 {add = true, strides = array<i32>} : memref<4x2048xf32, #tpu.memory_space<vmem>>, vector<1x16xf32>,
          %scan3A_461 = arith.constant 5 : i32
          %scan3A_462 = arith.addi %scan3A_399, %scan3A_461 : i32
          %mul3A_463 = arith.constant 16 : i32
          %mul3A_464 = arith.muli %scan3A_462, %mul3A_463 : i32
          %get3A_465 = arith.index_cast %scan3A_392 : i32 to index
          %get3A_466 = arith.index_cast %mul3A_464 : i32 to index
          %get3A_467 = tpu.vector_load %arg7[%get3A_465, %get3A_466] {strides = array<i32>} : memref<4x2048xf32, #tpu.memory_space<vmem>>, vector<1x16xf32>,
          %get3A_468 = vector.shape_cast %get3A_467 : vector<1x16xf32> to vector<16xf32>
          %swap3A_469 = arith.index_cast %scan3A_392 : i32 to index
          %swap3A_470 = arith.index_cast %mul3A_464 : i32 to index
          %swap3A_471 = tpu.vector_load %arg11[%swap3A_469, %swap3A_470] {strides = array<i32>} : memref<4x2048xf32, #tpu.memory_space<vmem>>, vector<1x16xf32>,
          %swap3A_472 = vector.shape_cast %swap3A_471 : vector<1x16xf32> to vector<16xf32>
          %swap3A_473 = vector.shape_cast %get3A_468 : vector<16xf32> to vector<1x16xf32>
          tpu.vector_store %arg11[%swap3A_469, %swap3A_470], %swap3A_473 {add = true, strides = array<i32>} : memref<4x2048xf32, #tpu.memory_space<vmem>>, vector<1x16xf32>,
          %scan3A_474 = arith.constant 6 : i32
          %scan3A_475 = arith.addi %scan3A_399, %scan3A_474 : i32
          %mul3A_476 = arith.constant 16 : i32
          %mul3A_477 = arith.muli %scan3A_475, %mul3A_476 : i32
          %get3A_478 = arith.index_cast %scan3A_392 : i32 to index
          %get3A_479 = arith.index_cast %mul3A_477 : i32 to index
          %get3A_480 = tpu.vector_load %arg7[%get3A_478, %get3A_479] {strides = array<i32>} : memref<4x2048xf32, #tpu.memory_space<vmem>>, vector<1x16xf32>,
          %get3A_481 = vector.shape_cast %get3A_480 : vector<1x16xf32> to vector<16xf32>
          %swap3A_482 = arith.index_cast %scan3A_392 : i32 to index
          %swap3A_483 = arith.index_cast %mul3A_477 : i32 to index
          %swap3A_484 = tpu.vector_load %arg11[%swap3A_482, %swap3A_483] {strides = array<i32>} : memref<4x2048xf32, #tpu.memory_space<vmem>>, vector<1x16xf32>,
          %swap3A_485 = vector.shape_cast %swap3A_484 : vector<1x16xf32> to vector<16xf32>
          %swap3A_486 = vector.shape_cast %get3A_481 : vector<16xf32> to vector<1x16xf32>
          tpu.vector_store %arg11[%swap3A_482, %swap3A_483], %swap3A_486 {add = true, strides = array<i32>} : memref<4x2048xf32, #tpu.memory_space<vmem>>, vector<1x16xf32>,
          %scan3A_487 = arith.constant 7 : i32
          %scan3A_488 = arith.addi %scan3A_399, %scan3A_487 : i32
          %mul3A_489 = arith.constant 16 : i32
          %mul3A_490 = arith.muli %scan3A_488, %mul3A_489 : i32
          %get3A_491 = arith.index_cast %scan3A_392 : i32 to index
          %get3A_492 = arith.index_cast %mul3A_490 : i32 to index
          %get3A_493 = tpu.vector_load %arg7[%get3A_491, %get3A_492] {strides = array<i32>} : memref<4x2048xf32, #tpu.memory_space<vmem>>, vector<1x16xf32>,
          %get3A_494 = vector.shape_cast %get3A_493 : vector<1x16xf32> to vector<16xf32>
          %swap3A_495 = arith.index_cast %scan3A_392 : i32 to index
          %swap3A_496 = arith.index_cast %mul3A_490 : i32 to index
          %swap3A_497 = tpu.vector_load %arg11[%swap3A_495, %swap3A_496] {strides = array<i32>} : memref<4x2048xf32, #tpu.memory_space<vmem>>, vector<1x16xf32>,
          %swap3A_498 = vector.shape_cast %swap3A_497 : vector<1x16xf32> to vector<16xf32>
          %swap3A_499 = vector.shape_cast %get3A_494 : vector<16xf32> to vector<1x16xf32>
          tpu.vector_store %arg11[%swap3A_495, %swap3A_496], %swap3A_499 {add = true, strides = array<i32>} : memref<4x2048xf32, #tpu.memory_space<vmem>>, vector<1x16xf32>,
          %scan3A_500 = arith.constant 8 : i32
          %scan3A_501 = arith.addi %scan3A_399, %scan3A_500 : i32
          %mul3A_502 = arith.constant 16 : i32
          %mul3A_503 = arith.muli %scan3A_501, %mul3A_502 : i32
          %get3A_504 = arith.index_cast %scan3A_392 : i32 to index
          %get3A_505 = arith.index_cast %mul3A_503 : i32 to index
          %get3A_506 = tpu.vector_load %arg7[%get3A_504, %get3A_505] {strides = array<i32>} : memref<4x2048xf32, #tpu.memory_space<vmem>>, vector<1x16xf32>,
          %get3A_507 = vector.shape_cast %get3A_506 : vector<1x16xf32> to vector<16xf32>
          %swap3A_508 = arith.index_cast %scan3A_392 : i32 to index
          %swap3A_509 = arith.index_cast %mul3A_503 : i32 to index
          %swap3A_510 = tpu.vector_load %arg11[%swap3A_508, %swap3A_509] {strides = array<i32>} : memref<4x2048xf32, #tpu.memory_space<vmem>>, vector<1x16xf32>,
          %swap3A_511 = vector.shape_cast %swap3A_510 : vector<1x16xf32> to vector<16xf32>
          %swap3A_512 = vector.shape_cast %get3A_507 : vector<16xf32> to vector<1x16xf32>
          tpu.vector_store %arg11[%swap3A_508, %swap3A_509], %swap3A_512 {add = true, strides = array<i32>} : memref<4x2048xf32, #tpu.memory_space<vmem>>, vector<1x16xf32>,
          %scan3A_513 = arith.constant 9 : i32
          %scan3A_514 = arith.addi %scan3A_399, %scan3A_513 : i32
          %mul3A_515 = arith.constant 16 : i32
          %mul3A_516 = arith.muli %scan3A_514, %mul3A_515 : i32
          %get3A_517 = arith.index_cast %scan3A_392 : i32 to index
          %get3A_518 = arith.index_cast %mul3A_516 : i32 to index
          %get3A_519 = tpu.vector_load %arg7[%get3A_517, %get3A_518] {strides = array<i32>} : memref<4x2048xf32, #tpu.memory_space<vmem>>, vector<1x16xf32>,
          %get3A_520 = vector.shape_cast %get3A_519 : vector<1x16xf32> to vector<16xf32>
          %swap3A_521 = arith.index_cast %scan3A_392 : i32 to index
          %swap3A_522 = arith.index_cast %mul3A_516 : i32 to index
          %swap3A_523 = tpu.vector_load %arg11[%swap3A_521, %swap3A_522] {strides = array<i32>} : memref<4x2048xf32, #tpu.memory_space<vmem>>, vector<1x16xf32>,
          %swap3A_524 = vector.shape_cast %swap3A_523 : vector<1x16xf32> to vector<16xf32>
          %swap3A_525 = vector.shape_cast %get3A_520 : vector<16xf32> to vector<1x16xf32>
          tpu.vector_store %arg11[%swap3A_521, %swap3A_522], %swap3A_525 {add = true, strides = array<i32>} : memref<4x2048xf32, #tpu.memory_space<vmem>>, vector<1x16xf32>,
          %scan3A_526 = arith.constant 10 : i32
          %scan3A_527 = arith.addi %scan3A_399, %scan3A_526 : i32
          %mul3A_528 = arith.constant 16 : i32
          %mul3A_529 = arith.muli %scan3A_527, %mul3A_528 : i32
          %get3A_530 = arith.index_cast %scan3A_392 : i32 to index
          %get3A_531 = arith.index_cast %mul3A_529 : i32 to index
          %get3A_532 = tpu.vector_load %arg7[%get3A_530, %get3A_531] {strides = array<i32>} : memref<4x2048xf32, #tpu.memory_space<vmem>>, vector<1x16xf32>,
          %get3A_533 = vector.shape_cast %get3A_532 : vector<1x16xf32> to vector<16xf32>
          %swap3A_534 = arith.index_cast %scan3A_392 : i32 to index
          %swap3A_535 = arith.index_cast %mul3A_529 : i32 to index
          %swap3A_536 = tpu.vector_load %arg11[%swap3A_534, %swap3A_535] {strides = array<i32>} : memref<4x2048xf32, #tpu.memory_space<vmem>>, vector<1x16xf32>,
          %swap3A_537 = vector.shape_cast %swap3A_536 : vector<1x16xf32> to vector<16xf32>
          %swap3A_538 = vector.shape_cast %get3A_533 : vector<16xf32> to vector<1x16xf32>
          tpu.vector_store %arg11[%swap3A_534, %swap3A_535], %swap3A_538 {add = true, strides = array<i32>} : memref<4x2048xf32, #tpu.memory_space<vmem>>, vector<1x16xf32>,
          %scan3A_539 = arith.constant 11 : i32
          %scan3A_540 = arith.addi %scan3A_399, %scan3A_539 : i32
          %mul3A_541 = arith.constant 16 : i32
          %mul3A_542 = arith.muli %scan3A_540, %mul3A_541 : i32
          %get3A_543 = arith.index_cast %scan3A_392 : i32 to index
          %get3A_544 = arith.index_cast %mul3A_542 : i32 to index
          %get3A_545 = tpu.vector_load %arg7[%get3A_543, %get3A_544] {strides = array<i32>} : memref<4x2048xf32, #tpu.memory_space<vmem>>, vector<1x16xf32>,
          %get3A_546 = vector.shape_cast %get3A_545 : vector<1x16xf32> to vector<16xf32>
          %swap3A_547 = arith.index_cast %scan3A_392 : i32 to index
          %swap3A_548 = arith.index_cast %mul3A_542 : i32 to index
          %swap3A_549 = tpu.vector_load %arg11[%swap3A_547, %swap3A_548] {strides = array<i32>} : memref<4x2048xf32, #tpu.memory_space<vmem>>, vector<1x16xf32>,
          %swap3A_550 = vector.shape_cast %swap3A_549 : vector<1x16xf32> to vector<16xf32>
          %swap3A_551 = vector.shape_cast %get3A_546 : vector<16xf32> to vector<1x16xf32>
          tpu.vector_store %arg11[%swap3A_547, %swap3A_548], %swap3A_551 {add = true, strides = array<i32>} : memref<4x2048xf32, #tpu.memory_space<vmem>>, vector<1x16xf32>,
          %scan3A_552 = arith.constant 12 : i32
          %scan3A_553 = arith.addi %scan3A_399, %scan3A_552 : i32
          %mul3A_554 = arith.constant 16 : i32
          %mul3A_555 = arith.muli %scan3A_553, %mul3A_554 : i32
          %get3A_556 = arith.index_cast %scan3A_392 : i32 to index
          %get3A_557 = arith.index_cast %mul3A_555 : i32 to index
          %get3A_558 = tpu.vector_load %arg7[%get3A_556, %get3A_557] {strides = array<i32>} : memref<4x2048xf32, #tpu.memory_space<vmem>>, vector<1x16xf32>,
          %get3A_559 = vector.shape_cast %get3A_558 : vector<1x16xf32> to vector<16xf32>
          %swap3A_560 = arith.index_cast %scan3A_392 : i32 to index
          %swap3A_561 = arith.index_cast %mul3A_555 : i32 to index
          %swap3A_562 = tpu.vector_load %arg11[%swap3A_560, %swap3A_561] {strides = array<i32>} : memref<4x2048xf32, #tpu.memory_space<vmem>>, vector<1x16xf32>,
          %swap3A_563 = vector.shape_cast %swap3A_562 : vector<1x16xf32> to vector<16xf32>
          %swap3A_564 = vector.shape_cast %get3A_559 : vector<16xf32> to vector<1x16xf32>
          tpu.vector_store %arg11[%swap3A_560, %swap3A_561], %swap3A_564 {add = true, strides = array<i32>} : memref<4x2048xf32, #tpu.memory_space<vmem>>, vector<1x16xf32>,
          %scan3A_565 = arith.constant 13 : i32
          %scan3A_566 = arith.addi %scan3A_399, %scan3A_565 : i32
          %mul3A_567 = arith.constant 16 : i32
          %mul3A_568 = arith.muli %scan3A_566, %mul3A_567 : i32
          %get3A_569 = arith.index_cast %scan3A_392 : i32 to index
          %get3A_570 = arith.index_cast %mul3A_568 : i32 to index
          %get3A_571 = tpu.vector_load %arg7[%get3A_569, %get3A_570] {strides = array<i32>} : memref<4x2048xf32, #tpu.memory_space<vmem>>, vector<1x16xf32>,
          %get3A_572 = vector.shape_cast %get3A_571 : vector<1x16xf32> to vector<16xf32>
          %swap3A_573 = arith.index_cast %scan3A_392 : i32 to index
          %swap3A_574 = arith.index_cast %mul3A_568 : i32 to index
          %swap3A_575 = tpu.vector_load %arg11[%swap3A_573, %swap3A_574] {strides = array<i32>} : memref<4x2048xf32, #tpu.memory_space<vmem>>, vector<1x16xf32>,
          %swap3A_576 = vector.shape_cast %swap3A_575 : vector<1x16xf32> to vector<16xf32>
          %swap3A_577 = vector.shape_cast %get3A_572 : vector<16xf32> to vector<1x16xf32>
          tpu.vector_store %arg11[%swap3A_573, %swap3A_574], %swap3A_577 {add = true, strides = array<i32>} : memref<4x2048xf32, #tpu.memory_space<vmem>>, vector<1x16xf32>,
          %scan3A_578 = arith.constant 14 : i32
          %scan3A_579 = arith.addi %scan3A_399, %scan3A_578 : i32
          %mul3A_580 = arith.constant 16 : i32
          %mul3A_581 = arith.muli %scan3A_579, %mul3A_580 : i32
          %get3A_582 = arith.index_cast %scan3A_392 : i32 to index
          %get3A_583 = arith.index_cast %mul3A_581 : i32 to index
          %get3A_584 = tpu.vector_load %arg7[%get3A_582, %get3A_583] {strides = array<i32>} : memref<4x2048xf32, #tpu.memory_space<vmem>>, vector<1x16xf32>,
          %get3A_585 = vector.shape_cast %get3A_584 : vector<1x16xf32> to vector<16xf32>
          %swap3A_586 = arith.index_cast %scan3A_392 : i32 to index
          %swap3A_587 = arith.index_cast %mul3A_581 : i32 to index
          %swap3A_588 = tpu.vector_load %arg11[%swap3A_586, %swap3A_587] {strides = array<i32>} : memref<4x2048xf32, #tpu.memory_space<vmem>>, vector<1x16xf32>,
          %swap3A_589 = vector.shape_cast %swap3A_588 : vector<1x16xf32> to vector<16xf32>
          %swap3A_590 = vector.shape_cast %get3A_585 : vector<16xf32> to vector<1x16xf32>
          tpu.vector_store %arg11[%swap3A_586, %swap3A_587], %swap3A_590 {add = true, strides = array<i32>} : memref<4x2048xf32, #tpu.memory_space<vmem>>, vector<1x16xf32>,
          %scan3A_591 = arith.constant 15 : i32
          %scan3A_592 = arith.addi %scan3A_399, %scan3A_591 : i32
          %mul3A_593 = arith.constant 16 : i32
          %mul3A_594 = arith.muli %scan3A_592, %mul3A_593 : i32
          %get3A_595 = arith.index_cast %scan3A_392 : i32 to index
          %get3A_596 = arith.index_cast %mul3A_594 : i32 to index
          %get3A_597 = tpu.vector_load %arg7[%get3A_595, %get3A_596] {strides = array<i32>} : memref<4x2048xf32, #tpu.memory_space<vmem>>, vector<1x16xf32>,
          %get3A_598 = vector.shape_cast %get3A_597 : vector<1x16xf32> to vector<16xf32>
          %swap3A_599 = arith.index_cast %scan3A_392 : i32 to index
          %swap3A_600 = arith.index_cast %mul3A_594 : i32 to index
          %swap3A_601 = tpu.vector_load %arg11[%swap3A_599, %swap3A_600] {strides = array<i32>} : memref<4x2048xf32, #tpu.memory_space<vmem>>, vector<1x16xf32>,
          %swap3A_602 = vector.shape_cast %swap3A_601 : vector<1x16xf32> to vector<16xf32>
          %swap3A_603 = vector.shape_cast %get3A_598 : vector<16xf32> to vector<1x16xf32>
          tpu.vector_store %arg11[%swap3A_599, %swap3A_600], %swap3A_603 {add = true, strides = array<i32>} : memref<4x2048xf32, #tpu.memory_space<vmem>>, vector<1x16xf32>,
        }
        %scan3A_398 = arith.constant 128 : i32
      }
      %scan3A_113 = arith.constant 4 : i32
      %mul3A_114 = arith.constant 4 : i32
      %mul3A_115 = arith.muli %add3A_94, %mul3A_114 : i32
      %add3A_116 = arith.addi %mul3A_2, %mul3A_115 : i32
      %dma_start3A_117 = arith.constant 0 : i32
      %dma_start3A_118 = tpu.memref_slice %arg5[%add3A_116, %dma_start3A_117] : memref<16384x2048xf32, #tpu.memory_space<hbm>> -> memref<4x2048xf32, #tpu.memory_space<hbm>>
      %dma_start3A_119 = arith.constant 0 : i32
      %dma_start3A_120 = tpu.memref_slice %arg5[%add3A_116, %dma_start3A_119] : memref<16384x2048xf32, #tpu.memory_space<hbm>> -> memref<4x2048xf32, #tpu.memory_space<hbm>>
      tpu.enqueue_dma source(%arg11 : memref<4x2048xf32, #tpu.memory_space<vmem>>) target(%dma_start3A_120 : memref<4x2048xf32, #tpu.memory_space<hbm>>) target_semaphore(%arg31 : memref<!tpu.dma_semaphore, #tpu.memory_space<semaphore_mem>>)
      %lt3A_121 = arith.constant 124 : i32
      %lt3A_122 = arith.cmpi slt, %add3A_94, %lt3A_121 : i32
      %convert_element_type3A_123 = arith.extui %lt3A_122 : i1 to i32
      %cond3A_124 = arith.constant 0 : i32
      %cond3A_125 = arith.cmpi ne, %convert_element_type3A_123, %cond3A_124 : i32
      scf.if %cond3A_125 {
        %add3A_392 = arith.constant 4 : i32
        %add3A_393 = arith.addi %add3A_94, %add3A_392 : i32
        %mul3A_394 = arith.constant 4 : i32
        %mul3A_395 = arith.muli %add3A_393, %mul3A_394 : i32
        %add3A_396 = arith.addi %mul3A_2, %mul3A_395 : i32
        %dma_start3A_397 = arith.constant 0 : i32
        %dma_start3A_398 = tpu.memref_slice %arg2[%add3A_396, %dma_start3A_397] : memref<16384x2048xf32, #tpu.memory_space<hbm>> -> memref<4x2048xf32, #tpu.memory_space<hbm>>
        %dma_start3A_399 = arith.constant 0 : i32
        %dma_start3A_400 = tpu.memref_slice %arg2[%add3A_396, %dma_start3A_399] : memref<16384x2048xf32, #tpu.memory_space<hbm>> -> memref<4x2048xf32, #tpu.memory_space<hbm>>
        tpu.enqueue_dma source(%dma_start3A_400 : memref<4x2048xf32, #tpu.memory_space<hbm>>) target(%arg7 : memref<4x2048xf32, #tpu.memory_space<vmem>>) target_semaphore(%arg19 : memref<!tpu.dma_semaphore, #tpu.memory_space<semaphore_mem>>)
      } else {
      }
      %mul3A_126 = arith.constant 8 : i32
      %mul3A_127 = arith.muli %scan3A_90, %mul3A_126 : i32
      %add3A_128 = arith.constant 1 : i32
      %add3A_129 = arith.addi %mul3A_127, %add3A_128 : i32
      %dma_wait3A_130 = arith.constant 0 : i32
      %dma_wait3A_131 = tpu.memref_slice %arg2[%mul3A_2, %dma_wait3A_130] : memref<16384x2048xf32, #tpu.memory_space<hbm>> -> memref<4x2048xf32, #tpu.memory_space<hbm>>
      %dma_wait3A_132 = arith.constant 0 : i32
      %dma_wait3A_133 = tpu.memref_slice %arg2[%mul3A_2, %dma_wait3A_132] : memref<16384x2048xf32, #tpu.memory_space<hbm>> -> memref<4x2048xf32, #tpu.memory_space<hbm>>
      tpu.wait_dma2 semaphore(%arg20 : memref<!tpu.dma_semaphore, #tpu.memory_space<semaphore_mem>>) src(%dma_wait3A_133 : memref<4x2048xf32, #tpu.memory_space<hbm>>) dst(%arg8 : memref<4x2048xf32, #tpu.memory_space<vmem>>)
      %dma_wait3A_134 = arith.constant 0 : i32
      %dma_wait3A_135 = arith.constant 0 : i32
      %dma_wait3A_136 = tpu.memref_slice %arg6[%dma_wait3A_134, %dma_wait3A_135] : memref<128x4xi32, #tpu.memory_space<vmem>> -> memref<1x4xi32, #tpu.memory_space<vmem>>
      %dma_wait3A_137 = tpu.memref_squeeze %dma_wait3A_136 : memref<1x4xi32, #tpu.memory_space<vmem>> -> memref<4xi32, #tpu.memory_space<vmem>>
      %dma_wait3A_138 = arith.constant 0 : i32
      %dma_wait3A_139 = arith.constant 0 : i32
      %dma_wait3A_140 = tpu.memref_slice %arg4[%dma_wait3A_138, %dma_wait3A_139] : memref<8192x2048xf32, #tpu.memory_space<hbm>> -> memref<8192x2048xf32, #tpu.memory_space<hbm>>
      tpu.wait_indirect_dma semaphore(%arg24 : memref<!tpu.dma_semaphore, #tpu.memory_space<semaphore_mem>>) src(%dma_wait3A_140 : memref<8192x2048xf32, #tpu.memory_space<hbm>>) dst(%arg12 : memref<4x2048xf32, #tpu.memory_space<vmem>>)
      %lt3A_141 = arith.constant 124 : i32
      %lt3A_142 = arith.cmpi slt, %add3A_129, %lt3A_141 : i32
      %convert_element_type3A_143 = arith.extui %lt3A_142 : i1 to i32
      %cond3A_144 = arith.constant 0 : i32
      %cond3A_145 = arith.cmpi ne, %convert_element_type3A_143, %cond3A_144 : i32
      scf.if %cond3A_145 {
        %ge3A = arith.constant 4 : i32
        %ge3A_392 = arith.cmpi sge, %add3A_129, %ge3A : i32
        %convert_element_type3A_393 = arith.extui %ge3A_392 : i1 to i32
        %cond3A_394 = arith.constant 0 : i32
        %cond3A_395 = arith.cmpi ne, %convert_element_type3A_393, %cond3A_394 : i32
        scf.if %cond3A_395 {
          %dma_wait3A_404 = arith.constant 0 : i32
          %dma_wait3A_405 = tpu.memref_slice %arg5[%mul3A_2, %dma_wait3A_404] : memref<16384x2048xf32, #tpu.memory_space<hbm>> -> memref<4x2048xf32, #tpu.memory_space<hbm>>
          %dma_wait3A_406 = arith.constant 0 : i32
          %dma_wait3A_407 = tpu.memref_slice %arg5[%mul3A_2, %dma_wait3A_406] : memref<16384x2048xf32, #tpu.memory_space<hbm>> -> memref<4x2048xf32, #tpu.memory_space<hbm>>
          tpu.wait_dma2 semaphore(%arg36 : memref<!tpu.dma_semaphore, #tpu.memory_space<semaphore_mem>>) src(%arg16 : memref<4x2048xf32, #tpu.memory_space<vmem>>) dst(%dma_wait3A_407 : memref<4x2048xf32, #tpu.memory_space<hbm>>)
        } else {
        }
        %add3A_396 = arith.constant 4 : i32
        %add3A_397 = arith.addi %add3A_129, %add3A_396 : i32
        %dma_start3A_398 = arith.constant 0 : i32
        %dma_start3A_399 = tpu.memref_slice %arg6[%add3A_397, %dma_start3A_398] : memref<128x4xi32, #tpu.memory_space<vmem>> -> memref<1x4xi32, #tpu.memory_space<vmem>>
        %dma_start3A_400 = tpu.memref_squeeze %dma_start3A_399 : memref<1x4xi32, #tpu.memory_space<vmem>> -> memref<4xi32, #tpu.memory_space<vmem>>
        %dma_start3A_401 = arith.constant 0 : i32
        %dma_start3A_402 = arith.constant 0 : i32
        %dma_start3A_403 = tpu.memref_slice %arg4[%dma_start3A_401, %dma_start3A_402] : memref<8192x2048xf32, #tpu.memory_space<hbm>> -> memref<8192x2048xf32, #tpu.memory_space<hbm>>
        tpu.enqueue_indirect_dma source(%dma_start3A_403 : memref<8192x2048xf32, #tpu.memory_space<hbm>>) target(%arg16 : memref<4x2048xf32, #tpu.memory_space<vmem>>) offsets(%dma_start3A_400 : memref<4xi32, #tpu.memory_space<vmem>>) semaphore(%arg28 : memref<!tpu.dma_semaphore, #tpu.memory_space<semaphore_mem>>)
      } else {
      }
      %scan3A_146 = arith.constant 0 : i32
      %scan3A_147 = arith.constant 0 : i32
      %scan3A_148 = arith.constant 4 : i32
      %scan3A_149 = arith.addi %scan3A_147, %scan3A_148 : i32
      %scan3A_150 = arith.constant 1 : i32
      scf.for %scan3A_392 = %scan3A_147 to %scan3A_149 step %scan3A_150  : i32 {
        %scan3A_393 = arith.constant 0 : i32
        %scan3A_394 = arith.constant 0 : i32
        %scan3A_395 = arith.constant 128 : i32
        %scan3A_396 = arith.addi %scan3A_394, %scan3A_395 : i32
        %scan3A_397 = arith.constant 16 : i32
        scf.for %scan3A_399 = %scan3A_394 to %scan3A_396 step %scan3A_397  : i32 {
          %mul3A_400 = arith.constant 16 : i32
          %mul3A_401 = arith.muli %scan3A_399, %mul3A_400 : i32
          %get3A = arith.index_cast %scan3A_392 : i32 to index
          %get3A_402 = arith.index_cast %mul3A_401 : i32 to index
          %get3A_403 = tpu.vector_load %arg8[%get3A, %get3A_402] {strides = array<i32>} : memref<4x2048xf32, #tpu.memory_space<vmem>>, vector<1x16xf32>,
          %get3A_404 = vector.shape_cast %get3A_403 : vector<1x16xf32> to vector<16xf32>
          %swap3A = arith.index_cast %scan3A_392 : i32 to index
          %swap3A_405 = arith.index_cast %mul3A_401 : i32 to index
          %swap3A_406 = tpu.vector_load %arg12[%swap3A, %swap3A_405] {strides = array<i32>} : memref<4x2048xf32, #tpu.memory_space<vmem>>, vector<1x16xf32>,
          %swap3A_407 = vector.shape_cast %swap3A_406 : vector<1x16xf32> to vector<16xf32>
          %swap3A_408 = vector.shape_cast %get3A_404 : vector<16xf32> to vector<1x16xf32>
          tpu.vector_store %arg12[%swap3A, %swap3A_405], %swap3A_408 {add = true, strides = array<i32>} : memref<4x2048xf32, #tpu.memory_space<vmem>>, vector<1x16xf32>,
          %scan3A_409 = arith.constant 1 : i32
          %scan3A_410 = arith.addi %scan3A_399, %scan3A_409 : i32
          %mul3A_411 = arith.constant 16 : i32
          %mul3A_412 = arith.muli %scan3A_410, %mul3A_411 : i32
          %get3A_413 = arith.index_cast %scan3A_392 : i32 to index
          %get3A_414 = arith.index_cast %mul3A_412 : i32 to index
          %get3A_415 = tpu.vector_load %arg8[%get3A_413, %get3A_414] {strides = array<i32>} : memref<4x2048xf32, #tpu.memory_space<vmem>>, vector<1x16xf32>,
          %get3A_416 = vector.shape_cast %get3A_415 : vector<1x16xf32> to vector<16xf32>
          %swap3A_417 = arith.index_cast %scan3A_392 : i32 to index
          %swap3A_418 = arith.index_cast %mul3A_412 : i32 to index
          %swap3A_419 = tpu.vector_load %arg12[%swap3A_417, %swap3A_418] {strides = array<i32>} : memref<4x2048xf32, #tpu.memory_space<vmem>>, vector<1x16xf32>,
          %swap3A_420 = vector.shape_cast %swap3A_419 : vector<1x16xf32> to vector<16xf32>
          %swap3A_421 = vector.shape_cast %get3A_416 : vector<16xf32> to vector<1x16xf32>
          tpu.vector_store %arg12[%swap3A_417, %swap3A_418], %swap3A_421 {add = true, strides = array<i32>} : memref<4x2048xf32, #tpu.memory_space<vmem>>, vector<1x16xf32>,
          %scan3A_422 = arith.constant 2 : i32
          %scan3A_423 = arith.addi %scan3A_399, %scan3A_422 : i32
          %mul3A_424 = arith.constant 16 : i32
          %mul3A_425 = arith.muli %scan3A_423, %mul3A_424 : i32
          %get3A_426 = arith.index_cast %scan3A_392 : i32 to index
          %get3A_427 = arith.index_cast %mul3A_425 : i32 to index
          %get3A_428 = tpu.vector_load %arg8[%get3A_426, %get3A_427] {strides = array<i32>} : memref<4x2048xf32, #tpu.memory_space<vmem>>, vector<1x16xf32>,
          %get3A_429 = vector.shape_cast %get3A_428 : vector<1x16xf32> to vector<16xf32>
          %swap3A_430 = arith.index_cast %scan3A_392 : i32 to index
          %swap3A_431 = arith.index_cast %mul3A_425 : i32 to index
          %swap3A_432 = tpu.vector_load %arg12[%swap3A_430, %swap3A_431] {strides = array<i32>} : memref<4x2048xf32, #tpu.memory_space<vmem>>, vector<1x16xf32>,
          %swap3A_433 = vector.shape_cast %swap3A_432 : vector<1x16xf32> to vector<16xf32>
          %swap3A_434 = vector.shape_cast %get3A_429 : vector<16xf32> to vector<1x16xf32>
          tpu.vector_store %arg12[%swap3A_430, %swap3A_431], %swap3A_434 {add = true, strides = array<i32>} : memref<4x2048xf32, #tpu.memory_space<vmem>>, vector<1x16xf32>,
          %scan3A_435 = arith.constant 3 : i32
          %scan3A_436 = arith.addi %scan3A_399, %scan3A_435 : i32
          %mul3A_437 = arith.constant 16 : i32
          %mul3A_438 = arith.muli %scan3A_436, %mul3A_437 : i32
          %get3A_439 = arith.index_cast %scan3A_392 : i32 to index
          %get3A_440 = arith.index_cast %mul3A_438 : i32 to index
          %get3A_441 = tpu.vector_load %arg8[%get3A_439, %get3A_440] {strides = array<i32>} : memref<4x2048xf32, #tpu.memory_space<vmem>>, vector<1x16xf32>,
          %get3A_442 = vector.shape_cast %get3A_441 : vector<1x16xf32> to vector<16xf32>
          %swap3A_443 = arith.index_cast %scan3A_392 : i32 to index
          %swap3A_444 = arith.index_cast %mul3A_438 : i32 to index
          %swap3A_445 = tpu.vector_load %arg12[%swap3A_443, %swap3A_444] {strides = array<i32>} : memref<4x2048xf32, #tpu.memory_space<vmem>>, vector<1x16xf32>,
          %swap3A_446 = vector.shape_cast %swap3A_445 : vector<1x16xf32> to vector<16xf32>
          %swap3A_447 = vector.shape_cast %get3A_442 : vector<16xf32> to vector<1x16xf32>
          tpu.vector_store %arg12[%swap3A_443, %swap3A_444], %swap3A_447 {add = true, strides = array<i32>} : memref<4x2048xf32, #tpu.memory_space<vmem>>, vector<1x16xf32>,
          %scan3A_448 = arith.constant 4 : i32
          %scan3A_449 = arith.addi %scan3A_399, %scan3A_448 : i32
          %mul3A_450 = arith.constant 16 : i32
          %mul3A_451 = arith.muli %scan3A_449, %mul3A_450 : i32
          %get3A_452 = arith.index_cast %scan3A_392 : i32 to index
          %get3A_453 = arith.index_cast %mul3A_451 : i32 to index
          %get3A_454 = tpu.vector_load %arg8[%get3A_452, %get3A_453] {strides = array<i32>} : memref<4x2048xf32, #tpu.memory_space<vmem>>, vector<1x16xf32>,
          %get3A_455 = vector.shape_cast %get3A_454 : vector<1x16xf32> to vector<16xf32>
          %swap3A_456 = arith.index_cast %scan3A_392 : i32 to index
          %swap3A_457 = arith.index_cast %mul3A_451 : i32 to index
          %swap3A_458 = tpu.vector_load %arg12[%swap3A_456, %swap3A_457] {strides = array<i32>} : memref<4x2048xf32, #tpu.memory_space<vmem>>, vector<1x16xf32>,
          %swap3A_459 = vector.shape_cast %swap3A_458 : vector<1x16xf32> to vector<16xf32>
          %swap3A_460 = vector.shape_cast %get3A_455 : vector<16xf32> to vector<1x16xf32>
          tpu.vector_store %arg12[%swap3A_456, %swap3A_457], %swap3A_460 {add = true, strides = array<i32>} : memref<4x2048xf32, #tpu.memory_space<vmem>>, vector<1x16xf32>,
          %scan3A_461 = arith.constant 5 : i32
          %scan3A_462 = arith.addi %scan3A_399, %scan3A_461 : i32
          %mul3A_463 = arith.constant 16 : i32
          %mul3A_464 = arith.muli %scan3A_462, %mul3A_463 : i32
          %get3A_465 = arith.index_cast %scan3A_392 : i32 to index
          %get3A_466 = arith.index_cast %mul3A_464 : i32 to index
          %get3A_467 = tpu.vector_load %arg8[%get3A_465, %get3A_466] {strides = array<i32>} : memref<4x2048xf32, #tpu.memory_space<vmem>>, vector<1x16xf32>,
          %get3A_468 = vector.shape_cast %get3A_467 : vector<1x16xf32> to vector<16xf32>
          %swap3A_469 = arith.index_cast %scan3A_392 : i32 to index
          %swap3A_470 = arith.index_cast %mul3A_464 : i32 to index
          %swap3A_471 = tpu.vector_load %arg12[%swap3A_469, %swap3A_470] {strides = array<i32>} : memref<4x2048xf32, #tpu.memory_space<vmem>>, vector<1x16xf32>,
          %swap3A_472 = vector.shape_cast %swap3A_471 : vector<1x16xf32> to vector<16xf32>
          %swap3A_473 = vector.shape_cast %get3A_468 : vector<16xf32> to vector<1x16xf32>
          tpu.vector_store %arg12[%swap3A_469, %swap3A_470], %swap3A_473 {add = true, strides = array<i32>} : memref<4x2048xf32, #tpu.memory_space<vmem>>, vector<1x16xf32>,
          %scan3A_474 = arith.constant 6 : i32
          %scan3A_475 = arith.addi %scan3A_399, %scan3A_474 : i32
          %mul3A_476 = arith.constant 16 : i32
          %mul3A_477 = arith.muli %scan3A_475, %mul3A_476 : i32
          %get3A_478 = arith.index_cast %scan3A_392 : i32 to index
          %get3A_479 = arith.index_cast %mul3A_477 : i32 to index
          %get3A_480 = tpu.vector_load %arg8[%get3A_478, %get3A_479] {strides = array<i32>} : memref<4x2048xf32, #tpu.memory_space<vmem>>, vector<1x16xf32>,
          %get3A_481 = vector.shape_cast %get3A_480 : vector<1x16xf32> to vector<16xf32>
          %swap3A_482 = arith.index_cast %scan3A_392 : i32 to index
          %swap3A_483 = arith.index_cast %mul3A_477 : i32 to index
          %swap3A_484 = tpu.vector_load %arg12[%swap3A_482, %swap3A_483] {strides = array<i32>} : memref<4x2048xf32, #tpu.memory_space<vmem>>, vector<1x16xf32>,
          %swap3A_485 = vector.shape_cast %swap3A_484 : vector<1x16xf32> to vector<16xf32>
          %swap3A_486 = vector.shape_cast %get3A_481 : vector<16xf32> to vector<1x16xf32>
          tpu.vector_store %arg12[%swap3A_482, %swap3A_483], %swap3A_486 {add = true, strides = array<i32>} : memref<4x2048xf32, #tpu.memory_space<vmem>>, vector<1x16xf32>,
          %scan3A_487 = arith.constant 7 : i32
          %scan3A_488 = arith.addi %scan3A_399, %scan3A_487 : i32
          %mul3A_489 = arith.constant 16 : i32
          %mul3A_490 = arith.muli %scan3A_488, %mul3A_489 : i32
          %get3A_491 = arith.index_cast %scan3A_392 : i32 to index
          %get3A_492 = arith.index_cast %mul3A_490 : i32 to index
          %get3A_493 = tpu.vector_load %arg8[%get3A_491, %get3A_492] {strides = array<i32>} : memref<4x2048xf32, #tpu.memory_space<vmem>>, vector<1x16xf32>,
          %get3A_494 = vector.shape_cast %get3A_493 : vector<1x16xf32> to vector<16xf32>
          %swap3A_495 = arith.index_cast %scan3A_392 : i32 to index
          %swap3A_496 = arith.index_cast %mul3A_490 : i32 to index
          %swap3A_497 = tpu.vector_load %arg12[%swap3A_495, %swap3A_496] {strides = array<i32>} : memref<4x2048xf32, #tpu.memory_space<vmem>>, vector<1x16xf32>,
          %swap3A_498 = vector.shape_cast %swap3A_497 : vector<1x16xf32> to vector<16xf32>
          %swap3A_499 = vector.shape_cast %get3A_494 : vector<16xf32> to vector<1x16xf32>
          tpu.vector_store %arg12[%swap3A_495, %swap3A_496], %swap3A_499 {add = true, strides = array<i32>} : memref<4x2048xf32, #tpu.memory_space<vmem>>, vector<1x16xf32>,
          %scan3A_500 = arith.constant 8 : i32
          %scan3A_501 = arith.addi %scan3A_399, %scan3A_500 : i32
          %mul3A_502 = arith.constant 16 : i32
          %mul3A_503 = arith.muli %scan3A_501, %mul3A_502 : i32
          %get3A_504 = arith.index_cast %scan3A_392 : i32 to index
          %get3A_505 = arith.index_cast %mul3A_503 : i32 to index
          %get3A_506 = tpu.vector_load %arg8[%get3A_504, %get3A_505] {strides = array<i32>} : memref<4x2048xf32, #tpu.memory_space<vmem>>, vector<1x16xf32>,
          %get3A_507 = vector.shape_cast %get3A_506 : vector<1x16xf32> to vector<16xf32>
          %swap3A_508 = arith.index_cast %scan3A_392 : i32 to index
          %swap3A_509 = arith.index_cast %mul3A_503 : i32 to index
          %swap3A_510 = tpu.vector_load %arg12[%swap3A_508, %swap3A_509] {strides = array<i32>} : memref<4x2048xf32, #tpu.memory_space<vmem>>, vector<1x16xf32>,
          %swap3A_511 = vector.shape_cast %swap3A_510 : vector<1x16xf32> to vector<16xf32>
          %swap3A_512 = vector.shape_cast %get3A_507 : vector<16xf32> to vector<1x16xf32>
          tpu.vector_store %arg12[%swap3A_508, %swap3A_509], %swap3A_512 {add = true, strides = array<i32>} : memref<4x2048xf32, #tpu.memory_space<vmem>>, vector<1x16xf32>,
          %scan3A_513 = arith.constant 9 : i32
          %scan3A_514 = arith.addi %scan3A_399, %scan3A_513 : i32
          %mul3A_515 = arith.constant 16 : i32
          %mul3A_516 = arith.muli %scan3A_514, %mul3A_515 : i32
          %get3A_517 = arith.index_cast %scan3A_392 : i32 to index
          %get3A_518 = arith.index_cast %mul3A_516 : i32 to index
          %get3A_519 = tpu.vector_load %arg8[%get3A_517, %get3A_518] {strides = array<i32>} : memref<4x2048xf32, #tpu.memory_space<vmem>>, vector<1x16xf32>,
          %get3A_520 = vector.shape_cast %get3A_519 : vector<1x16xf32> to vector<16xf32>
          %swap3A_521 = arith.index_cast %scan3A_392 : i32 to index
          %swap3A_522 = arith.index_cast %mul3A_516 : i32 to index
          %swap3A_523 = tpu.vector_load %arg12[%swap3A_521, %swap3A_522] {strides = array<i32>} : memref<4x2048xf32, #tpu.memory_space<vmem>>, vector<1x16xf32>,
          %swap3A_524 = vector.shape_cast %swap3A_523 : vector<1x16xf32> to vector<16xf32>
          %swap3A_525 = vector.shape_cast %get3A_520 : vector<16xf32> to vector<1x16xf32>
          tpu.vector_store %arg12[%swap3A_521, %swap3A_522], %swap3A_525 {add = true, strides = array<i32>} : memref<4x2048xf32, #tpu.memory_space<vmem>>, vector<1x16xf32>,
          %scan3A_526 = arith.constant 10 : i32
          %scan3A_527 = arith.addi %scan3A_399, %scan3A_526 : i32
          %mul3A_528 = arith.constant 16 : i32
          %mul3A_529 = arith.muli %scan3A_527, %mul3A_528 : i32
          %get3A_530 = arith.index_cast %scan3A_392 : i32 to index
          %get3A_531 = arith.index_cast %mul3A_529 : i32 to index
          %get3A_532 = tpu.vector_load %arg8[%get3A_530, %get3A_531] {strides = array<i32>} : memref<4x2048xf32, #tpu.memory_space<vmem>>, vector<1x16xf32>,
          %get3A_533 = vector.shape_cast %get3A_532 : vector<1x16xf32> to vector<16xf32>
          %swap3A_534 = arith.index_cast %scan3A_392 : i32 to index
          %swap3A_535 = arith.index_cast %mul3A_529 : i32 to index
          %swap3A_536 = tpu.vector_load %arg12[%swap3A_534, %swap3A_535] {strides = array<i32>} : memref<4x2048xf32, #tpu.memory_space<vmem>>, vector<1x16xf32>,
          %swap3A_537 = vector.shape_cast %swap3A_536 : vector<1x16xf32> to vector<16xf32>
          %swap3A_538 = vector.shape_cast %get3A_533 : vector<16xf32> to vector<1x16xf32>
          tpu.vector_store %arg12[%swap3A_534, %swap3A_535], %swap3A_538 {add = true, strides = array<i32>} : memref<4x2048xf32, #tpu.memory_space<vmem>>, vector<1x16xf32>,
          %scan3A_539 = arith.constant 11 : i32
          %scan3A_540 = arith.addi %scan3A_399, %scan3A_539 : i32
          %mul3A_541 = arith.constant 16 : i32
          %mul3A_542 = arith.muli %scan3A_540, %mul3A_541 : i32
          %get3A_543 = arith.index_cast %scan3A_392 : i32 to index
          %get3A_544 = arith.index_cast %mul3A_542 : i32 to index
          %get3A_545 = tpu.vector_load %arg8[%get3A_543, %get3A_544] {strides = array<i32>} : memref<4x2048xf32, #tpu.memory_space<vmem>>, vector<1x16xf32>,
          %get3A_546 = vector.shape_cast %get3A_545 : vector<1x16xf32> to vector<16xf32>
          %swap3A_547 = arith.index_cast %scan3A_392 : i32 to index
          %swap3A_548 = arith.index_cast %mul3A_542 : i32 to index
          %swap3A_549 = tpu.vector_load %arg12[%swap3A_547, %swap3A_548] {strides = array<i32>} : memref<4x2048xf32, #tpu.memory_space<vmem>>, vector<1x16xf32>,
          %swap3A_550 = vector.shape_cast %swap3A_549 : vector<1x16xf32> to vector<16xf32>
          %swap3A_551 = vector.shape_cast %get3A_546 : vector<16xf32> to vector<1x16xf32>
          tpu.vector_store %arg12[%swap3A_547, %swap3A_548], %swap3A_551 {add = true, strides = array<i32>} : memref<4x2048xf32, #tpu.memory_space<vmem>>, vector<1x16xf32>,
          %scan3A_552 = arith.constant 12 : i32
          %scan3A_553 = arith.addi %scan3A_399, %scan3A_552 : i32
          %mul3A_554 = arith.constant 16 : i32
          %mul3A_555 = arith.muli %scan3A_553, %mul3A_554 : i32
          %get3A_556 = arith.index_cast %scan3A_392 : i32 to index
          %get3A_557 = arith.index_cast %mul3A_555 : i32 to index
          %get3A_558 = tpu.vector_load %arg8[%get3A_556, %get3A_557] {strides = array<i32>} : memref<4x2048xf32, #tpu.memory_space<vmem>>, vector<1x16xf32>,
          %get3A_559 = vector.shape_cast %get3A_558 : vector<1x16xf32> to vector<16xf32>
          %swap3A_560 = arith.index_cast %scan3A_392 : i32 to index
          %swap3A_561 = arith.index_cast %mul3A_555 : i32 to index
          %swap3A_562 = tpu.vector_load %arg12[%swap3A_560, %swap3A_561] {strides = array<i32>} : memref<4x2048xf32, #tpu.memory_space<vmem>>, vector<1x16xf32>,
          %swap3A_563 = vector.shape_cast %swap3A_562 : vector<1x16xf32> to vector<16xf32>
          %swap3A_564 = vector.shape_cast %get3A_559 : vector<16xf32> to vector<1x16xf32>
          tpu.vector_store %arg12[%swap3A_560, %swap3A_561], %swap3A_564 {add = true, strides = array<i32>} : memref<4x2048xf32, #tpu.memory_space<vmem>>, vector<1x16xf32>,
          %scan3A_565 = arith.constant 13 : i32
          %scan3A_566 = arith.addi %scan3A_399, %scan3A_565 : i32
          %mul3A_567 = arith.constant 16 : i32
          %mul3A_568 = arith.muli %scan3A_566, %mul3A_567 : i32
          %get3A_569 = arith.index_cast %scan3A_392 : i32 to index
          %get3A_570 = arith.index_cast %mul3A_568 : i32 to index
          %get3A_571 = tpu.vector_load %arg8[%get3A_569, %get3A_570] {strides = array<i32>} : memref<4x2048xf32, #tpu.memory_space<vmem>>, vector<1x16xf32>,
          %get3A_572 = vector.shape_cast %get3A_571 : vector<1x16xf32> to vector<16xf32>
          %swap3A_573 = arith.index_cast %scan3A_392 : i32 to index
          %swap3A_574 = arith.index_cast %mul3A_568 : i32 to index
          %swap3A_575 = tpu.vector_load %arg12[%swap3A_573, %swap3A_574] {strides = array<i32>} : memref<4x2048xf32, #tpu.memory_space<vmem>>, vector<1x16xf32>,
          %swap3A_576 = vector.shape_cast %swap3A_575 : vector<1x16xf32> to vector<16xf32>
          %swap3A_577 = vector.shape_cast %get3A_572 : vector<16xf32> to vector<1x16xf32>
          tpu.vector_store %arg12[%swap3A_573, %swap3A_574], %swap3A_577 {add = true, strides = array<i32>} : memref<4x2048xf32, #tpu.memory_space<vmem>>, vector<1x16xf32>,
          %scan3A_578 = arith.constant 14 : i32
          %scan3A_579 = arith.addi %scan3A_399, %scan3A_578 : i32
          %mul3A_580 = arith.constant 16 : i32
          %mul3A_581 = arith.muli %scan3A_579, %mul3A_580 : i32
          %get3A_582 = arith.index_cast %scan3A_392 : i32 to index
          %get3A_583 = arith.index_cast %mul3A_581 : i32 to index
          %get3A_584 = tpu.vector_load %arg8[%get3A_582, %get3A_583] {strides = array<i32>} : memref<4x2048xf32, #tpu.memory_space<vmem>>, vector<1x16xf32>,
          %get3A_585 = vector.shape_cast %get3A_584 : vector<1x16xf32> to vector<16xf32>
          %swap3A_586 = arith.index_cast %scan3A_392 : i32 to index
          %swap3A_587 = arith.index_cast %mul3A_581 : i32 to index
          %swap3A_588 = tpu.vector_load %arg12[%swap3A_586, %swap3A_587] {strides = array<i32>} : memref<4x2048xf32, #tpu.memory_space<vmem>>, vector<1x16xf32>,
          %swap3A_589 = vector.shape_cast %swap3A_588 : vector<1x16xf32> to vector<16xf32>
          %swap3A_590 = vector.shape_cast %get3A_585 : vector<16xf32> to vector<1x16xf32>
          tpu.vector_store %arg12[%swap3A_586, %swap3A_587], %swap3A_590 {add = true, strides = array<i32>} : memref<4x2048xf32, #tpu.memory_space<vmem>>, vector<1x16xf32>,
          %scan3A_591 = arith.constant 15 : i32
          %scan3A_592 = arith.addi %scan3A_399, %scan3A_591 : i32
          %mul3A_593 = arith.constant 16 : i32
          %mul3A_594 = arith.muli %scan3A_592, %mul3A_593 : i32
          %get3A_595 = arith.index_cast %scan3A_392 : i32 to index
          %get3A_596 = arith.index_cast %mul3A_594 : i32 to index
          %get3A_597 = tpu.vector_load %arg8[%get3A_595, %get3A_596] {strides = array<i32>} : memref<4x2048xf32, #tpu.memory_space<vmem>>, vector<1x16xf32>,
          %get3A_598 = vector.shape_cast %get3A_597 : vector<1x16xf32> to vector<16xf32>
          %swap3A_599 = arith.index_cast %scan3A_392 : i32 to index
          %swap3A_600 = arith.index_cast %mul3A_594 : i32 to index
          %swap3A_601 = tpu.vector_load %arg12[%swap3A_599, %swap3A_600] {strides = array<i32>} : memref<4x2048xf32, #tpu.memory_space<vmem>>, vector<1x16xf32>,
          %swap3A_602 = vector.shape_cast %swap3A_601 : vector<1x16xf32> to vector<16xf32>
          %swap3A_603 = vector.shape_cast %get3A_598 : vector<16xf32> to vector<1x16xf32>
          tpu.vector_store %arg12[%swap3A_599, %swap3A_600], %swap3A_603 {add = true, strides = array<i32>} : memref<4x2048xf32, #tpu.memory_space<vmem>>, vector<1x16xf32>,
        }
        %scan3A_398 = arith.constant 128 : i32
      }
      %scan3A_151 = arith.constant 4 : i32
      %mul3A_152 = arith.constant 4 : i32
      %mul3A_153 = arith.muli %add3A_129, %mul3A_152 : i32
      %add3A_154 = arith.addi %mul3A_2, %mul3A_153 : i32
      %dma_start3A_155 = arith.constant 0 : i32
      %dma_start3A_156 = tpu.memref_slice %arg5[%add3A_154, %dma_start3A_155] : memref<16384x2048xf32, #tpu.memory_space<hbm>> -> memref<4x2048xf32, #tpu.memory_space<hbm>>
      %dma_start3A_157 = arith.constant 0 : i32
      %dma_start3A_158 = tpu.memref_slice %arg5[%add3A_154, %dma_start3A_157] : memref<16384x2048xf32, #tpu.memory_space<hbm>> -> memref<4x2048xf32, #tpu.memory_space<hbm>>
      tpu.enqueue_dma source(%arg12 : memref<4x2048xf32, #tpu.memory_space<vmem>>) target(%dma_start3A_158 : memref<4x2048xf32, #tpu.memory_space<hbm>>) target_semaphore(%arg32 : memref<!tpu.dma_semaphore, #tpu.memory_space<semaphore_mem>>)
      %lt3A_159 = arith.constant 124 : i32
      %lt3A_160 = arith.cmpi slt, %add3A_129, %lt3A_159 : i32
      %convert_element_type3A_161 = arith.extui %lt3A_160 : i1 to i32
      %cond3A_162 = arith.constant 0 : i32
      %cond3A_163 = arith.cmpi ne, %convert_element_type3A_161, %cond3A_162 : i32
      scf.if %cond3A_163 {
        %add3A_392 = arith.constant 4 : i32
        %add3A_393 = arith.addi %add3A_129, %add3A_392 : i32
        %mul3A_394 = arith.constant 4 : i32
        %mul3A_395 = arith.muli %add3A_393, %mul3A_394 : i32
        %add3A_396 = arith.addi %mul3A_2, %mul3A_395 : i32
        %dma_start3A_397 = arith.constant 0 : i32
        %dma_start3A_398 = tpu.memref_slice %arg2[%add3A_396, %dma_start3A_397] : memref<16384x2048xf32, #tpu.memory_space<hbm>> -> memref<4x2048xf32, #tpu.memory_space<hbm>>
        %dma_start3A_399 = arith.constant 0 : i32
        %dma_start3A_400 = tpu.memref_slice %arg2[%add3A_396, %dma_start3A_399] : memref<16384x2048xf32, #tpu.memory_space<hbm>> -> memref<4x2048xf32, #tpu.memory_space<hbm>>
        tpu.enqueue_dma source(%dma_start3A_400 : memref<4x2048xf32, #tpu.memory_space<hbm>>) target(%arg8 : memref<4x2048xf32, #tpu.memory_space<vmem>>) target_semaphore(%arg20 : memref<!tpu.dma_semaphore, #tpu.memory_space<semaphore_mem>>)
      } else {
      }
      %mul3A_164 = arith.constant 8 : i32
      %mul3A_165 = arith.muli %scan3A_90, %mul3A_164 : i32
      %add3A_166 = arith.constant 2 : i32
      %add3A_167 = arith.addi %mul3A_165, %add3A_166 : i32
      %dma_wait3A_168 = arith.constant 0 : i32
      %dma_wait3A_169 = tpu.memref_slice %arg2[%mul3A_2, %dma_wait3A_168] : memref<16384x2048xf32, #tpu.memory_space<hbm>> -> memref<4x2048xf32, #tpu.memory_space<hbm>>
      %dma_wait3A_170 = arith.constant 0 : i32
      %dma_wait3A_171 = tpu.memref_slice %arg2[%mul3A_2, %dma_wait3A_170] : memref<16384x2048xf32, #tpu.memory_space<hbm>> -> memref<4x2048xf32, #tpu.memory_space<hbm>>
      tpu.wait_dma2 semaphore(%arg21 : memref<!tpu.dma_semaphore, #tpu.memory_space<semaphore_mem>>) src(%dma_wait3A_171 : memref<4x2048xf32, #tpu.memory_space<hbm>>) dst(%arg9 : memref<4x2048xf32, #tpu.memory_space<vmem>>)
      %dma_wait3A_172 = arith.constant 0 : i32
      %dma_wait3A_173 = arith.constant 0 : i32
      %dma_wait3A_174 = tpu.memref_slice %arg6[%dma_wait3A_172, %dma_wait3A_173] : memref<128x4xi32, #tpu.memory_space<vmem>> -> memref<1x4xi32, #tpu.memory_space<vmem>>
      %dma_wait3A_175 = tpu.memref_squeeze %dma_wait3A_174 : memref<1x4xi32, #tpu.memory_space<vmem>> -> memref<4xi32, #tpu.memory_space<vmem>>
      %dma_wait3A_176 = arith.constant 0 : i32
      %dma_wait3A_177 = arith.constant 0 : i32
      %dma_wait3A_178 = tpu.memref_slice %arg4[%dma_wait3A_176, %dma_wait3A_177] : memref<8192x2048xf32, #tpu.memory_space<hbm>> -> memref<8192x2048xf32, #tpu.memory_space<hbm>>
      tpu.wait_indirect_dma semaphore(%arg25 : memref<!tpu.dma_semaphore, #tpu.memory_space<semaphore_mem>>) src(%dma_wait3A_178 : memref<8192x2048xf32, #tpu.memory_space<hbm>>) dst(%arg13 : memref<4x2048xf32, #tpu.memory_space<vmem>>)
      %lt3A_179 = arith.constant 124 : i32
      %lt3A_180 = arith.cmpi slt, %add3A_167, %lt3A_179 : i32
      %convert_element_type3A_181 = arith.extui %lt3A_180 : i1 to i32
      %cond3A_182 = arith.constant 0 : i32
      %cond3A_183 = arith.cmpi ne, %convert_element_type3A_181, %cond3A_182 : i32
      scf.if %cond3A_183 {
        %ge3A = arith.constant 4 : i32
        %ge3A_392 = arith.cmpi sge, %add3A_167, %ge3A : i32
        %convert_element_type3A_393 = arith.extui %ge3A_392 : i1 to i32
        %cond3A_394 = arith.constant 0 : i32
        %cond3A_395 = arith.cmpi ne, %convert_element_type3A_393, %cond3A_394 : i32
        scf.if %cond3A_395 {
          %dma_wait3A_404 = arith.constant 0 : i32
          %dma_wait3A_405 = tpu.memref_slice %arg5[%mul3A_2, %dma_wait3A_404] : memref<16384x2048xf32, #tpu.memory_space<hbm>> -> memref<4x2048xf32, #tpu.memory_space<hbm>>
          %dma_wait3A_406 = arith.constant 0 : i32
          %dma_wait3A_407 = tpu.memref_slice %arg5[%mul3A_2, %dma_wait3A_406] : memref<16384x2048xf32, #tpu.memory_space<hbm>> -> memref<4x2048xf32, #tpu.memory_space<hbm>>
          tpu.wait_dma2 semaphore(%arg37 : memref<!tpu.dma_semaphore, #tpu.memory_space<semaphore_mem>>) src(%arg17 : memref<4x2048xf32, #tpu.memory_space<vmem>>) dst(%dma_wait3A_407 : memref<4x2048xf32, #tpu.memory_space<hbm>>)
        } else {
        }
        %add3A_396 = arith.constant 4 : i32
        %add3A_397 = arith.addi %add3A_167, %add3A_396 : i32
        %dma_start3A_398 = arith.constant 0 : i32
        %dma_start3A_399 = tpu.memref_slice %arg6[%add3A_397, %dma_start3A_398] : memref<128x4xi32, #tpu.memory_space<vmem>> -> memref<1x4xi32, #tpu.memory_space<vmem>>
        %dma_start3A_400 = tpu.memref_squeeze %dma_start3A_399 : memref<1x4xi32, #tpu.memory_space<vmem>> -> memref<4xi32, #tpu.memory_space<vmem>>
        %dma_start3A_401 = arith.constant 0 : i32
        %dma_start3A_402 = arith.constant 0 : i32
        %dma_start3A_403 = tpu.memref_slice %arg4[%dma_start3A_401, %dma_start3A_402] : memref<8192x2048xf32, #tpu.memory_space<hbm>> -> memref<8192x2048xf32, #tpu.memory_space<hbm>>
        tpu.enqueue_indirect_dma source(%dma_start3A_403 : memref<8192x2048xf32, #tpu.memory_space<hbm>>) target(%arg17 : memref<4x2048xf32, #tpu.memory_space<vmem>>) offsets(%dma_start3A_400 : memref<4xi32, #tpu.memory_space<vmem>>) semaphore(%arg29 : memref<!tpu.dma_semaphore, #tpu.memory_space<semaphore_mem>>)
      } else {
      }
      %scan3A_184 = arith.constant 0 : i32
      %scan3A_185 = arith.constant 0 : i32
      %scan3A_186 = arith.constant 4 : i32
      %scan3A_187 = arith.addi %scan3A_185, %scan3A_186 : i32
      %scan3A_188 = arith.constant 1 : i32
      scf.for %scan3A_392 = %scan3A_185 to %scan3A_187 step %scan3A_188  : i32 {
        %scan3A_393 = arith.constant 0 : i32
        %scan3A_394 = arith.constant 0 : i32
        %scan3A_395 = arith.constant 128 : i32
        %scan3A_396 = arith.addi %scan3A_394, %scan3A_395 : i32
        %scan3A_397 = arith.constant 16 : i32
        scf.for %scan3A_399 = %scan3A_394 to %scan3A_396 step %scan3A_397  : i32 {
          %mul3A_400 = arith.constant 16 : i32
          %mul3A_401 = arith.muli %scan3A_399, %mul3A_400 : i32
          %get3A = arith.index_cast %scan3A_392 : i32 to index
          %get3A_402 = arith.index_cast %mul3A_401 : i32 to index
          %get3A_403 = tpu.vector_load %arg9[%get3A, %get3A_402] {strides = array<i32>} : memref<4x2048xf32, #tpu.memory_space<vmem>>, vector<1x16xf32>,
          %get3A_404 = vector.shape_cast %get3A_403 : vector<1x16xf32> to vector<16xf32>
          %swap3A = arith.index_cast %scan3A_392 : i32 to index
          %swap3A_405 = arith.index_cast %mul3A_401 : i32 to index
          %swap3A_406 = tpu.vector_load %arg13[%swap3A, %swap3A_405] {strides = array<i32>} : memref<4x2048xf32, #tpu.memory_space<vmem>>, vector<1x16xf32>,
          %swap3A_407 = vector.shape_cast %swap3A_406 : vector<1x16xf32> to vector<16xf32>
          %swap3A_408 = vector.shape_cast %get3A_404 : vector<16xf32> to vector<1x16xf32>
          tpu.vector_store %arg13[%swap3A, %swap3A_405], %swap3A_408 {add = true, strides = array<i32>} : memref<4x2048xf32, #tpu.memory_space<vmem>>, vector<1x16xf32>,
          %scan3A_409 = arith.constant 1 : i32
          %scan3A_410 = arith.addi %scan3A_399, %scan3A_409 : i32
          %mul3A_411 = arith.constant 16 : i32
          %mul3A_412 = arith.muli %scan3A_410, %mul3A_411 : i32
          %get3A_413 = arith.index_cast %scan3A_392 : i32 to index
          %get3A_414 = arith.index_cast %mul3A_412 : i32 to index
          %get3A_415 = tpu.vector_load %arg9[%get3A_413, %get3A_414] {strides = array<i32>} : memref<4x2048xf32, #tpu.memory_space<vmem>>, vector<1x16xf32>,
          %get3A_416 = vector.shape_cast %get3A_415 : vector<1x16xf32> to vector<16xf32>
          %swap3A_417 = arith.index_cast %scan3A_392 : i32 to index
          %swap3A_418 = arith.index_cast %mul3A_412 : i32 to index
          %swap3A_419 = tpu.vector_load %arg13[%swap3A_417, %swap3A_418] {strides = array<i32>} : memref<4x2048xf32, #tpu.memory_space<vmem>>, vector<1x16xf32>,
          %swap3A_420 = vector.shape_cast %swap3A_419 : vector<1x16xf32> to vector<16xf32>
          %swap3A_421 = vector.shape_cast %get3A_416 : vector<16xf32> to vector<1x16xf32>
          tpu.vector_store %arg13[%swap3A_417, %swap3A_418], %swap3A_421 {add = true, strides = array<i32>} : memref<4x2048xf32, #tpu.memory_space<vmem>>, vector<1x16xf32>,
          %scan3A_422 = arith.constant 2 : i32
          %scan3A_423 = arith.addi %scan3A_399, %scan3A_422 : i32
          %mul3A_424 = arith.constant 16 : i32
          %mul3A_425 = arith.muli %scan3A_423, %mul3A_424 : i32
          %get3A_426 = arith.index_cast %scan3A_392 : i32 to index
          %get3A_427 = arith.index_cast %mul3A_425 : i32 to index
          %get3A_428 = tpu.vector_load %arg9[%get3A_426, %get3A_427] {strides = array<i32>} : memref<4x2048xf32, #tpu.memory_space<vmem>>, vector<1x16xf32>,
          %get3A_429 = vector.shape_cast %get3A_428 : vector<1x16xf32> to vector<16xf32>
          %swap3A_430 = arith.index_cast %scan3A_392 : i32 to index
          %swap3A_431 = arith.index_cast %mul3A_425 : i32 to index
          %swap3A_432 = tpu.vector_load %arg13[%swap3A_430, %swap3A_431] {strides = array<i32>} : memref<4x2048xf32, #tpu.memory_space<vmem>>, vector<1x16xf32>,
          %swap3A_433 = vector.shape_cast %swap3A_432 : vector<1x16xf32> to vector<16xf32>
          %swap3A_434 = vector.shape_cast %get3A_429 : vector<16xf32> to vector<1x16xf32>
          tpu.vector_store %arg13[%swap3A_430, %swap3A_431], %swap3A_434 {add = true, strides = array<i32>} : memref<4x2048xf32, #tpu.memory_space<vmem>>, vector<1x16xf32>,
          %scan3A_435 = arith.constant 3 : i32
          %scan3A_436 = arith.addi %scan3A_399, %scan3A_435 : i32
          %mul3A_437 = arith.constant 16 : i32
          %mul3A_438 = arith.muli %scan3A_436, %mul3A_437 : i32
          %get3A_439 = arith.index_cast %scan3A_392 : i32 to index
          %get3A_440 = arith.index_cast %mul3A_438 : i32 to index
          %get3A_441 = tpu.vector_load %arg9[%get3A_439, %get3A_440] {strides = array<i32>} : memref<4x2048xf32, #tpu.memory_space<vmem>>, vector<1x16xf32>,
          %get3A_442 = vector.shape_cast %get3A_441 : vector<1x16xf32> to vector<16xf32>
          %swap3A_443 = arith.index_cast %scan3A_392 : i32 to index
          %swap3A_444 = arith.index_cast %mul3A_438 : i32 to index
          %swap3A_445 = tpu.vector_load %arg13[%swap3A_443, %swap3A_444] {strides = array<i32>} : memref<4x2048xf32, #tpu.memory_space<vmem>>, vector<1x16xf32>,
          %swap3A_446 = vector.shape_cast %swap3A_445 : vector<1x16xf32> to vector<16xf32>
          %swap3A_447 = vector.shape_cast %get3A_442 : vector<16xf32> to vector<1x16xf32>
          tpu.vector_store %arg13[%swap3A_443, %swap3A_444], %swap3A_447 {add = true, strides = array<i32>} : memref<4x2048xf32, #tpu.memory_space<vmem>>, vector<1x16xf32>,
          %scan3A_448 = arith.constant 4 : i32
          %scan3A_449 = arith.addi %scan3A_399, %scan3A_448 : i32
          %mul3A_450 = arith.constant 16 : i32
          %mul3A_451 = arith.muli %scan3A_449, %mul3A_450 : i32
          %get3A_452 = arith.index_cast %scan3A_392 : i32 to index
          %get3A_453 = arith.index_cast %mul3A_451 : i32 to index
          %get3A_454 = tpu.vector_load %arg9[%get3A_452, %get3A_453] {strides = array<i32>} : memref<4x2048xf32, #tpu.memory_space<vmem>>, vector<1x16xf32>,
          %get3A_455 = vector.shape_cast %get3A_454 : vector<1x16xf32> to vector<16xf32>
          %swap3A_456 = arith.index_cast %scan3A_392 : i32 to index
          %swap3A_457 = arith.index_cast %mul3A_451 : i32 to index
          %swap3A_458 = tpu.vector_load %arg13[%swap3A_456, %swap3A_457] {strides = array<i32>} : memref<4x2048xf32, #tpu.memory_space<vmem>>, vector<1x16xf32>,
          %swap3A_459 = vector.shape_cast %swap3A_458 : vector<1x16xf32> to vector<16xf32>
          %swap3A_460 = vector.shape_cast %get3A_455 : vector<16xf32> to vector<1x16xf32>
          tpu.vector_store %arg13[%swap3A_456, %swap3A_457], %swap3A_460 {add = true, strides = array<i32>} : memref<4x2048xf32, #tpu.memory_space<vmem>>, vector<1x16xf32>,
          %scan3A_461 = arith.constant 5 : i32
          %scan3A_462 = arith.addi %scan3A_399, %scan3A_461 : i32
          %mul3A_463 = arith.constant 16 : i32
          %mul3A_464 = arith.muli %scan3A_462, %mul3A_463 : i32
          %get3A_465 = arith.index_cast %scan3A_392 : i32 to index
          %get3A_466 = arith.index_cast %mul3A_464 : i32 to index
          %get3A_467 = tpu.vector_load %arg9[%get3A_465, %get3A_466] {strides = array<i32>} : memref<4x2048xf32, #tpu.memory_space<vmem>>, vector<1x16xf32>,
          %get3A_468 = vector.shape_cast %get3A_467 : vector<1x16xf32> to vector<16xf32>
          %swap3A_469 = arith.index_cast %scan3A_392 : i32 to index
          %swap3A_470 = arith.index_cast %mul3A_464 : i32 to index
          %swap3A_471 = tpu.vector_load %arg13[%swap3A_469, %swap3A_470] {strides = array<i32>} : memref<4x2048xf32, #tpu.memory_space<vmem>>, vector<1x16xf32>,
          %swap3A_472 = vector.shape_cast %swap3A_471 : vector<1x16xf32> to vector<16xf32>
          %swap3A_473 = vector.shape_cast %get3A_468 : vector<16xf32> to vector<1x16xf32>
          tpu.vector_store %arg13[%swap3A_469, %swap3A_470], %swap3A_473 {add = true, strides = array<i32>} : memref<4x2048xf32, #tpu.memory_space<vmem>>, vector<1x16xf32>,
          %scan3A_474 = arith.constant 6 : i32
          %scan3A_475 = arith.addi %scan3A_399, %scan3A_474 : i32
          %mul3A_476 = arith.constant 16 : i32
          %mul3A_477 = arith.muli %scan3A_475, %mul3A_476 : i32
          %get3A_478 = arith.index_cast %scan3A_392 : i32 to index
          %get3A_479 = arith.index_cast %mul3A_477 : i32 to index
          %get3A_480 = tpu.vector_load %arg9[%get3A_478, %get3A_479] {strides = array<i32>} : memref<4x2048xf32, #tpu.memory_space<vmem>>, vector<1x16xf32>,
          %get3A_481 = vector.shape_cast %get3A_480 : vector<1x16xf32> to vector<16xf32>
          %swap3A_482 = arith.index_cast %scan3A_392 : i32 to index
          %swap3A_483 = arith.index_cast %mul3A_477 : i32 to index
          %swap3A_484 = tpu.vector_load %arg13[%swap3A_482, %swap3A_483] {strides = array<i32>} : memref<4x2048xf32, #tpu.memory_space<vmem>>, vector<1x16xf32>,
          %swap3A_485 = vector.shape_cast %swap3A_484 : vector<1x16xf32> to vector<16xf32>
          %swap3A_486 = vector.shape_cast %get3A_481 : vector<16xf32> to vector<1x16xf32>
          tpu.vector_store %arg13[%swap3A_482, %swap3A_483], %swap3A_486 {add = true, strides = array<i32>} : memref<4x2048xf32, #tpu.memory_space<vmem>>, vector<1x16xf32>,
          %scan3A_487 = arith.constant 7 : i32
          %scan3A_488 = arith.addi %scan3A_399, %scan3A_487 : i32
          %mul3A_489 = arith.constant 16 : i32
          %mul3A_490 = arith.muli %scan3A_488, %mul3A_489 : i32
          %get3A_491 = arith.index_cast %scan3A_392 : i32 to index
          %get3A_492 = arith.index_cast %mul3A_490 : i32 to index
          %get3A_493 = tpu.vector_load %arg9[%get3A_491, %get3A_492] {strides = array<i32>} : memref<4x2048xf32, #tpu.memory_space<vmem>>, vector<1x16xf32>,
          %get3A_494 = vector.shape_cast %get3A_493 : vector<1x16xf32> to vector<16xf32>
          %swap3A_495 = arith.index_cast %scan3A_392 : i32 to index
          %swap3A_496 = arith.index_cast %mul3A_490 : i32 to index
          %swap3A_497 = tpu.vector_load %arg13[%swap3A_495, %swap3A_496] {strides = array<i32>} : memref<4x2048xf32, #tpu.memory_space<vmem>>, vector<1x16xf32>,
          %swap3A_498 = vector.shape_cast %swap3A_497 : vector<1x16xf32> to vector<16xf32>
          %swap3A_499 = vector.shape_cast %get3A_494 : vector<16xf32> to vector<1x16xf32>
          tpu.vector_store %arg13[%swap3A_495, %swap3A_496], %swap3A_499 {add = true, strides = array<i32>} : memref<4x2048xf32, #tpu.memory_space<vmem>>, vector<1x16xf32>,
          %scan3A_500 = arith.constant 8 : i32
          %scan3A_501 = arith.addi %scan3A_399, %scan3A_500 : i32
          %mul3A_502 = arith.constant 16 : i32
          %mul3A_503 = arith.muli %scan3A_501, %mul3A_502 : i32
          %get3A_504 = arith.index_cast %scan3A_392 : i32 to index
          %get3A_505 = arith.index_cast %mul3A_503 : i32 to index
          %get3A_506 = tpu.vector_load %arg9[%get3A_504, %get3A_505] {strides = array<i32>} : memref<4x2048xf32, #tpu.memory_space<vmem>>, vector<1x16xf32>,
          %get3A_507 = vector.shape_cast %get3A_506 : vector<1x16xf32> to vector<16xf32>
          %swap3A_508 = arith.index_cast %scan3A_392 : i32 to index
          %swap3A_509 = arith.index_cast %mul3A_503 : i32 to index
          %swap3A_510 = tpu.vector_load %arg13[%swap3A_508, %swap3A_509] {strides = array<i32>} : memref<4x2048xf32, #tpu.memory_space<vmem>>, vector<1x16xf32>,
          %swap3A_511 = vector.shape_cast %swap3A_510 : vector<1x16xf32> to vector<16xf32>
          %swap3A_512 = vector.shape_cast %get3A_507 : vector<16xf32> to vector<1x16xf32>
          tpu.vector_store %arg13[%swap3A_508, %swap3A_509], %swap3A_512 {add = true, strides = array<i32>} : memref<4x2048xf32, #tpu.memory_space<vmem>>, vector<1x16xf32>,
          %scan3A_513 = arith.constant 9 : i32
          %scan3A_514 = arith.addi %scan3A_399, %scan3A_513 : i32
          %mul3A_515 = arith.constant 16 : i32
          %mul3A_516 = arith.muli %scan3A_514, %mul3A_515 : i32
          %get3A_517 = arith.index_cast %scan3A_392 : i32 to index
          %get3A_518 = arith.index_cast %mul3A_516 : i32 to index
          %get3A_519 = tpu.vector_load %arg9[%get3A_517, %get3A_518] {strides = array<i32>} : memref<4x2048xf32, #tpu.memory_space<vmem>>, vector<1x16xf32>,
          %get3A_520 = vector.shape_cast %get3A_519 : vector<1x16xf32> to vector<16xf32>
          %swap3A_521 = arith.index_cast %scan3A_392 : i32 to index
          %swap3A_522 = arith.index_cast %mul3A_516 : i32 to index
          %swap3A_523 = tpu.vector_load %arg13[%swap3A_521, %swap3A_522] {strides = array<i32>} : memref<4x2048xf32, #tpu.memory_space<vmem>>, vector<1x16xf32>,
          %swap3A_524 = vector.shape_cast %swap3A_523 : vector<1x16xf32> to vector<16xf32>
          %swap3A_525 = vector.shape_cast %get3A_520 : vector<16xf32> to vector<1x16xf32>
          tpu.vector_store %arg13[%swap3A_521, %swap3A_522], %swap3A_525 {add = true, strides = array<i32>} : memref<4x2048xf32, #tpu.memory_space<vmem>>, vector<1x16xf32>,
          %scan3A_526 = arith.constant 10 : i32
          %scan3A_527 = arith.addi %scan3A_399, %scan3A_526 : i32
          %mul3A_528 = arith.constant 16 : i32
          %mul3A_529 = arith.muli %scan3A_527, %mul3A_528 : i32
          %get3A_530 = arith.index_cast %scan3A_392 : i32 to index
          %get3A_531 = arith.index_cast %mul3A_529 : i32 to index
          %get3A_532 = tpu.vector_load %arg9[%get3A_530, %get3A_531] {strides = array<i32>} : memref<4x2048xf32, #tpu.memory_space<vmem>>, vector<1x16xf32>,
          %get3A_533 = vector.shape_cast %get3A_532 : vector<1x16xf32> to vector<16xf32>
          %swap3A_534 = arith.index_cast %scan3A_392 : i32 to index
          %swap3A_535 = arith.index_cast %mul3A_529 : i32 to index
          %swap3A_536 = tpu.vector_load %arg13[%swap3A_534, %swap3A_535] {strides = array<i32>} : memref<4x2048xf32, #tpu.memory_space<vmem>>, vector<1x16xf32>,
          %swap3A_537 = vector.shape_cast %swap3A_536 : vector<1x16xf32> to vector<16xf32>
          %swap3A_538 = vector.shape_cast %get3A_533 : vector<16xf32> to vector<1x16xf32>
          tpu.vector_store %arg13[%swap3A_534, %swap3A_535], %swap3A_538 {add = true, strides = array<i32>} : memref<4x2048xf32, #tpu.memory_space<vmem>>, vector<1x16xf32>,
          %scan3A_539 = arith.constant 11 : i32
          %scan3A_540 = arith.addi %scan3A_399, %scan3A_539 : i32
          %mul3A_541 = arith.constant 16 : i32
          %mul3A_542 = arith.muli %scan3A_540, %mul3A_541 : i32
          %get3A_543 = arith.index_cast %scan3A_392 : i32 to index
          %get3A_544 = arith.index_cast %mul3A_542 : i32 to index
          %get3A_545 = tpu.vector_load %arg9[%get3A_543, %get3A_544] {strides = array<i32>} : memref<4x2048xf32, #tpu.memory_space<vmem>>, vector<1x16xf32>,
          %get3A_546 = vector.shape_cast %get3A_545 : vector<1x16xf32> to vector<16xf32>
          %swap3A_547 = arith.index_cast %scan3A_392 : i32 to index
          %swap3A_548 = arith.index_cast %mul3A_542 : i32 to index
          %swap3A_549 = tpu.vector_load %arg13[%swap3A_547, %swap3A_548] {strides = array<i32>} : memref<4x2048xf32, #tpu.memory_space<vmem>>, vector<1x16xf32>,
          %swap3A_550 = vector.shape_cast %swap3A_549 : vector<1x16xf32> to vector<16xf32>
          %swap3A_551 = vector.shape_cast %get3A_546 : vector<16xf32> to vector<1x16xf32>
          tpu.vector_store %arg13[%swap3A_547, %swap3A_548], %swap3A_551 {add = true, strides = array<i32>} : memref<4x2048xf32, #tpu.memory_space<vmem>>, vector<1x16xf32>,
          %scan3A_552 = arith.constant 12 : i32
          %scan3A_553 = arith.addi %scan3A_399, %scan3A_552 : i32
          %mul3A_554 = arith.constant 16 : i32
          %mul3A_555 = arith.muli %scan3A_553, %mul3A_554 : i32
          %get3A_556 = arith.index_cast %scan3A_392 : i32 to index
          %get3A_557 = arith.index_cast %mul3A_555 : i32 to index
          %get3A_558 = tpu.vector_load %arg9[%get3A_556, %get3A_557] {strides = array<i32>} : memref<4x2048xf32, #tpu.memory_space<vmem>>, vector<1x16xf32>,
          %get3A_559 = vector.shape_cast %get3A_558 : vector<1x16xf32> to vector<16xf32>
          %swap3A_560 = arith.index_cast %scan3A_392 : i32 to index
          %swap3A_561 = arith.index_cast %mul3A_555 : i32 to index
          %swap3A_562 = tpu.vector_load %arg13[%swap3A_560, %swap3A_561] {strides = array<i32>} : memref<4x2048xf32, #tpu.memory_space<vmem>>, vector<1x16xf32>,
          %swap3A_563 = vector.shape_cast %swap3A_562 : vector<1x16xf32> to vector<16xf32>
          %swap3A_564 = vector.shape_cast %get3A_559 : vector<16xf32> to vector<1x16xf32>
          tpu.vector_store %arg13[%swap3A_560, %swap3A_561], %swap3A_564 {add = true, strides = array<i32>} : memref<4x2048xf32, #tpu.memory_space<vmem>>, vector<1x16xf32>,
          %scan3A_565 = arith.constant 13 : i32
          %scan3A_566 = arith.addi %scan3A_399, %scan3A_565 : i32
          %mul3A_567 = arith.constant 16 : i32
          %mul3A_568 = arith.muli %scan3A_566, %mul3A_567 : i32
          %get3A_569 = arith.index_cast %scan3A_392 : i32 to index
          %get3A_570 = arith.index_cast %mul3A_568 : i32 to index
          %get3A_571 = tpu.vector_load %arg9[%get3A_569, %get3A_570] {strides = array<i32>} : memref<4x2048xf32, #tpu.memory_space<vmem>>, vector<1x16xf32>,
          %get3A_572 = vector.shape_cast %get3A_571 : vector<1x16xf32> to vector<16xf32>
          %swap3A_573 = arith.index_cast %scan3A_392 : i32 to index
          %swap3A_574 = arith.index_cast %mul3A_568 : i32 to index
          %swap3A_575 = tpu.vector_load %arg13[%swap3A_573, %swap3A_574] {strides = array<i32>} : memref<4x2048xf32, #tpu.memory_space<vmem>>, vector<1x16xf32>,
          %swap3A_576 = vector.shape_cast %swap3A_575 : vector<1x16xf32> to vector<16xf32>
          %swap3A_577 = vector.shape_cast %get3A_572 : vector<16xf32> to vector<1x16xf32>
          tpu.vector_store %arg13[%swap3A_573, %swap3A_574], %swap3A_577 {add = true, strides = array<i32>} : memref<4x2048xf32, #tpu.memory_space<vmem>>, vector<1x16xf32>,
          %scan3A_578 = arith.constant 14 : i32
          %scan3A_579 = arith.addi %scan3A_399, %scan3A_578 : i32
          %mul3A_580 = arith.constant 16 : i32
          %mul3A_581 = arith.muli %scan3A_579, %mul3A_580 : i32
          %get3A_582 = arith.index_cast %scan3A_392 : i32 to index
          %get3A_583 = arith.index_cast %mul3A_581 : i32 to index
          %get3A_584 = tpu.vector_load %arg9[%get3A_582, %get3A_583] {strides = array<i32>} : memref<4x2048xf32, #tpu.memory_space<vmem>>, vector<1x16xf32>,
          %get3A_585 = vector.shape_cast %get3A_584 : vector<1x16xf32> to vector<16xf32>
          %swap3A_586 = arith.index_cast %scan3A_392 : i32 to index
          %swap3A_587 = arith.index_cast %mul3A_581 : i32 to index
          %swap3A_588 = tpu.vector_load %arg13[%swap3A_586, %swap3A_587] {strides = array<i32>} : memref<4x2048xf32, #tpu.memory_space<vmem>>, vector<1x16xf32>,
          %swap3A_589 = vector.shape_cast %swap3A_588 : vector<1x16xf32> to vector<16xf32>
          %swap3A_590 = vector.shape_cast %get3A_585 : vector<16xf32> to vector<1x16xf32>
          tpu.vector_store %arg13[%swap3A_586, %swap3A_587], %swap3A_590 {add = true, strides = array<i32>} : memref<4x2048xf32, #tpu.memory_space<vmem>>, vector<1x16xf32>,
          %scan3A_591 = arith.constant 15 : i32
          %scan3A_592 = arith.addi %scan3A_399, %scan3A_591 : i32
          %mul3A_593 = arith.constant 16 : i32
          %mul3A_594 = arith.muli %scan3A_592, %mul3A_593 : i32
          %get3A_595 = arith.index_cast %scan3A_392 : i32 to index
          %get3A_596 = arith.index_cast %mul3A_594 : i32 to index
          %get3A_597 = tpu.vector_load %arg9[%get3A_595, %get3A_596] {strides = array<i32>} : memref<4x2048xf32, #tpu.memory_space<vmem>>, vector<1x16xf32>,
          %get3A_598 = vector.shape_cast %get3A_597 : vector<1x16xf32> to vector<16xf32>
          %swap3A_599 = arith.index_cast %scan3A_392 : i32 to index
          %swap3A_600 = arith.index_cast %mul3A_594 : i32 to index
          %swap3A_601 = tpu.vector_load %arg13[%swap3A_599, %swap3A_600] {strides = array<i32>} : memref<4x2048xf32, #tpu.memory_space<vmem>>, vector<1x16xf32>,
          %swap3A_602 = vector.shape_cast %swap3A_601 : vector<1x16xf32> to vector<16xf32>
          %swap3A_603 = vector.shape_cast %get3A_598 : vector<16xf32> to vector<1x16xf32>
          tpu.vector_store %arg13[%swap3A_599, %swap3A_600], %swap3A_603 {add = true, strides = array<i32>} : memref<4x2048xf32, #tpu.memory_space<vmem>>, vector<1x16xf32>,
        }
        %scan3A_398 = arith.constant 128 : i32
      }
      %scan3A_189 = arith.constant 4 : i32
      %mul3A_190 = arith.constant 4 : i32
      %mul3A_191 = arith.muli %add3A_167, %mul3A_190 : i32
      %add3A_192 = arith.addi %mul3A_2, %mul3A_191 : i32
      %dma_start3A_193 = arith.constant 0 : i32
      %dma_start3A_194 = tpu.memref_slice %arg5[%add3A_192, %dma_start3A_193] : memref<16384x2048xf32, #tpu.memory_space<hbm>> -> memref<4x2048xf32, #tpu.memory_space<hbm>>
      %dma_start3A_195 = arith.constant 0 : i32
      %dma_start3A_196 = tpu.memref_slice %arg5[%add3A_192, %dma_start3A_195] : memref<16384x2048xf32, #tpu.memory_space<hbm>> -> memref<4x2048xf32, #tpu.memory_space<hbm>>
      tpu.enqueue_dma source(%arg13 : memref<4x2048xf32, #tpu.memory_space<vmem>>) target(%dma_start3A_196 : memref<4x2048xf32, #tpu.memory_space<hbm>>) target_semaphore(%arg33 : memref<!tpu.dma_semaphore, #tpu.memory_space<semaphore_mem>>)
      %lt3A_197 = arith.constant 124 : i32
      %lt3A_198 = arith.cmpi slt, %add3A_167, %lt3A_197 : i32
      %convert_element_type3A_199 = arith.extui %lt3A_198 : i1 to i32
      %cond3A_200 = arith.constant 0 : i32
      %cond3A_201 = arith.cmpi ne, %convert_element_type3A_199, %cond3A_200 : i32
      scf.if %cond3A_201 {
        %add3A_392 = arith.constant 4 : i32
        %add3A_393 = arith.addi %add3A_167, %add3A_392 : i32
        %mul3A_394 = arith.constant 4 : i32
        %mul3A_395 = arith.muli %add3A_393, %mul3A_394 : i32
        %add3A_396 = arith.addi %mul3A_2, %mul3A_395 : i32
        %dma_start3A_397 = arith.constant 0 : i32
        %dma_start3A_398 = tpu.memref_slice %arg2[%add3A_396, %dma_start3A_397] : memref<16384x2048xf32, #tpu.memory_space<hbm>> -> memref<4x2048xf32, #tpu.memory_space<hbm>>
        %dma_start3A_399 = arith.constant 0 : i32
        %dma_start3A_400 = tpu.memref_slice %arg2[%add3A_396, %dma_start3A_399] : memref<16384x2048xf32, #tpu.memory_space<hbm>> -> memref<4x2048xf32, #tpu.memory_space<hbm>>
        tpu.enqueue_dma source(%dma_start3A_400 : memref<4x2048xf32, #tpu.memory_space<hbm>>) target(%arg9 : memref<4x2048xf32, #tpu.memory_space<vmem>>) target_semaphore(%arg21 : memref<!tpu.dma_semaphore, #tpu.memory_space<semaphore_mem>>)
      } else {
      }
      %mul3A_202 = arith.constant 8 : i32
      %mul3A_203 = arith.muli %scan3A_90, %mul3A_202 : i32
      %add3A_204 = arith.constant 3 : i32
      %add3A_205 = arith.addi %mul3A_203, %add3A_204 : i32
      %dma_wait3A_206 = arith.constant 0 : i32
      %dma_wait3A_207 = tpu.memref_slice %arg2[%mul3A_2, %dma_wait3A_206] : memref<16384x2048xf32, #tpu.memory_space<hbm>> -> memref<4x2048xf32, #tpu.memory_space<hbm>>
      %dma_wait3A_208 = arith.constant 0 : i32
      %dma_wait3A_209 = tpu.memref_slice %arg2[%mul3A_2, %dma_wait3A_208] : memref<16384x2048xf32, #tpu.memory_space<hbm>> -> memref<4x2048xf32, #tpu.memory_space<hbm>>
      tpu.wait_dma2 semaphore(%arg22 : memref<!tpu.dma_semaphore, #tpu.memory_space<semaphore_mem>>) src(%dma_wait3A_209 : memref<4x2048xf32, #tpu.memory_space<hbm>>) dst(%arg10 : memref<4x2048xf32, #tpu.memory_space<vmem>>)
      %dma_wait3A_210 = arith.constant 0 : i32
      %dma_wait3A_211 = arith.constant 0 : i32
      %dma_wait3A_212 = tpu.memref_slice %arg6[%dma_wait3A_210, %dma_wait3A_211] : memref<128x4xi32, #tpu.memory_space<vmem>> -> memref<1x4xi32, #tpu.memory_space<vmem>>
      %dma_wait3A_213 = tpu.memref_squeeze %dma_wait3A_212 : memref<1x4xi32, #tpu.memory_space<vmem>> -> memref<4xi32, #tpu.memory_space<vmem>>
      %dma_wait3A_214 = arith.constant 0 : i32
      %dma_wait3A_215 = arith.constant 0 : i32
      %dma_wait3A_216 = tpu.memref_slice %arg4[%dma_wait3A_214, %dma_wait3A_215] : memref<8192x2048xf32, #tpu.memory_space<hbm>> -> memref<8192x2048xf32, #tpu.memory_space<hbm>>
      tpu.wait_indirect_dma semaphore(%arg26 : memref<!tpu.dma_semaphore, #tpu.memory_space<semaphore_mem>>) src(%dma_wait3A_216 : memref<8192x2048xf32, #tpu.memory_space<hbm>>) dst(%arg14 : memref<4x2048xf32, #tpu.memory_space<vmem>>)
      %lt3A_217 = arith.constant 124 : i32
      %lt3A_218 = arith.cmpi slt, %add3A_205, %lt3A_217 : i32
      %convert_element_type3A_219 = arith.extui %lt3A_218 : i1 to i32
      %cond3A_220 = arith.constant 0 : i32
      %cond3A_221 = arith.cmpi ne, %convert_element_type3A_219, %cond3A_220 : i32
      scf.if %cond3A_221 {
        %ge3A = arith.constant 4 : i32
        %ge3A_392 = arith.cmpi sge, %add3A_205, %ge3A : i32
        %convert_element_type3A_393 = arith.extui %ge3A_392 : i1 to i32
        %cond3A_394 = arith.constant 0 : i32
        %cond3A_395 = arith.cmpi ne, %convert_element_type3A_393, %cond3A_394 : i32
        scf.if %cond3A_395 {
          %dma_wait3A_404 = arith.constant 0 : i32
          %dma_wait3A_405 = tpu.memref_slice %arg5[%mul3A_2, %dma_wait3A_404] : memref<16384x2048xf32, #tpu.memory_space<hbm>> -> memref<4x2048xf32, #tpu.memory_space<hbm>>
          %dma_wait3A_406 = arith.constant 0 : i32
          %dma_wait3A_407 = tpu.memref_slice %arg5[%mul3A_2, %dma_wait3A_406] : memref<16384x2048xf32, #tpu.memory_space<hbm>> -> memref<4x2048xf32, #tpu.memory_space<hbm>>
          tpu.wait_dma2 semaphore(%arg38 : memref<!tpu.dma_semaphore, #tpu.memory_space<semaphore_mem>>) src(%arg18 : memref<4x2048xf32, #tpu.memory_space<vmem>>) dst(%dma_wait3A_407 : memref<4x2048xf32, #tpu.memory_space<hbm>>)
        } else {
        }
        %add3A_396 = arith.constant 4 : i32
        %add3A_397 = arith.addi %add3A_205, %add3A_396 : i32
        %dma_start3A_398 = arith.constant 0 : i32
        %dma_start3A_399 = tpu.memref_slice %arg6[%add3A_397, %dma_start3A_398] : memref<128x4xi32, #tpu.memory_space<vmem>> -> memref<1x4xi32, #tpu.memory_space<vmem>>
        %dma_start3A_400 = tpu.memref_squeeze %dma_start3A_399 : memref<1x4xi32, #tpu.memory_space<vmem>> -> memref<4xi32, #tpu.memory_space<vmem>>
        %dma_start3A_401 = arith.constant 0 : i32
        %dma_start3A_402 = arith.constant 0 : i32
        %dma_start3A_403 = tpu.memref_slice %arg4[%dma_start3A_401, %dma_start3A_402] : memref<8192x2048xf32, #tpu.memory_space<hbm>> -> memref<8192x2048xf32, #tpu.memory_space<hbm>>
        tpu.enqueue_indirect_dma source(%dma_start3A_403 : memref<8192x2048xf32, #tpu.memory_space<hbm>>) target(%arg18 : memref<4x2048xf32, #tpu.memory_space<vmem>>) offsets(%dma_start3A_400 : memref<4xi32, #tpu.memory_space<vmem>>) semaphore(%arg30 : memref<!tpu.dma_semaphore, #tpu.memory_space<semaphore_mem>>)
      } else {
      }
      %scan3A_222 = arith.constant 0 : i32
      %scan3A_223 = arith.constant 0 : i32
      %scan3A_224 = arith.constant 4 : i32
      %scan3A_225 = arith.addi %scan3A_223, %scan3A_224 : i32
      %scan3A_226 = arith.constant 1 : i32
      scf.for %scan3A_392 = %scan3A_223 to %scan3A_225 step %scan3A_226  : i32 {
        %scan3A_393 = arith.constant 0 : i32
        %scan3A_394 = arith.constant 0 : i32
        %scan3A_395 = arith.constant 128 : i32
        %scan3A_396 = arith.addi %scan3A_394, %scan3A_395 : i32
        %scan3A_397 = arith.constant 16 : i32
        scf.for %scan3A_399 = %scan3A_394 to %scan3A_396 step %scan3A_397  : i32 {
          %mul3A_400 = arith.constant 16 : i32
          %mul3A_401 = arith.muli %scan3A_399, %mul3A_400 : i32
          %get3A = arith.index_cast %scan3A_392 : i32 to index
          %get3A_402 = arith.index_cast %mul3A_401 : i32 to index
          %get3A_403 = tpu.vector_load %arg10[%get3A, %get3A_402] {strides = array<i32>} : memref<4x2048xf32, #tpu.memory_space<vmem>>, vector<1x16xf32>,
          %get3A_404 = vector.shape_cast %get3A_403 : vector<1x16xf32> to vector<16xf32>
          %swap3A = arith.index_cast %scan3A_392 : i32 to index
          %swap3A_405 = arith.index_cast %mul3A_401 : i32 to index
          %swap3A_406 = tpu.vector_load %arg14[%swap3A, %swap3A_405] {strides = array<i32>} : memref<4x2048xf32, #tpu.memory_space<vmem>>, vector<1x16xf32>,
          %swap3A_407 = vector.shape_cast %swap3A_406 : vector<1x16xf32> to vector<16xf32>
          %swap3A_408 = vector.shape_cast %get3A_404 : vector<16xf32> to vector<1x16xf32>
          tpu.vector_store %arg14[%swap3A, %swap3A_405], %swap3A_408 {add = true, strides = array<i32>} : memref<4x2048xf32, #tpu.memory_space<vmem>>, vector<1x16xf32>,
          %scan3A_409 = arith.constant 1 : i32
          %scan3A_410 = arith.addi %scan3A_399, %scan3A_409 : i32
          %mul3A_411 = arith.constant 16 : i32
          %mul3A_412 = arith.muli %scan3A_410, %mul3A_411 : i32
          %get3A_413 = arith.index_cast %scan3A_392 : i32 to index
          %get3A_414 = arith.index_cast %mul3A_412 : i32 to index
          %get3A_415 = tpu.vector_load %arg10[%get3A_413, %get3A_414] {strides = array<i32>} : memref<4x2048xf32, #tpu.memory_space<vmem>>, vector<1x16xf32>,
          %get3A_416 = vector.shape_cast %get3A_415 : vector<1x16xf32> to vector<16xf32>
          %swap3A_417 = arith.index_cast %scan3A_392 : i32 to index
          %swap3A_418 = arith.index_cast %mul3A_412 : i32 to index
          %swap3A_419 = tpu.vector_load %arg14[%swap3A_417, %swap3A_418] {strides = array<i32>} : memref<4x2048xf32, #tpu.memory_space<vmem>>, vector<1x16xf32>,
          %swap3A_420 = vector.shape_cast %swap3A_419 : vector<1x16xf32> to vector<16xf32>
          %swap3A_421 = vector.shape_cast %get3A_416 : vector<16xf32> to vector<1x16xf32>
          tpu.vector_store %arg14[%swap3A_417, %swap3A_418], %swap3A_421 {add = true, strides = array<i32>} : memref<4x2048xf32, #tpu.memory_space<vmem>>, vector<1x16xf32>,
          %scan3A_422 = arith.constant 2 : i32
          %scan3A_423 = arith.addi %scan3A_399, %scan3A_422 : i32
          %mul3A_424 = arith.constant 16 : i32
          %mul3A_425 = arith.muli %scan3A_423, %mul3A_424 : i32
          %get3A_426 = arith.index_cast %scan3A_392 : i32 to index
          %get3A_427 = arith.index_cast %mul3A_425 : i32 to index
          %get3A_428 = tpu.vector_load %arg10[%get3A_426, %get3A_427] {strides = array<i32>} : memref<4x2048xf32, #tpu.memory_space<vmem>>, vector<1x16xf32>,
          %get3A_429 = vector.shape_cast %get3A_428 : vector<1x16xf32> to vector<16xf32>
          %swap3A_430 = arith.index_cast %scan3A_392 : i32 to index
          %swap3A_431 = arith.index_cast %mul3A_425 : i32 to index
          %swap3A_432 = tpu.vector_load %arg14[%swap3A_430, %swap3A_431] {strides = array<i32>} : memref<4x2048xf32, #tpu.memory_space<vmem>>, vector<1x16xf32>,
          %swap3A_433 = vector.shape_cast %swap3A_432 : vector<1x16xf32> to vector<16xf32>
          %swap3A_434 = vector.shape_cast %get3A_429 : vector<16xf32> to vector<1x16xf32>
          tpu.vector_store %arg14[%swap3A_430, %swap3A_431], %swap3A_434 {add = true, strides = array<i32>} : memref<4x2048xf32, #tpu.memory_space<vmem>>, vector<1x16xf32>,
          %scan3A_435 = arith.constant 3 : i32
          %scan3A_436 = arith.addi %scan3A_399, %scan3A_435 : i32
          %mul3A_437 = arith.constant 16 : i32
          %mul3A_438 = arith.muli %scan3A_436, %mul3A_437 : i32
          %get3A_439 = arith.index_cast %scan3A_392 : i32 to index
          %get3A_440 = arith.index_cast %mul3A_438 : i32 to index
          %get3A_441 = tpu.vector_load %arg10[%get3A_439, %get3A_440] {strides = array<i32>} : memref<4x2048xf32, #tpu.memory_space<vmem>>, vector<1x16xf32>,
          %get3A_442 = vector.shape_cast %get3A_441 : vector<1x16xf32> to vector<16xf32>
          %swap3A_443 = arith.index_cast %scan3A_392 : i32 to index
          %swap3A_444 = arith.index_cast %mul3A_438 : i32 to index
          %swap3A_445 = tpu.vector_load %arg14[%swap3A_443, %swap3A_444] {strides = array<i32>} : memref<4x2048xf32, #tpu.memory_space<vmem>>, vector<1x16xf32>,
          %swap3A_446 = vector.shape_cast %swap3A_445 : vector<1x16xf32> to vector<16xf32>
          %swap3A_447 = vector.shape_cast %get3A_442 : vector<16xf32> to vector<1x16xf32>
          tpu.vector_store %arg14[%swap3A_443, %swap3A_444], %swap3A_447 {add = true, strides = array<i32>} : memref<4x2048xf32, #tpu.memory_space<vmem>>, vector<1x16xf32>,
          %scan3A_448 = arith.constant 4 : i32
          %scan3A_449 = arith.addi %scan3A_399, %scan3A_448 : i32
          %mul3A_450 = arith.constant 16 : i32
          %mul3A_451 = arith.muli %scan3A_449, %mul3A_450 : i32
          %get3A_452 = arith.index_cast %scan3A_392 : i32 to index
          %get3A_453 = arith.index_cast %mul3A_451 : i32 to index
          %get3A_454 = tpu.vector_load %arg10[%get3A_452, %get3A_453] {strides = array<i32>} : memref<4x2048xf32, #tpu.memory_space<vmem>>, vector<1x16xf32>,
          %get3A_455 = vector.shape_cast %get3A_454 : vector<1x16xf32> to vector<16xf32>
          %swap3A_456 = arith.index_cast %scan3A_392 : i32 to index
          %swap3A_457 = arith.index_cast %mul3A_451 : i32 to index
          %swap3A_458 = tpu.vector_load %arg14[%swap3A_456, %swap3A_457] {strides = array<i32>} : memref<4x2048xf32, #tpu.memory_space<vmem>>, vector<1x16xf32>,
          %swap3A_459 = vector.shape_cast %swap3A_458 : vector<1x16xf32> to vector<16xf32>
          %swap3A_460 = vector.shape_cast %get3A_455 : vector<16xf32> to vector<1x16xf32>
          tpu.vector_store %arg14[%swap3A_456, %swap3A_457], %swap3A_460 {add = true, strides = array<i32>} : memref<4x2048xf32, #tpu.memory_space<vmem>>, vector<1x16xf32>,
          %scan3A_461 = arith.constant 5 : i32
          %scan3A_462 = arith.addi %scan3A_399, %scan3A_461 : i32
          %mul3A_463 = arith.constant 16 : i32
          %mul3A_464 = arith.muli %scan3A_462, %mul3A_463 : i32
          %get3A_465 = arith.index_cast %scan3A_392 : i32 to index
          %get3A_466 = arith.index_cast %mul3A_464 : i32 to index
          %get3A_467 = tpu.vector_load %arg10[%get3A_465, %get3A_466] {strides = array<i32>} : memref<4x2048xf32, #tpu.memory_space<vmem>>, vector<1x16xf32>,
          %get3A_468 = vector.shape_cast %get3A_467 : vector<1x16xf32> to vector<16xf32>
          %swap3A_469 = arith.index_cast %scan3A_392 : i32 to index
          %swap3A_470 = arith.index_cast %mul3A_464 : i32 to index
          %swap3A_471 = tpu.vector_load %arg14[%swap3A_469, %swap3A_470] {strides = array<i32>} : memref<4x2048xf32, #tpu.memory_space<vmem>>, vector<1x16xf32>,
          %swap3A_472 = vector.shape_cast %swap3A_471 : vector<1x16xf32> to vector<16xf32>
          %swap3A_473 = vector.shape_cast %get3A_468 : vector<16xf32> to vector<1x16xf32>
          tpu.vector_store %arg14[%swap3A_469, %swap3A_470], %swap3A_473 {add = true, strides = array<i32>} : memref<4x2048xf32, #tpu.memory_space<vmem>>, vector<1x16xf32>,
          %scan3A_474 = arith.constant 6 : i32
          %scan3A_475 = arith.addi %scan3A_399, %scan3A_474 : i32
          %mul3A_476 = arith.constant 16 : i32
          %mul3A_477 = arith.muli %scan3A_475, %mul3A_476 : i32
          %get3A_478 = arith.index_cast %scan3A_392 : i32 to index
          %get3A_479 = arith.index_cast %mul3A_477 : i32 to index
          %get3A_480 = tpu.vector_load %arg10[%get3A_478, %get3A_479] {strides = array<i32>} : memref<4x2048xf32, #tpu.memory_space<vmem>>, vector<1x16xf32>,
          %get3A_481 = vector.shape_cast %get3A_480 : vector<1x16xf32> to vector<16xf32>
          %swap3A_482 = arith.index_cast %scan3A_392 : i32 to index
          %swap3A_483 = arith.index_cast %mul3A_477 : i32 to index
          %swap3A_484 = tpu.vector_load %arg14[%swap3A_482, %swap3A_483] {strides = array<i32>} : memref<4x2048xf32, #tpu.memory_space<vmem>>, vector<1x16xf32>,
          %swap3A_485 = vector.shape_cast %swap3A_484 : vector<1x16xf32> to vector<16xf32>
          %swap3A_486 = vector.shape_cast %get3A_481 : vector<16xf32> to vector<1x16xf32>
          tpu.vector_store %arg14[%swap3A_482, %swap3A_483], %swap3A_486 {add = true, strides = array<i32>} : memref<4x2048xf32, #tpu.memory_space<vmem>>, vector<1x16xf32>,
          %scan3A_487 = arith.constant 7 : i32
          %scan3A_488 = arith.addi %scan3A_399, %scan3A_487 : i32
          %mul3A_489 = arith.constant 16 : i32
          %mul3A_490 = arith.muli %scan3A_488, %mul3A_489 : i32
          %get3A_491 = arith.index_cast %scan3A_392 : i32 to index
          %get3A_492 = arith.index_cast %mul3A_490 : i32 to index
          %get3A_493 = tpu.vector_load %arg10[%get3A_491, %get3A_492] {strides = array<i32>} : memref<4x2048xf32, #tpu.memory_space<vmem>>, vector<1x16xf32>,
          %get3A_494 = vector.shape_cast %get3A_493 : vector<1x16xf32> to vector<16xf32>
          %swap3A_495 = arith.index_cast %scan3A_392 : i32 to index
          %swap3A_496 = arith.index_cast %mul3A_490 : i32 to index
          %swap3A_497 = tpu.vector_load %arg14[%swap3A_495, %swap3A_496] {strides = array<i32>} : memref<4x2048xf32, #tpu.memory_space<vmem>>, vector<1x16xf32>,
          %swap3A_498 = vector.shape_cast %swap3A_497 : vector<1x16xf32> to vector<16xf32>
          %swap3A_499 = vector.shape_cast %get3A_494 : vector<16xf32> to vector<1x16xf32>
          tpu.vector_store %arg14[%swap3A_495, %swap3A_496], %swap3A_499 {add = true, strides = array<i32>} : memref<4x2048xf32, #tpu.memory_space<vmem>>, vector<1x16xf32>,
          %scan3A_500 = arith.constant 8 : i32
          %scan3A_501 = arith.addi %scan3A_399, %scan3A_500 : i32
          %mul3A_502 = arith.constant 16 : i32
          %mul3A_503 = arith.muli %scan3A_501, %mul3A_502 : i32
          %get3A_504 = arith.index_cast %scan3A_392 : i32 to index
          %get3A_505 = arith.index_cast %mul3A_503 : i32 to index
          %get3A_506 = tpu.vector_load %arg10[%get3A_504, %get3A_505] {strides = array<i32>} : memref<4x2048xf32, #tpu.memory_space<vmem>>, vector<1x16xf32>,
          %get3A_507 = vector.shape_cast %get3A_506 : vector<1x16xf32> to vector<16xf32>
          %swap3A_508 = arith.index_cast %scan3A_392 : i32 to index
          %swap3A_509 = arith.index_cast %mul3A_503 : i32 to index
          %swap3A_510 = tpu.vector_load %arg14[%swap3A_508, %swap3A_509] {strides = array<i32>} : memref<4x2048xf32, #tpu.memory_space<vmem>>, vector<1x16xf32>,
          %swap3A_511 = vector.shape_cast %swap3A_510 : vector<1x16xf32> to vector<16xf32>
          %swap3A_512 = vector.shape_cast %get3A_507 : vector<16xf32> to vector<1x16xf32>
          tpu.vector_store %arg14[%swap3A_508, %swap3A_509], %swap3A_512 {add = true, strides = array<i32>} : memref<4x2048xf32, #tpu.memory_space<vmem>>, vector<1x16xf32>,
          %scan3A_513 = arith.constant 9 : i32
          %scan3A_514 = arith.addi %scan3A_399, %scan3A_513 : i32
          %mul3A_515 = arith.constant 16 : i32
          %mul3A_516 = arith.muli %scan3A_514, %mul3A_515 : i32
          %get3A_517 = arith.index_cast %scan3A_392 : i32 to index
          %get3A_518 = arith.index_cast %mul3A_516 : i32 to index
          %get3A_519 = tpu.vector_load %arg10[%get3A_517, %get3A_518] {strides = array<i32>} : memref<4x2048xf32, #tpu.memory_space<vmem>>, vector<1x16xf32>,
          %get3A_520 = vector.shape_cast %get3A_519 : vector<1x16xf32> to vector<16xf32>
          %swap3A_521 = arith.index_cast %scan3A_392 : i32 to index
          %swap3A_522 = arith.index_cast %mul3A_516 : i32 to index
          %swap3A_523 = tpu.vector_load %arg14[%swap3A_521, %swap3A_522] {strides = array<i32>} : memref<4x2048xf32, #tpu.memory_space<vmem>>, vector<1x16xf32>,
          %swap3A_524 = vector.shape_cast %swap3A_523 : vector<1x16xf32> to vector<16xf32>
          %swap3A_525 = vector.shape_cast %get3A_520 : vector<16xf32> to vector<1x16xf32>
          tpu.vector_store %arg14[%swap3A_521, %swap3A_522], %swap3A_525 {add = true, strides = array<i32>} : memref<4x2048xf32, #tpu.memory_space<vmem>>, vector<1x16xf32>,
          %scan3A_526 = arith.constant 10 : i32
          %scan3A_527 = arith.addi %scan3A_399, %scan3A_526 : i32
          %mul3A_528 = arith.constant 16 : i32
          %mul3A_529 = arith.muli %scan3A_527, %mul3A_528 : i32
          %get3A_530 = arith.index_cast %scan3A_392 : i32 to index
          %get3A_531 = arith.index_cast %mul3A_529 : i32 to index
          %get3A_532 = tpu.vector_load %arg10[%get3A_530, %get3A_531] {strides = array<i32>} : memref<4x2048xf32, #tpu.memory_space<vmem>>, vector<1x16xf32>,
          %get3A_533 = vector.shape_cast %get3A_532 : vector<1x16xf32> to vector<16xf32>
          %swap3A_534 = arith.index_cast %scan3A_392 : i32 to index
          %swap3A_535 = arith.index_cast %mul3A_529 : i32 to index
          %swap3A_536 = tpu.vector_load %arg14[%swap3A_534, %swap3A_535] {strides = array<i32>} : memref<4x2048xf32, #tpu.memory_space<vmem>>, vector<1x16xf32>,
          %swap3A_537 = vector.shape_cast %swap3A_536 : vector<1x16xf32> to vector<16xf32>
          %swap3A_538 = vector.shape_cast %get3A_533 : vector<16xf32> to vector<1x16xf32>
          tpu.vector_store %arg14[%swap3A_534, %swap3A_535], %swap3A_538 {add = true, strides = array<i32>} : memref<4x2048xf32, #tpu.memory_space<vmem>>, vector<1x16xf32>,
          %scan3A_539 = arith.constant 11 : i32
          %scan3A_540 = arith.addi %scan3A_399, %scan3A_539 : i32
          %mul3A_541 = arith.constant 16 : i32
          %mul3A_542 = arith.muli %scan3A_540, %mul3A_541 : i32
          %get3A_543 = arith.index_cast %scan3A_392 : i32 to index
          %get3A_544 = arith.index_cast %mul3A_542 : i32 to index
          %get3A_545 = tpu.vector_load %arg10[%get3A_543, %get3A_544] {strides = array<i32>} : memref<4x2048xf32, #tpu.memory_space<vmem>>, vector<1x16xf32>,
          %get3A_546 = vector.shape_cast %get3A_545 : vector<1x16xf32> to vector<16xf32>
          %swap3A_547 = arith.index_cast %scan3A_392 : i32 to index
          %swap3A_548 = arith.index_cast %mul3A_542 : i32 to index
          %swap3A_549 = tpu.vector_load %arg14[%swap3A_547, %swap3A_548] {strides = array<i32>} : memref<4x2048xf32, #tpu.memory_space<vmem>>, vector<1x16xf32>,
          %swap3A_550 = vector.shape_cast %swap3A_549 : vector<1x16xf32> to vector<16xf32>
          %swap3A_551 = vector.shape_cast %get3A_546 : vector<16xf32> to vector<1x16xf32>
          tpu.vector_store %arg14[%swap3A_547, %swap3A_548], %swap3A_551 {add = true, strides = array<i32>} : memref<4x2048xf32, #tpu.memory_space<vmem>>, vector<1x16xf32>,
          %scan3A_552 = arith.constant 12 : i32
          %scan3A_553 = arith.addi %scan3A_399, %scan3A_552 : i32
          %mul3A_554 = arith.constant 16 : i32
          %mul3A_555 = arith.muli %scan3A_553, %mul3A_554 : i32
          %get3A_556 = arith.index_cast %scan3A_392 : i32 to index
          %get3A_557 = arith.index_cast %mul3A_555 : i32 to index
          %get3A_558 = tpu.vector_load %arg10[%get3A_556, %get3A_557] {strides = array<i32>} : memref<4x2048xf32, #tpu.memory_space<vmem>>, vector<1x16xf32>,
          %get3A_559 = vector.shape_cast %get3A_558 : vector<1x16xf32> to vector<16xf32>
          %swap3A_560 = arith.index_cast %scan3A_392 : i32 to index
          %swap3A_561 = arith.index_cast %mul3A_555 : i32 to index
          %swap3A_562 = tpu.vector_load %arg14[%swap3A_560, %swap3A_561] {strides = array<i32>} : memref<4x2048xf32, #tpu.memory_space<vmem>>, vector<1x16xf32>,
          %swap3A_563 = vector.shape_cast %swap3A_562 : vector<1x16xf32> to vector<16xf32>
          %swap3A_564 = vector.shape_cast %get3A_559 : vector<16xf32> to vector<1x16xf32>
          tpu.vector_store %arg14[%swap3A_560, %swap3A_561], %swap3A_564 {add = true, strides = array<i32>} : memref<4x2048xf32, #tpu.memory_space<vmem>>, vector<1x16xf32>,
          %scan3A_565 = arith.constant 13 : i32
          %scan3A_566 = arith.addi %scan3A_399, %scan3A_565 : i32
          %mul3A_567 = arith.constant 16 : i32
          %mul3A_568 = arith.muli %scan3A_566, %mul3A_567 : i32
          %get3A_569 = arith.index_cast %scan3A_392 : i32 to index
          %get3A_570 = arith.index_cast %mul3A_568 : i32 to index
          %get3A_571 = tpu.vector_load %arg10[%get3A_569, %get3A_570] {strides = array<i32>} : memref<4x2048xf32, #tpu.memory_space<vmem>>, vector<1x16xf32>,
          %get3A_572 = vector.shape_cast %get3A_571 : vector<1x16xf32> to vector<16xf32>
          %swap3A_573 = arith.index_cast %scan3A_392 : i32 to index
          %swap3A_574 = arith.index_cast %mul3A_568 : i32 to index
          %swap3A_575 = tpu.vector_load %arg14[%swap3A_573, %swap3A_574] {strides = array<i32>} : memref<4x2048xf32, #tpu.memory_space<vmem>>, vector<1x16xf32>,
          %swap3A_576 = vector.shape_cast %swap3A_575 : vector<1x16xf32> to vector<16xf32>
          %swap3A_577 = vector.shape_cast %get3A_572 : vector<16xf32> to vector<1x16xf32>
          tpu.vector_store %arg14[%swap3A_573, %swap3A_574], %swap3A_577 {add = true, strides = array<i32>} : memref<4x2048xf32, #tpu.memory_space<vmem>>, vector<1x16xf32>,
          %scan3A_578 = arith.constant 14 : i32
          %scan3A_579 = arith.addi %scan3A_399, %scan3A_578 : i32
          %mul3A_580 = arith.constant 16 : i32
          %mul3A_581 = arith.muli %scan3A_579, %mul3A_580 : i32
          %get3A_582 = arith.index_cast %scan3A_392 : i32 to index
          %get3A_583 = arith.index_cast %mul3A_581 : i32 to index
          %get3A_584 = tpu.vector_load %arg10[%get3A_582, %get3A_583] {strides = array<i32>} : memref<4x2048xf32, #tpu.memory_space<vmem>>, vector<1x16xf32>,
          %get3A_585 = vector.shape_cast %get3A_584 : vector<1x16xf32> to vector<16xf32>
          %swap3A_586 = arith.index_cast %scan3A_392 : i32 to index
          %swap3A_587 = arith.index_cast %mul3A_581 : i32 to index
          %swap3A_588 = tpu.vector_load %arg14[%swap3A_586, %swap3A_587] {strides = array<i32>} : memref<4x2048xf32, #tpu.memory_space<vmem>>, vector<1x16xf32>,
          %swap3A_589 = vector.shape_cast %swap3A_588 : vector<1x16xf32> to vector<16xf32>
          %swap3A_590 = vector.shape_cast %get3A_585 : vector<16xf32> to vector<1x16xf32>
          tpu.vector_store %arg14[%swap3A_586, %swap3A_587], %swap3A_590 {add = true, strides = array<i32>} : memref<4x2048xf32, #tpu.memory_space<vmem>>, vector<1x16xf32>,
          %scan3A_591 = arith.constant 15 : i32
          %scan3A_592 = arith.addi %scan3A_399, %scan3A_591 : i32
          %mul3A_593 = arith.constant 16 : i32
          %mul3A_594 = arith.muli %scan3A_592, %mul3A_593 : i32
          %get3A_595 = arith.index_cast %scan3A_392 : i32 to index
          %get3A_596 = arith.index_cast %mul3A_594 : i32 to index
          %get3A_597 = tpu.vector_load %arg10[%get3A_595, %get3A_596] {strides = array<i32>} : memref<4x2048xf32, #tpu.memory_space<vmem>>, vector<1x16xf32>,
          %get3A_598 = vector.shape_cast %get3A_597 : vector<1x16xf32> to vector<16xf32>
          %swap3A_599 = arith.index_cast %scan3A_392 : i32 to index
          %swap3A_600 = arith.index_cast %mul3A_594 : i32 to index
          %swap3A_601 = tpu.vector_load %arg14[%swap3A_599, %swap3A_600] {strides = array<i32>} : memref<4x2048xf32, #tpu.memory_space<vmem>>, vector<1x16xf32>,
          %swap3A_602 = vector.shape_cast %swap3A_601 : vector<1x16xf32> to vector<16xf32>
          %swap3A_603 = vector.shape_cast %get3A_598 : vector<16xf32> to vector<1x16xf32>
          tpu.vector_store %arg14[%swap3A_599, %swap3A_600], %swap3A_603 {add = true, strides = array<i32>} : memref<4x2048xf32, #tpu.memory_space<vmem>>, vector<1x16xf32>,
        }
        %scan3A_398 = arith.constant 128 : i32
      }
      %scan3A_227 = arith.constant 4 : i32
      %mul3A_228 = arith.constant 4 : i32
      %mul3A_229 = arith.muli %add3A_205, %mul3A_228 : i32
      %add3A_230 = arith.addi %mul3A_2, %mul3A_229 : i32
      %dma_start3A_231 = arith.constant 0 : i32
      %dma_start3A_232 = tpu.memref_slice %arg5[%add3A_230, %dma_start3A_231] : memref<16384x2048xf32, #tpu.memory_space<hbm>> -> memref<4x2048xf32, #tpu.memory_space<hbm>>
      %dma_start3A_233 = arith.constant 0 : i32
      %dma_start3A_234 = tpu.memref_slice %arg5[%add3A_230, %dma_start3A_233] : memref<16384x2048xf32, #tpu.memory_space<hbm>> -> memref<4x2048xf32, #tpu.memory_space<hbm>>
      tpu.enqueue_dma source(%arg14 : memref<4x2048xf32, #tpu.memory_space<vmem>>) target(%dma_start3A_234 : memref<4x2048xf32, #tpu.memory_space<hbm>>) target_semaphore(%arg34 : memref<!tpu.dma_semaphore, #tpu.memory_space<semaphore_mem>>)
      %lt3A_235 = arith.constant 124 : i32
      %lt3A_236 = arith.cmpi slt, %add3A_205, %lt3A_235 : i32
      %convert_element_type3A_237 = arith.extui %lt3A_236 : i1 to i32
      %cond3A_238 = arith.constant 0 : i32
      %cond3A_239 = arith.cmpi ne, %convert_element_type3A_237, %cond3A_238 : i32
      scf.if %cond3A_239 {
        %add3A_392 = arith.constant 4 : i32
        %add3A_393 = arith.addi %add3A_205, %add3A_392 : i32
        %mul3A_394 = arith.constant 4 : i32
        %mul3A_395 = arith.muli %add3A_393, %mul3A_394 : i32
        %add3A_396 = arith.addi %mul3A_2, %mul3A_395 : i32
        %dma_start3A_397 = arith.constant 0 : i32
        %dma_start3A_398 = tpu.memref_slice %arg2[%add3A_396, %dma_start3A_397] : memref<16384x2048xf32, #tpu.memory_space<hbm>> -> memref<4x2048xf32, #tpu.memory_space<hbm>>
        %dma_start3A_399 = arith.constant 0 : i32
        %dma_start3A_400 = tpu.memref_slice %arg2[%add3A_396, %dma_start3A_399] : memref<16384x2048xf32, #tpu.memory_space<hbm>> -> memref<4x2048xf32, #tpu.memory_space<hbm>>
        tpu.enqueue_dma source(%dma_start3A_400 : memref<4x2048xf32, #tpu.memory_space<hbm>>) target(%arg10 : memref<4x2048xf32, #tpu.memory_space<vmem>>) target_semaphore(%arg22 : memref<!tpu.dma_semaphore, #tpu.memory_space<semaphore_mem>>)
      } else {
      }
      %mul3A_240 = arith.constant 8 : i32
      %mul3A_241 = arith.muli %scan3A_90, %mul3A_240 : i32
      %add3A_242 = arith.constant 4 : i32
      %add3A_243 = arith.addi %mul3A_241, %add3A_242 : i32
      %dma_wait3A_244 = arith.constant 0 : i32
      %dma_wait3A_245 = tpu.memref_slice %arg2[%mul3A_2, %dma_wait3A_244] : memref<16384x2048xf32, #tpu.memory_space<hbm>> -> memref<4x2048xf32, #tpu.memory_space<hbm>>
      %dma_wait3A_246 = arith.constant 0 : i32
      %dma_wait3A_247 = tpu.memref_slice %arg2[%mul3A_2, %dma_wait3A_246] : memref<16384x2048xf32, #tpu.memory_space<hbm>> -> memref<4x2048xf32, #tpu.memory_space<hbm>>
      tpu.wait_dma2 semaphore(%arg19 : memref<!tpu.dma_semaphore, #tpu.memory_space<semaphore_mem>>) src(%dma_wait3A_247 : memref<4x2048xf32, #tpu.memory_space<hbm>>) dst(%arg7 : memref<4x2048xf32, #tpu.memory_space<vmem>>)
      %dma_wait3A_248 = arith.constant 0 : i32
      %dma_wait3A_249 = arith.constant 0 : i32
      %dma_wait3A_250 = tpu.memref_slice %arg6[%dma_wait3A_248, %dma_wait3A_249] : memref<128x4xi32, #tpu.memory_space<vmem>> -> memref<1x4xi32, #tpu.memory_space<vmem>>
      %dma_wait3A_251 = tpu.memref_squeeze %dma_wait3A_250 : memref<1x4xi32, #tpu.memory_space<vmem>> -> memref<4xi32, #tpu.memory_space<vmem>>
      %dma_wait3A_252 = arith.constant 0 : i32
      %dma_wait3A_253 = arith.constant 0 : i32
      %dma_wait3A_254 = tpu.memref_slice %arg4[%dma_wait3A_252, %dma_wait3A_253] : memref<8192x2048xf32, #tpu.memory_space<hbm>> -> memref<8192x2048xf32, #tpu.memory_space<hbm>>
      tpu.wait_indirect_dma semaphore(%arg27 : memref<!tpu.dma_semaphore, #tpu.memory_space<semaphore_mem>>) src(%dma_wait3A_254 : memref<8192x2048xf32, #tpu.memory_space<hbm>>) dst(%arg15 : memref<4x2048xf32, #tpu.memory_space<vmem>>)
      %lt3A_255 = arith.constant 124 : i32
      %lt3A_256 = arith.cmpi slt, %add3A_243, %lt3A_255 : i32
      %convert_element_type3A_257 = arith.extui %lt3A_256 : i1 to i32
      %cond3A_258 = arith.constant 0 : i32
      %cond3A_259 = arith.cmpi ne, %convert_element_type3A_257, %cond3A_258 : i32
      scf.if %cond3A_259 {
        %ge3A = arith.constant 4 : i32
        %ge3A_392 = arith.cmpi sge, %add3A_243, %ge3A : i32
        %convert_element_type3A_393 = arith.extui %ge3A_392 : i1 to i32
        %cond3A_394 = arith.constant 0 : i32
        %cond3A_395 = arith.cmpi ne, %convert_element_type3A_393, %cond3A_394 : i32
        scf.if %cond3A_395 {
          %dma_wait3A_404 = arith.constant 0 : i32
          %dma_wait3A_405 = tpu.memref_slice %arg5[%mul3A_2, %dma_wait3A_404] : memref<16384x2048xf32, #tpu.memory_space<hbm>> -> memref<4x2048xf32, #tpu.memory_space<hbm>>
          %dma_wait3A_406 = arith.constant 0 : i32
          %dma_wait3A_407 = tpu.memref_slice %arg5[%mul3A_2, %dma_wait3A_406] : memref<16384x2048xf32, #tpu.memory_space<hbm>> -> memref<4x2048xf32, #tpu.memory_space<hbm>>
          tpu.wait_dma2 semaphore(%arg31 : memref<!tpu.dma_semaphore, #tpu.memory_space<semaphore_mem>>) src(%arg11 : memref<4x2048xf32, #tpu.memory_space<vmem>>) dst(%dma_wait3A_407 : memref<4x2048xf32, #tpu.memory_space<hbm>>)
        } else {
        }
        %add3A_396 = arith.constant 4 : i32
        %add3A_397 = arith.addi %add3A_243, %add3A_396 : i32
        %dma_start3A_398 = arith.constant 0 : i32
        %dma_start3A_399 = tpu.memref_slice %arg6[%add3A_397, %dma_start3A_398] : memref<128x4xi32, #tpu.memory_space<vmem>> -> memref<1x4xi32, #tpu.memory_space<vmem>>
        %dma_start3A_400 = tpu.memref_squeeze %dma_start3A_399 : memref<1x4xi32, #tpu.memory_space<vmem>> -> memref<4xi32, #tpu.memory_space<vmem>>
        %dma_start3A_401 = arith.constant 0 : i32
        %dma_start3A_402 = arith.constant 0 : i32
        %dma_start3A_403 = tpu.memref_slice %arg4[%dma_start3A_401, %dma_start3A_402] : memref<8192x2048xf32, #tpu.memory_space<hbm>> -> memref<8192x2048xf32, #tpu.memory_space<hbm>>
        tpu.enqueue_indirect_dma source(%dma_start3A_403 : memref<8192x2048xf32, #tpu.memory_space<hbm>>) target(%arg11 : memref<4x2048xf32, #tpu.memory_space<vmem>>) offsets(%dma_start3A_400 : memref<4xi32, #tpu.memory_space<vmem>>) semaphore(%arg23 : memref<!tpu.dma_semaphore, #tpu.memory_space<semaphore_mem>>)
      } else {
      }
      %scan3A_260 = arith.constant 0 : i32
      %scan3A_261 = arith.constant 0 : i32
      %scan3A_262 = arith.constant 4 : i32
      %scan3A_263 = arith.addi %scan3A_261, %scan3A_262 : i32
      %scan3A_264 = arith.constant 1 : i32
      scf.for %scan3A_392 = %scan3A_261 to %scan3A_263 step %scan3A_264  : i32 {
        %scan3A_393 = arith.constant 0 : i32
        %scan3A_394 = arith.constant 0 : i32
        %scan3A_395 = arith.constant 128 : i32
        %scan3A_396 = arith.addi %scan3A_394, %scan3A_395 : i32
        %scan3A_397 = arith.constant 16 : i32
        scf.for %scan3A_399 = %scan3A_394 to %scan3A_396 step %scan3A_397  : i32 {
          %mul3A_400 = arith.constant 16 : i32
          %mul3A_401 = arith.muli %scan3A_399, %mul3A_400 : i32
          %get3A = arith.index_cast %scan3A_392 : i32 to index
          %get3A_402 = arith.index_cast %mul3A_401 : i32 to index
          %get3A_403 = tpu.vector_load %arg7[%get3A, %get3A_402] {strides = array<i32>} : memref<4x2048xf32, #tpu.memory_space<vmem>>, vector<1x16xf32>,
          %get3A_404 = vector.shape_cast %get3A_403 : vector<1x16xf32> to vector<16xf32>
          %swap3A = arith.index_cast %scan3A_392 : i32 to index
          %swap3A_405 = arith.index_cast %mul3A_401 : i32 to index
          %swap3A_406 = tpu.vector_load %arg15[%swap3A, %swap3A_405] {strides = array<i32>} : memref<4x2048xf32, #tpu.memory_space<vmem>>, vector<1x16xf32>,
          %swap3A_407 = vector.shape_cast %swap3A_406 : vector<1x16xf32> to vector<16xf32>
          %swap3A_408 = vector.shape_cast %get3A_404 : vector<16xf32> to vector<1x16xf32>
          tpu.vector_store %arg15[%swap3A, %swap3A_405], %swap3A_408 {add = true, strides = array<i32>} : memref<4x2048xf32, #tpu.memory_space<vmem>>, vector<1x16xf32>,
          %scan3A_409 = arith.constant 1 : i32
          %scan3A_410 = arith.addi %scan3A_399, %scan3A_409 : i32
          %mul3A_411 = arith.constant 16 : i32
          %mul3A_412 = arith.muli %scan3A_410, %mul3A_411 : i32
          %get3A_413 = arith.index_cast %scan3A_392 : i32 to index
          %get3A_414 = arith.index_cast %mul3A_412 : i32 to index
          %get3A_415 = tpu.vector_load %arg7[%get3A_413, %get3A_414] {strides = array<i32>} : memref<4x2048xf32, #tpu.memory_space<vmem>>, vector<1x16xf32>,
          %get3A_416 = vector.shape_cast %get3A_415 : vector<1x16xf32> to vector<16xf32>
          %swap3A_417 = arith.index_cast %scan3A_392 : i32 to index
          %swap3A_418 = arith.index_cast %mul3A_412 : i32 to index
          %swap3A_419 = tpu.vector_load %arg15[%swap3A_417, %swap3A_418] {strides = array<i32>} : memref<4x2048xf32, #tpu.memory_space<vmem>>, vector<1x16xf32>,
          %swap3A_420 = vector.shape_cast %swap3A_419 : vector<1x16xf32> to vector<16xf32>
          %swap3A_421 = vector.shape_cast %get3A_416 : vector<16xf32> to vector<1x16xf32>
          tpu.vector_store %arg15[%swap3A_417, %swap3A_418], %swap3A_421 {add = true, strides = array<i32>} : memref<4x2048xf32, #tpu.memory_space<vmem>>, vector<1x16xf32>,
          %scan3A_422 = arith.constant 2 : i32
          %scan3A_423 = arith.addi %scan3A_399, %scan3A_422 : i32
          %mul3A_424 = arith.constant 16 : i32
          %mul3A_425 = arith.muli %scan3A_423, %mul3A_424 : i32
          %get3A_426 = arith.index_cast %scan3A_392 : i32 to index
          %get3A_427 = arith.index_cast %mul3A_425 : i32 to index
          %get3A_428 = tpu.vector_load %arg7[%get3A_426, %get3A_427] {strides = array<i32>} : memref<4x2048xf32, #tpu.memory_space<vmem>>, vector<1x16xf32>,
          %get3A_429 = vector.shape_cast %get3A_428 : vector<1x16xf32> to vector<16xf32>
          %swap3A_430 = arith.index_cast %scan3A_392 : i32 to index
          %swap3A_431 = arith.index_cast %mul3A_425 : i32 to index
          %swap3A_432 = tpu.vector_load %arg15[%swap3A_430, %swap3A_431] {strides = array<i32>} : memref<4x2048xf32, #tpu.memory_space<vmem>>, vector<1x16xf32>,
          %swap3A_433 = vector.shape_cast %swap3A_432 : vector<1x16xf32> to vector<16xf32>
          %swap3A_434 = vector.shape_cast %get3A_429 : vector<16xf32> to vector<1x16xf32>
          tpu.vector_store %arg15[%swap3A_430, %swap3A_431], %swap3A_434 {add = true, strides = array<i32>} : memref<4x2048xf32, #tpu.memory_space<vmem>>, vector<1x16xf32>,
          %scan3A_435 = arith.constant 3 : i32
          %scan3A_436 = arith.addi %scan3A_399, %scan3A_435 : i32
          %mul3A_437 = arith.constant 16 : i32
          %mul3A_438 = arith.muli %scan3A_436, %mul3A_437 : i32
          %get3A_439 = arith.index_cast %scan3A_392 : i32 to index
          %get3A_440 = arith.index_cast %mul3A_438 : i32 to index
          %get3A_441 = tpu.vector_load %arg7[%get3A_439, %get3A_440] {strides = array<i32>} : memref<4x2048xf32, #tpu.memory_space<vmem>>, vector<1x16xf32>,
          %get3A_442 = vector.shape_cast %get3A_441 : vector<1x16xf32> to vector<16xf32>
          %swap3A_443 = arith.index_cast %scan3A_392 : i32 to index
          %swap3A_444 = arith.index_cast %mul3A_438 : i32 to index
          %swap3A_445 = tpu.vector_load %arg15[%swap3A_443, %swap3A_444] {strides = array<i32>} : memref<4x2048xf32, #tpu.memory_space<vmem>>, vector<1x16xf32>,
          %swap3A_446 = vector.shape_cast %swap3A_445 : vector<1x16xf32> to vector<16xf32>
          %swap3A_447 = vector.shape_cast %get3A_442 : vector<16xf32> to vector<1x16xf32>
          tpu.vector_store %arg15[%swap3A_443, %swap3A_444], %swap3A_447 {add = true, strides = array<i32>} : memref<4x2048xf32, #tpu.memory_space<vmem>>, vector<1x16xf32>,
          %scan3A_448 = arith.constant 4 : i32
          %scan3A_449 = arith.addi %scan3A_399, %scan3A_448 : i32
          %mul3A_450 = arith.constant 16 : i32
          %mul3A_451 = arith.muli %scan3A_449, %mul3A_450 : i32
          %get3A_452 = arith.index_cast %scan3A_392 : i32 to index
          %get3A_453 = arith.index_cast %mul3A_451 : i32 to index
          %get3A_454 = tpu.vector_load %arg7[%get3A_452, %get3A_453] {strides = array<i32>} : memref<4x2048xf32, #tpu.memory_space<vmem>>, vector<1x16xf32>,
          %get3A_455 = vector.shape_cast %get3A_454 : vector<1x16xf32> to vector<16xf32>
          %swap3A_456 = arith.index_cast %scan3A_392 : i32 to index
          %swap3A_457 = arith.index_cast %mul3A_451 : i32 to index
          %swap3A_458 = tpu.vector_load %arg15[%swap3A_456, %swap3A_457] {strides = array<i32>} : memref<4x2048xf32, #tpu.memory_space<vmem>>, vector<1x16xf32>,
          %swap3A_459 = vector.shape_cast %swap3A_458 : vector<1x16xf32> to vector<16xf32>
          %swap3A_460 = vector.shape_cast %get3A_455 : vector<16xf32> to vector<1x16xf32>
          tpu.vector_store %arg15[%swap3A_456, %swap3A_457], %swap3A_460 {add = true, strides = array<i32>} : memref<4x2048xf32, #tpu.memory_space<vmem>>, vector<1x16xf32>,
          %scan3A_461 = arith.constant 5 : i32
          %scan3A_462 = arith.addi %scan3A_399, %scan3A_461 : i32
          %mul3A_463 = arith.constant 16 : i32
          %mul3A_464 = arith.muli %scan3A_462, %mul3A_463 : i32
          %get3A_465 = arith.index_cast %scan3A_392 : i32 to index
          %get3A_466 = arith.index_cast %mul3A_464 : i32 to index
          %get3A_467 = tpu.vector_load %arg7[%get3A_465, %get3A_466] {strides = array<i32>} : memref<4x2048xf32, #tpu.memory_space<vmem>>, vector<1x16xf32>,
          %get3A_468 = vector.shape_cast %get3A_467 : vector<1x16xf32> to vector<16xf32>
          %swap3A_469 = arith.index_cast %scan3A_392 : i32 to index
          %swap3A_470 = arith.index_cast %mul3A_464 : i32 to index
          %swap3A_471 = tpu.vector_load %arg15[%swap3A_469, %swap3A_470] {strides = array<i32>} : memref<4x2048xf32, #tpu.memory_space<vmem>>, vector<1x16xf32>,
          %swap3A_472 = vector.shape_cast %swap3A_471 : vector<1x16xf32> to vector<16xf32>
          %swap3A_473 = vector.shape_cast %get3A_468 : vector<16xf32> to vector<1x16xf32>
          tpu.vector_store %arg15[%swap3A_469, %swap3A_470], %swap3A_473 {add = true, strides = array<i32>} : memref<4x2048xf32, #tpu.memory_space<vmem>>, vector<1x16xf32>,
          %scan3A_474 = arith.constant 6 : i32
          %scan3A_475 = arith.addi %scan3A_399, %scan3A_474 : i32
          %mul3A_476 = arith.constant 16 : i32
          %mul3A_477 = arith.muli %scan3A_475, %mul3A_476 : i32
          %get3A_478 = arith.index_cast %scan3A_392 : i32 to index
          %get3A_479 = arith.index_cast %mul3A_477 : i32 to index
          %get3A_480 = tpu.vector_load %arg7[%get3A_478, %get3A_479] {strides = array<i32>} : memref<4x2048xf32, #tpu.memory_space<vmem>>, vector<1x16xf32>,
          %get3A_481 = vector.shape_cast %get3A_480 : vector<1x16xf32> to vector<16xf32>
          %swap3A_482 = arith.index_cast %scan3A_392 : i32 to index
          %swap3A_483 = arith.index_cast %mul3A_477 : i32 to index
          %swap3A_484 = tpu.vector_load %arg15[%swap3A_482, %swap3A_483] {strides = array<i32>} : memref<4x2048xf32, #tpu.memory_space<vmem>>, vector<1x16xf32>,
          %swap3A_485 = vector.shape_cast %swap3A_484 : vector<1x16xf32> to vector<16xf32>
          %swap3A_486 = vector.shape_cast %get3A_481 : vector<16xf32> to vector<1x16xf32>
          tpu.vector_store %arg15[%swap3A_482, %swap3A_483], %swap3A_486 {add = true, strides = array<i32>} : memref<4x2048xf32, #tpu.memory_space<vmem>>, vector<1x16xf32>,
          %scan3A_487 = arith.constant 7 : i32
          %scan3A_488 = arith.addi %scan3A_399, %scan3A_487 : i32
          %mul3A_489 = arith.constant 16 : i32
          %mul3A_490 = arith.muli %scan3A_488, %mul3A_489 : i32
          %get3A_491 = arith.index_cast %scan3A_392 : i32 to index
          %get3A_492 = arith.index_cast %mul3A_490 : i32 to index
          %get3A_493 = tpu.vector_load %arg7[%get3A_491, %get3A_492] {strides = array<i32>} : memref<4x2048xf32, #tpu.memory_space<vmem>>, vector<1x16xf32>,
          %get3A_494 = vector.shape_cast %get3A_493 : vector<1x16xf32> to vector<16xf32>
          %swap3A_495 = arith.index_cast %scan3A_392 : i32 to index
          %swap3A_496 = arith.index_cast %mul3A_490 : i32 to index
          %swap3A_497 = tpu.vector_load %arg15[%swap3A_495, %swap3A_496] {strides = array<i32>} : memref<4x2048xf32, #tpu.memory_space<vmem>>, vector<1x16xf32>,
          %swap3A_498 = vector.shape_cast %swap3A_497 : vector<1x16xf32> to vector<16xf32>
          %swap3A_499 = vector.shape_cast %get3A_494 : vector<16xf32> to vector<1x16xf32>
          tpu.vector_store %arg15[%swap3A_495, %swap3A_496], %swap3A_499 {add = true, strides = array<i32>} : memref<4x2048xf32, #tpu.memory_space<vmem>>, vector<1x16xf32>,
          %scan3A_500 = arith.constant 8 : i32
          %scan3A_501 = arith.addi %scan3A_399, %scan3A_500 : i32
          %mul3A_502 = arith.constant 16 : i32
          %mul3A_503 = arith.muli %scan3A_501, %mul3A_502 : i32
          %get3A_504 = arith.index_cast %scan3A_392 : i32 to index
          %get3A_505 = arith.index_cast %mul3A_503 : i32 to index
          %get3A_506 = tpu.vector_load %arg7[%get3A_504, %get3A_505] {strides = array<i32>} : memref<4x2048xf32, #tpu.memory_space<vmem>>, vector<1x16xf32>,
          %get3A_507 = vector.shape_cast %get3A_506 : vector<1x16xf32> to vector<16xf32>
          %swap3A_508 = arith.index_cast %scan3A_392 : i32 to index
          %swap3A_509 = arith.index_cast %mul3A_503 : i32 to index
          %swap3A_510 = tpu.vector_load %arg15[%swap3A_508, %swap3A_509] {strides = array<i32>} : memref<4x2048xf32, #tpu.memory_space<vmem>>, vector<1x16xf32>,
          %swap3A_511 = vector.shape_cast %swap3A_510 : vector<1x16xf32> to vector<16xf32>
          %swap3A_512 = vector.shape_cast %get3A_507 : vector<16xf32> to vector<1x16xf32>
          tpu.vector_store %arg15[%swap3A_508, %swap3A_509], %swap3A_512 {add = true, strides = array<i32>} : memref<4x2048xf32, #tpu.memory_space<vmem>>, vector<1x16xf32>,
          %scan3A_513 = arith.constant 9 : i32
          %scan3A_514 = arith.addi %scan3A_399, %scan3A_513 : i32
          %mul3A_515 = arith.constant 16 : i32
          %mul3A_516 = arith.muli %scan3A_514, %mul3A_515 : i32
          %get3A_517 = arith.index_cast %scan3A_392 : i32 to index
          %get3A_518 = arith.index_cast %mul3A_516 : i32 to index
          %get3A_519 = tpu.vector_load %arg7[%get3A_517, %get3A_518] {strides = array<i32>} : memref<4x2048xf32, #tpu.memory_space<vmem>>, vector<1x16xf32>,
          %get3A_520 = vector.shape_cast %get3A_519 : vector<1x16xf32> to vector<16xf32>
          %swap3A_521 = arith.index_cast %scan3A_392 : i32 to index
          %swap3A_522 = arith.index_cast %mul3A_516 : i32 to index
          %swap3A_523 = tpu.vector_load %arg15[%swap3A_521, %swap3A_522] {strides = array<i32>} : memref<4x2048xf32, #tpu.memory_space<vmem>>, vector<1x16xf32>,
          %swap3A_524 = vector.shape_cast %swap3A_523 : vector<1x16xf32> to vector<16xf32>
          %swap3A_525 = vector.shape_cast %get3A_520 : vector<16xf32> to vector<1x16xf32>
          tpu.vector_store %arg15[%swap3A_521, %swap3A_522], %swap3A_525 {add = true, strides = array<i32>} : memref<4x2048xf32, #tpu.memory_space<vmem>>, vector<1x16xf32>,
          %scan3A_526 = arith.constant 10 : i32
          %scan3A_527 = arith.addi %scan3A_399, %scan3A_526 : i32
          %mul3A_528 = arith.constant 16 : i32
          %mul3A_529 = arith.muli %scan3A_527, %mul3A_528 : i32
          %get3A_530 = arith.index_cast %scan3A_392 : i32 to index
          %get3A_531 = arith.index_cast %mul3A_529 : i32 to index
          %get3A_532 = tpu.vector_load %arg7[%get3A_530, %get3A_531] {strides = array<i32>} : memref<4x2048xf32, #tpu.memory_space<vmem>>, vector<1x16xf32>,
          %get3A_533 = vector.shape_cast %get3A_532 : vector<1x16xf32> to vector<16xf32>
          %swap3A_534 = arith.index_cast %scan3A_392 : i32 to index
          %swap3A_535 = arith.index_cast %mul3A_529 : i32 to index
          %swap3A_536 = tpu.vector_load %arg15[%swap3A_534, %swap3A_535] {strides = array<i32>} : memref<4x2048xf32, #tpu.memory_space<vmem>>, vector<1x16xf32>,
          %swap3A_537 = vector.shape_cast %swap3A_536 : vector<1x16xf32> to vector<16xf32>
          %swap3A_538 = vector.shape_cast %get3A_533 : vector<16xf32> to vector<1x16xf32>
          tpu.vector_store %arg15[%swap3A_534, %swap3A_535], %swap3A_538 {add = true, strides = array<i32>} : memref<4x2048xf32, #tpu.memory_space<vmem>>, vector<1x16xf32>,
          %scan3A_539 = arith.constant 11 : i32
          %scan3A_540 = arith.addi %scan3A_399, %scan3A_539 : i32
          %mul3A_541 = arith.constant 16 : i32
          %mul3A_542 = arith.muli %scan3A_540, %mul3A_541 : i32
          %get3A_543 = arith.index_cast %scan3A_392 : i32 to index
          %get3A_544 = arith.index_cast %mul3A_542 : i32 to index
          %get3A_545 = tpu.vector_load %arg7[%get3A_543, %get3A_544] {strides = array<i32>} : memref<4x2048xf32, #tpu.memory_space<vmem>>, vector<1x16xf32>,
          %get3A_546 = vector.shape_cast %get3A_545 : vector<1x16xf32> to vector<16xf32>
          %swap3A_547 = arith.index_cast %scan3A_392 : i32 to index
          %swap3A_548 = arith.index_cast %mul3A_542 : i32 to index
          %swap3A_549 = tpu.vector_load %arg15[%swap3A_547, %swap3A_548] {strides = array<i32>} : memref<4x2048xf32, #tpu.memory_space<vmem>>, vector<1x16xf32>,
          %swap3A_550 = vector.shape_cast %swap3A_549 : vector<1x16xf32> to vector<16xf32>
          %swap3A_551 = vector.shape_cast %get3A_546 : vector<16xf32> to vector<1x16xf32>
          tpu.vector_store %arg15[%swap3A_547, %swap3A_548], %swap3A_551 {add = true, strides = array<i32>} : memref<4x2048xf32, #tpu.memory_space<vmem>>, vector<1x16xf32>,
          %scan3A_552 = arith.constant 12 : i32
          %scan3A_553 = arith.addi %scan3A_399, %scan3A_552 : i32
          %mul3A_554 = arith.constant 16 : i32
          %mul3A_555 = arith.muli %scan3A_553, %mul3A_554 : i32
          %get3A_556 = arith.index_cast %scan3A_392 : i32 to index
          %get3A_557 = arith.index_cast %mul3A_555 : i32 to index
          %get3A_558 = tpu.vector_load %arg7[%get3A_556, %get3A_557] {strides = array<i32>} : memref<4x2048xf32, #tpu.memory_space<vmem>>, vector<1x16xf32>,
          %get3A_559 = vector.shape_cast %get3A_558 : vector<1x16xf32> to vector<16xf32>
          %swap3A_560 = arith.index_cast %scan3A_392 : i32 to index
          %swap3A_561 = arith.index_cast %mul3A_555 : i32 to index
          %swap3A_562 = tpu.vector_load %arg15[%swap3A_560, %swap3A_561] {strides = array<i32>} : memref<4x2048xf32, #tpu.memory_space<vmem>>, vector<1x16xf32>,
          %swap3A_563 = vector.shape_cast %swap3A_562 : vector<1x16xf32> to vector<16xf32>
          %swap3A_564 = vector.shape_cast %get3A_559 : vector<16xf32> to vector<1x16xf32>
          tpu.vector_store %arg15[%swap3A_560, %swap3A_561], %swap3A_564 {add = true, strides = array<i32>} : memref<4x2048xf32, #tpu.memory_space<vmem>>, vector<1x16xf32>,
          %scan3A_565 = arith.constant 13 : i32
          %scan3A_566 = arith.addi %scan3A_399, %scan3A_565 : i32
          %mul3A_567 = arith.constant 16 : i32
          %mul3A_568 = arith.muli %scan3A_566, %mul3A_567 : i32
          %get3A_569 = arith.index_cast %scan3A_392 : i32 to index
          %get3A_570 = arith.index_cast %mul3A_568 : i32 to index
          %get3A_571 = tpu.vector_load %arg7[%get3A_569, %get3A_570] {strides = array<i32>} : memref<4x2048xf32, #tpu.memory_space<vmem>>, vector<1x16xf32>,
          %get3A_572 = vector.shape_cast %get3A_571 : vector<1x16xf32> to vector<16xf32>
          %swap3A_573 = arith.index_cast %scan3A_392 : i32 to index
          %swap3A_574 = arith.index_cast %mul3A_568 : i32 to index
          %swap3A_575 = tpu.vector_load %arg15[%swap3A_573, %swap3A_574] {strides = array<i32>} : memref<4x2048xf32, #tpu.memory_space<vmem>>, vector<1x16xf32>,
          %swap3A_576 = vector.shape_cast %swap3A_575 : vector<1x16xf32> to vector<16xf32>
          %swap3A_577 = vector.shape_cast %get3A_572 : vector<16xf32> to vector<1x16xf32>
          tpu.vector_store %arg15[%swap3A_573, %swap3A_574], %swap3A_577 {add = true, strides = array<i32>} : memref<4x2048xf32, #tpu.memory_space<vmem>>, vector<1x16xf32>,
          %scan3A_578 = arith.constant 14 : i32
          %scan3A_579 = arith.addi %scan3A_399, %scan3A_578 : i32
          %mul3A_580 = arith.constant 16 : i32
          %mul3A_581 = arith.muli %scan3A_579, %mul3A_580 : i32
          %get3A_582 = arith.index_cast %scan3A_392 : i32 to index
          %get3A_583 = arith.index_cast %mul3A_581 : i32 to index
          %get3A_584 = tpu.vector_load %arg7[%get3A_582, %get3A_583] {strides = array<i32>} : memref<4x2048xf32, #tpu.memory_space<vmem>>, vector<1x16xf32>,
          %get3A_585 = vector.shape_cast %get3A_584 : vector<1x16xf32> to vector<16xf32>
          %swap3A_586 = arith.index_cast %scan3A_392 : i32 to index
          %swap3A_587 = arith.index_cast %mul3A_581 : i32 to index
          %swap3A_588 = tpu.vector_load %arg15[%swap3A_586, %swap3A_587] {strides = array<i32>} : memref<4x2048xf32, #tpu.memory_space<vmem>>, vector<1x16xf32>,
          %swap3A_589 = vector.shape_cast %swap3A_588 : vector<1x16xf32> to vector<16xf32>
          %swap3A_590 = vector.shape_cast %get3A_585 : vector<16xf32> to vector<1x16xf32>
          tpu.vector_store %arg15[%swap3A_586, %swap3A_587], %swap3A_590 {add = true, strides = array<i32>} : memref<4x2048xf32, #tpu.memory_space<vmem>>, vector<1x16xf32>,
          %scan3A_591 = arith.constant 15 : i32
          %scan3A_592 = arith.addi %scan3A_399, %scan3A_591 : i32
          %mul3A_593 = arith.constant 16 : i32
          %mul3A_594 = arith.muli %scan3A_592, %mul3A_593 : i32
          %get3A_595 = arith.index_cast %scan3A_392 : i32 to index
          %get3A_596 = arith.index_cast %mul3A_594 : i32 to index
          %get3A_597 = tpu.vector_load %arg7[%get3A_595, %get3A_596] {strides = array<i32>} : memref<4x2048xf32, #tpu.memory_space<vmem>>, vector<1x16xf32>,
          %get3A_598 = vector.shape_cast %get3A_597 : vector<1x16xf32> to vector<16xf32>
          %swap3A_599 = arith.index_cast %scan3A_392 : i32 to index
          %swap3A_600 = arith.index_cast %mul3A_594 : i32 to index
          %swap3A_601 = tpu.vector_load %arg15[%swap3A_599, %swap3A_600] {strides = array<i32>} : memref<4x2048xf32, #tpu.memory_space<vmem>>, vector<1x16xf32>,
          %swap3A_602 = vector.shape_cast %swap3A_601 : vector<1x16xf32> to vector<16xf32>
          %swap3A_603 = vector.shape_cast %get3A_598 : vector<16xf32> to vector<1x16xf32>
          tpu.vector_store %arg15[%swap3A_599, %swap3A_600], %swap3A_603 {add = true, strides = array<i32>} : memref<4x2048xf32, #tpu.memory_space<vmem>>, vector<1x16xf32>,
        }
        %scan3A_398 = arith.constant 128 : i32
      }
      %scan3A_265 = arith.constant 4 : i32
      %mul3A_266 = arith.constant 4 : i32
      %mul3A_267 = arith.muli %add3A_243, %mul3A_266 : i32
      %add3A_268 = arith.addi %mul3A_2, %mul3A_267 : i32
      %dma_start3A_269 = arith.constant 0 : i32
      %dma_start3A_270 = tpu.memref_slice %arg5[%add3A_268, %dma_start3A_269] : memref<16384x2048xf32, #tpu.memory_space<hbm>> -> memref<4x2048xf32, #tpu.memory_space<hbm>>
      %dma_start3A_271 = arith.constant 0 : i32
      %dma_start3A_272 = tpu.memref_slice %arg5[%add3A_268, %dma_start3A_271] : memref<16384x2048xf32, #tpu.memory_space<hbm>> -> memref<4x2048xf32, #tpu.memory_space<hbm>>
      tpu.enqueue_dma source(%arg15 : memref<4x2048xf32, #tpu.memory_space<vmem>>) target(%dma_start3A_272 : memref<4x2048xf32, #tpu.memory_space<hbm>>) target_semaphore(%arg35 : memref<!tpu.dma_semaphore, #tpu.memory_space<semaphore_mem>>)
      %lt3A_273 = arith.constant 124 : i32
      %lt3A_274 = arith.cmpi slt, %add3A_243, %lt3A_273 : i32
      %convert_element_type3A_275 = arith.extui %lt3A_274 : i1 to i32
      %cond3A_276 = arith.constant 0 : i32
      %cond3A_277 = arith.cmpi ne, %convert_element_type3A_275, %cond3A_276 : i32
      scf.if %cond3A_277 {
        %add3A_392 = arith.constant 4 : i32
        %add3A_393 = arith.addi %add3A_243, %add3A_392 : i32
        %mul3A_394 = arith.constant 4 : i32
        %mul3A_395 = arith.muli %add3A_393, %mul3A_394 : i32
        %add3A_396 = arith.addi %mul3A_2, %mul3A_395 : i32
        %dma_start3A_397 = arith.constant 0 : i32
        %dma_start3A_398 = tpu.memref_slice %arg2[%add3A_396, %dma_start3A_397] : memref<16384x2048xf32, #tpu.memory_space<hbm>> -> memref<4x2048xf32, #tpu.memory_space<hbm>>
        %dma_start3A_399 = arith.constant 0 : i32
        %dma_start3A_400 = tpu.memref_slice %arg2[%add3A_396, %dma_start3A_399] : memref<16384x2048xf32, #tpu.memory_space<hbm>> -> memref<4x2048xf32, #tpu.memory_space<hbm>>
        tpu.enqueue_dma source(%dma_start3A_400 : memref<4x2048xf32, #tpu.memory_space<hbm>>) target(%arg7 : memref<4x2048xf32, #tpu.memory_space<vmem>>) target_semaphore(%arg19 : memref<!tpu.dma_semaphore, #tpu.memory_space<semaphore_mem>>)
      } else {
      }
      %mul3A_278 = arith.constant 8 : i32
      %mul3A_279 = arith.muli %scan3A_90, %mul3A_278 : i32
      %add3A_280 = arith.constant 5 : i32
      %add3A_281 = arith.addi %mul3A_279, %add3A_280 : i32
      %dma_wait3A_282 = arith.constant 0 : i32
      %dma_wait3A_283 = tpu.memref_slice %arg2[%mul3A_2, %dma_wait3A_282] : memref<16384x2048xf32, #tpu.memory_space<hbm>> -> memref<4x2048xf32, #tpu.memory_space<hbm>>
      %dma_wait3A_284 = arith.constant 0 : i32
      %dma_wait3A_285 = tpu.memref_slice %arg2[%mul3A_2, %dma_wait3A_284] : memref<16384x2048xf32, #tpu.memory_space<hbm>> -> memref<4x2048xf32, #tpu.memory_space<hbm>>
      tpu.wait_dma2 semaphore(%arg20 : memref<!tpu.dma_semaphore, #tpu.memory_space<semaphore_mem>>) src(%dma_wait3A_285 : memref<4x2048xf32, #tpu.memory_space<hbm>>) dst(%arg8 : memref<4x2048xf32, #tpu.memory_space<vmem>>)
      %dma_wait3A_286 = arith.constant 0 : i32
      %dma_wait3A_287 = arith.constant 0 : i32
      %dma_wait3A_288 = tpu.memref_slice %arg6[%dma_wait3A_286, %dma_wait3A_287] : memref<128x4xi32, #tpu.memory_space<vmem>> -> memref<1x4xi32, #tpu.memory_space<vmem>>
      %dma_wait3A_289 = tpu.memref_squeeze %dma_wait3A_288 : memref<1x4xi32, #tpu.memory_space<vmem>> -> memref<4xi32, #tpu.memory_space<vmem>>
      %dma_wait3A_290 = arith.constant 0 : i32
      %dma_wait3A_291 = arith.constant 0 : i32
      %dma_wait3A_292 = tpu.memref_slice %arg4[%dma_wait3A_290, %dma_wait3A_291] : memref<8192x2048xf32, #tpu.memory_space<hbm>> -> memref<8192x2048xf32, #tpu.memory_space<hbm>>
      tpu.wait_indirect_dma semaphore(%arg28 : memref<!tpu.dma_semaphore, #tpu.memory_space<semaphore_mem>>) src(%dma_wait3A_292 : memref<8192x2048xf32, #tpu.memory_space<hbm>>) dst(%arg16 : memref<4x2048xf32, #tpu.memory_space<vmem>>)
      %lt3A_293 = arith.constant 124 : i32
      %lt3A_294 = arith.cmpi slt, %add3A_281, %lt3A_293 : i32
      %convert_element_type3A_295 = arith.extui %lt3A_294 : i1 to i32
      %cond3A_296 = arith.constant 0 : i32
      %cond3A_297 = arith.cmpi ne, %convert_element_type3A_295, %cond3A_296 : i32
      scf.if %cond3A_297 {
        %ge3A = arith.constant 4 : i32
        %ge3A_392 = arith.cmpi sge, %add3A_281, %ge3A : i32
        %convert_element_type3A_393 = arith.extui %ge3A_392 : i1 to i32
        %cond3A_394 = arith.constant 0 : i32
        %cond3A_395 = arith.cmpi ne, %convert_element_type3A_393, %cond3A_394 : i32
        scf.if %cond3A_395 {
          %dma_wait3A_404 = arith.constant 0 : i32
          %dma_wait3A_405 = tpu.memref_slice %arg5[%mul3A_2, %dma_wait3A_404] : memref<16384x2048xf32, #tpu.memory_space<hbm>> -> memref<4x2048xf32, #tpu.memory_space<hbm>>
          %dma_wait3A_406 = arith.constant 0 : i32
          %dma_wait3A_407 = tpu.memref_slice %arg5[%mul3A_2, %dma_wait3A_406] : memref<16384x2048xf32, #tpu.memory_space<hbm>> -> memref<4x2048xf32, #tpu.memory_space<hbm>>
          tpu.wait_dma2 semaphore(%arg32 : memref<!tpu.dma_semaphore, #tpu.memory_space<semaphore_mem>>) src(%arg12 : memref<4x2048xf32, #tpu.memory_space<vmem>>) dst(%dma_wait3A_407 : memref<4x2048xf32, #tpu.memory_space<hbm>>)
        } else {
        }
        %add3A_396 = arith.constant 4 : i32
        %add3A_397 = arith.addi %add3A_281, %add3A_396 : i32
        %dma_start3A_398 = arith.constant 0 : i32
        %dma_start3A_399 = tpu.memref_slice %arg6[%add3A_397, %dma_start3A_398] : memref<128x4xi32, #tpu.memory_space<vmem>> -> memref<1x4xi32, #tpu.memory_space<vmem>>
        %dma_start3A_400 = tpu.memref_squeeze %dma_start3A_399 : memref<1x4xi32, #tpu.memory_space<vmem>> -> memref<4xi32, #tpu.memory_space<vmem>>
        %dma_start3A_401 = arith.constant 0 : i32
        %dma_start3A_402 = arith.constant 0 : i32
        %dma_start3A_403 = tpu.memref_slice %arg4[%dma_start3A_401, %dma_start3A_402] : memref<8192x2048xf32, #tpu.memory_space<hbm>> -> memref<8192x2048xf32, #tpu.memory_space<hbm>>
        tpu.enqueue_indirect_dma source(%dma_start3A_403 : memref<8192x2048xf32, #tpu.memory_space<hbm>>) target(%arg12 : memref<4x2048xf32, #tpu.memory_space<vmem>>) offsets(%dma_start3A_400 : memref<4xi32, #tpu.memory_space<vmem>>) semaphore(%arg24 : memref<!tpu.dma_semaphore, #tpu.memory_space<semaphore_mem>>)
      } else {
      }
      %scan3A_298 = arith.constant 0 : i32
      %scan3A_299 = arith.constant 0 : i32
      %scan3A_300 = arith.constant 4 : i32
      %scan3A_301 = arith.addi %scan3A_299, %scan3A_300 : i32
      %scan3A_302 = arith.constant 1 : i32
      scf.for %scan3A_392 = %scan3A_299 to %scan3A_301 step %scan3A_302  : i32 {
        %scan3A_393 = arith.constant 0 : i32
        %scan3A_394 = arith.constant 0 : i32
        %scan3A_395 = arith.constant 128 : i32
        %scan3A_396 = arith.addi %scan3A_394, %scan3A_395 : i32
        %scan3A_397 = arith.constant 16 : i32
        scf.for %scan3A_399 = %scan3A_394 to %scan3A_396 step %scan3A_397  : i32 {
          %mul3A_400 = arith.constant 16 : i32
          %mul3A_401 = arith.muli %scan3A_399, %mul3A_400 : i32
          %get3A = arith.index_cast %scan3A_392 : i32 to index
          %get3A_402 = arith.index_cast %mul3A_401 : i32 to index
          %get3A_403 = tpu.vector_load %arg8[%get3A, %get3A_402] {strides = array<i32>} : memref<4x2048xf32, #tpu.memory_space<vmem>>, vector<1x16xf32>,
          %get3A_404 = vector.shape_cast %get3A_403 : vector<1x16xf32> to vector<16xf32>
          %swap3A = arith.index_cast %scan3A_392 : i32 to index
          %swap3A_405 = arith.index_cast %mul3A_401 : i32 to index
          %swap3A_406 = tpu.vector_load %arg16[%swap3A, %swap3A_405] {strides = array<i32>} : memref<4x2048xf32, #tpu.memory_space<vmem>>, vector<1x16xf32>,
          %swap3A_407 = vector.shape_cast %swap3A_406 : vector<1x16xf32> to vector<16xf32>
          %swap3A_408 = vector.shape_cast %get3A_404 : vector<16xf32> to vector<1x16xf32>
          tpu.vector_store %arg16[%swap3A, %swap3A_405], %swap3A_408 {add = true, strides = array<i32>} : memref<4x2048xf32, #tpu.memory_space<vmem>>, vector<1x16xf32>,
          %scan3A_409 = arith.constant 1 : i32
          %scan3A_410 = arith.addi %scan3A_399, %scan3A_409 : i32
          %mul3A_411 = arith.constant 16 : i32
          %mul3A_412 = arith.muli %scan3A_410, %mul3A_411 : i32
          %get3A_413 = arith.index_cast %scan3A_392 : i32 to index
          %get3A_414 = arith.index_cast %mul3A_412 : i32 to index
          %get3A_415 = tpu.vector_load %arg8[%get3A_413, %get3A_414] {strides = array<i32>} : memref<4x2048xf32, #tpu.memory_space<vmem>>, vector<1x16xf32>,
          %get3A_416 = vector.shape_cast %get3A_415 : vector<1x16xf32> to vector<16xf32>
          %swap3A_417 = arith.index_cast %scan3A_392 : i32 to index
          %swap3A_418 = arith.index_cast %mul3A_412 : i32 to index
          %swap3A_419 = tpu.vector_load %arg16[%swap3A_417, %swap3A_418] {strides = array<i32>} : memref<4x2048xf32, #tpu.memory_space<vmem>>, vector<1x16xf32>,
          %swap3A_420 = vector.shape_cast %swap3A_419 : vector<1x16xf32> to vector<16xf32>
          %swap3A_421 = vector.shape_cast %get3A_416 : vector<16xf32> to vector<1x16xf32>
          tpu.vector_store %arg16[%swap3A_417, %swap3A_418], %swap3A_421 {add = true, strides = array<i32>} : memref<4x2048xf32, #tpu.memory_space<vmem>>, vector<1x16xf32>,
          %scan3A_422 = arith.constant 2 : i32
          %scan3A_423 = arith.addi %scan3A_399, %scan3A_422 : i32
          %mul3A_424 = arith.constant 16 : i32
          %mul3A_425 = arith.muli %scan3A_423, %mul3A_424 : i32
          %get3A_426 = arith.index_cast %scan3A_392 : i32 to index
          %get3A_427 = arith.index_cast %mul3A_425 : i32 to index
          %get3A_428 = tpu.vector_load %arg8[%get3A_426, %get3A_427] {strides = array<i32>} : memref<4x2048xf32, #tpu.memory_space<vmem>>, vector<1x16xf32>,
          %get3A_429 = vector.shape_cast %get3A_428 : vector<1x16xf32> to vector<16xf32>
          %swap3A_430 = arith.index_cast %scan3A_392 : i32 to index
          %swap3A_431 = arith.index_cast %mul3A_425 : i32 to index
          %swap3A_432 = tpu.vector_load %arg16[%swap3A_430, %swap3A_431] {strides = array<i32>} : memref<4x2048xf32, #tpu.memory_space<vmem>>, vector<1x16xf32>,
          %swap3A_433 = vector.shape_cast %swap3A_432 : vector<1x16xf32> to vector<16xf32>
          %swap3A_434 = vector.shape_cast %get3A_429 : vector<16xf32> to vector<1x16xf32>
          tpu.vector_store %arg16[%swap3A_430, %swap3A_431], %swap3A_434 {add = true, strides = array<i32>} : memref<4x2048xf32, #tpu.memory_space<vmem>>, vector<1x16xf32>,
          %scan3A_435 = arith.constant 3 : i32
          %scan3A_436 = arith.addi %scan3A_399, %scan3A_435 : i32
          %mul3A_437 = arith.constant 16 : i32
          %mul3A_438 = arith.muli %scan3A_436, %mul3A_437 : i32
          %get3A_439 = arith.index_cast %scan3A_392 : i32 to index
          %get3A_440 = arith.index_cast %mul3A_438 : i32 to index
          %get3A_441 = tpu.vector_load %arg8[%get3A_439, %get3A_440] {strides = array<i32>} : memref<4x2048xf32, #tpu.memory_space<vmem>>, vector<1x16xf32>,
          %get3A_442 = vector.shape_cast %get3A_441 : vector<1x16xf32> to vector<16xf32>
          %swap3A_443 = arith.index_cast %scan3A_392 : i32 to index
          %swap3A_444 = arith.index_cast %mul3A_438 : i32 to index
          %swap3A_445 = tpu.vector_load %arg16[%swap3A_443, %swap3A_444] {strides = array<i32>} : memref<4x2048xf32, #tpu.memory_space<vmem>>, vector<1x16xf32>,
          %swap3A_446 = vector.shape_cast %swap3A_445 : vector<1x16xf32> to vector<16xf32>
          %swap3A_447 = vector.shape_cast %get3A_442 : vector<16xf32> to vector<1x16xf32>
          tpu.vector_store %arg16[%swap3A_443, %swap3A_444], %swap3A_447 {add = true, strides = array<i32>} : memref<4x2048xf32, #tpu.memory_space<vmem>>, vector<1x16xf32>,
          %scan3A_448 = arith.constant 4 : i32
          %scan3A_449 = arith.addi %scan3A_399, %scan3A_448 : i32
          %mul3A_450 = arith.constant 16 : i32
          %mul3A_451 = arith.muli %scan3A_449, %mul3A_450 : i32
          %get3A_452 = arith.index_cast %scan3A_392 : i32 to index
          %get3A_453 = arith.index_cast %mul3A_451 : i32 to index
          %get3A_454 = tpu.vector_load %arg8[%get3A_452, %get3A_453] {strides = array<i32>} : memref<4x2048xf32, #tpu.memory_space<vmem>>, vector<1x16xf32>,
          %get3A_455 = vector.shape_cast %get3A_454 : vector<1x16xf32> to vector<16xf32>
          %swap3A_456 = arith.index_cast %scan3A_392 : i32 to index
          %swap3A_457 = arith.index_cast %mul3A_451 : i32 to index
          %swap3A_458 = tpu.vector_load %arg16[%swap3A_456, %swap3A_457] {strides = array<i32>} : memref<4x2048xf32, #tpu.memory_space<vmem>>, vector<1x16xf32>,
          %swap3A_459 = vector.shape_cast %swap3A_458 : vector<1x16xf32> to vector<16xf32>
          %swap3A_460 = vector.shape_cast %get3A_455 : vector<16xf32> to vector<1x16xf32>
          tpu.vector_store %arg16[%swap3A_456, %swap3A_457], %swap3A_460 {add = true, strides = array<i32>} : memref<4x2048xf32, #tpu.memory_space<vmem>>, vector<1x16xf32>,
          %scan3A_461 = arith.constant 5 : i32
          %scan3A_462 = arith.addi %scan3A_399, %scan3A_461 : i32
          %mul3A_463 = arith.constant 16 : i32
          %mul3A_464 = arith.muli %scan3A_462, %mul3A_463 : i32
          %get3A_465 = arith.index_cast %scan3A_392 : i32 to index
          %get3A_466 = arith.index_cast %mul3A_464 : i32 to index
          %get3A_467 = tpu.vector_load %arg8[%get3A_465, %get3A_466] {strides = array<i32>} : memref<4x2048xf32, #tpu.memory_space<vmem>>, vector<1x16xf32>,
          %get3A_468 = vector.shape_cast %get3A_467 : vector<1x16xf32> to vector<16xf32>
          %swap3A_469 = arith.index_cast %scan3A_392 : i32 to index
          %swap3A_470 = arith.index_cast %mul3A_464 : i32 to index
          %swap3A_471 = tpu.vector_load %arg16[%swap3A_469, %swap3A_470] {strides = array<i32>} : memref<4x2048xf32, #tpu.memory_space<vmem>>, vector<1x16xf32>,
          %swap3A_472 = vector.shape_cast %swap3A_471 : vector<1x16xf32> to vector<16xf32>
          %swap3A_473 = vector.shape_cast %get3A_468 : vector<16xf32> to vector<1x16xf32>
          tpu.vector_store %arg16[%swap3A_469, %swap3A_470], %swap3A_473 {add = true, strides = array<i32>} : memref<4x2048xf32, #tpu.memory_space<vmem>>, vector<1x16xf32>,
          %scan3A_474 = arith.constant 6 : i32
          %scan3A_475 = arith.addi %scan3A_399, %scan3A_474 : i32
          %mul3A_476 = arith.constant 16 : i32
          %mul3A_477 = arith.muli %scan3A_475, %mul3A_476 : i32
          %get3A_478 = arith.index_cast %scan3A_392 : i32 to index
          %get3A_479 = arith.index_cast %mul3A_477 : i32 to index
          %get3A_480 = tpu.vector_load %arg8[%get3A_478, %get3A_479] {strides = array<i32>} : memref<4x2048xf32, #tpu.memory_space<vmem>>, vector<1x16xf32>,
          %get3A_481 = vector.shape_cast %get3A_480 : vector<1x16xf32> to vector<16xf32>
          %swap3A_482 = arith.index_cast %scan3A_392 : i32 to index
          %swap3A_483 = arith.index_cast %mul3A_477 : i32 to index
          %swap3A_484 = tpu.vector_load %arg16[%swap3A_482, %swap3A_483] {strides = array<i32>} : memref<4x2048xf32, #tpu.memory_space<vmem>>, vector<1x16xf32>,
          %swap3A_485 = vector.shape_cast %swap3A_484 : vector<1x16xf32> to vector<16xf32>
          %swap3A_486 = vector.shape_cast %get3A_481 : vector<16xf32> to vector<1x16xf32>
          tpu.vector_store %arg16[%swap3A_482, %swap3A_483], %swap3A_486 {add = true, strides = array<i32>} : memref<4x2048xf32, #tpu.memory_space<vmem>>, vector<1x16xf32>,
          %scan3A_487 = arith.constant 7 : i32
          %scan3A_488 = arith.addi %scan3A_399, %scan3A_487 : i32
          %mul3A_489 = arith.constant 16 : i32
          %mul3A_490 = arith.muli %scan3A_488, %mul3A_489 : i32
          %get3A_491 = arith.index_cast %scan3A_392 : i32 to index
          %get3A_492 = arith.index_cast %mul3A_490 : i32 to index
          %get3A_493 = tpu.vector_load %arg8[%get3A_491, %get3A_492] {strides = array<i32>} : memref<4x2048xf32, #tpu.memory_space<vmem>>, vector<1x16xf32>,
          %get3A_494 = vector.shape_cast %get3A_493 : vector<1x16xf32> to vector<16xf32>
          %swap3A_495 = arith.index_cast %scan3A_392 : i32 to index
          %swap3A_496 = arith.index_cast %mul3A_490 : i32 to index
          %swap3A_497 = tpu.vector_load %arg16[%swap3A_495, %swap3A_496] {strides = array<i32>} : memref<4x2048xf32, #tpu.memory_space<vmem>>, vector<1x16xf32>,
          %swap3A_498 = vector.shape_cast %swap3A_497 : vector<1x16xf32> to vector<16xf32>
          %swap3A_499 = vector.shape_cast %get3A_494 : vector<16xf32> to vector<1x16xf32>
          tpu.vector_store %arg16[%swap3A_495, %swap3A_496], %swap3A_499 {add = true, strides = array<i32>} : memref<4x2048xf32, #tpu.memory_space<vmem>>, vector<1x16xf32>,
          %scan3A_500 = arith.constant 8 : i32
          %scan3A_501 = arith.addi %scan3A_399, %scan3A_500 : i32
          %mul3A_502 = arith.constant 16 : i32
          %mul3A_503 = arith.muli %scan3A_501, %mul3A_502 : i32
          %get3A_504 = arith.index_cast %scan3A_392 : i32 to index
          %get3A_505 = arith.index_cast %mul3A_503 : i32 to index
          %get3A_506 = tpu.vector_load %arg8[%get3A_504, %get3A_505] {strides = array<i32>} : memref<4x2048xf32, #tpu.memory_space<vmem>>, vector<1x16xf32>,
          %get3A_507 = vector.shape_cast %get3A_506 : vector<1x16xf32> to vector<16xf32>
          %swap3A_508 = arith.index_cast %scan3A_392 : i32 to index
          %swap3A_509 = arith.index_cast %mul3A_503 : i32 to index
          %swap3A_510 = tpu.vector_load %arg16[%swap3A_508, %swap3A_509] {strides = array<i32>} : memref<4x2048xf32, #tpu.memory_space<vmem>>, vector<1x16xf32>,
          %swap3A_511 = vector.shape_cast %swap3A_510 : vector<1x16xf32> to vector<16xf32>
          %swap3A_512 = vector.shape_cast %get3A_507 : vector<16xf32> to vector<1x16xf32>
          tpu.vector_store %arg16[%swap3A_508, %swap3A_509], %swap3A_512 {add = true, strides = array<i32>} : memref<4x2048xf32, #tpu.memory_space<vmem>>, vector<1x16xf32>,
          %scan3A_513 = arith.constant 9 : i32
          %scan3A_514 = arith.addi %scan3A_399, %scan3A_513 : i32
          %mul3A_515 = arith.constant 16 : i32
          %mul3A_516 = arith.muli %scan3A_514, %mul3A_515 : i32
          %get3A_517 = arith.index_cast %scan3A_392 : i32 to index
          %get3A_518 = arith.index_cast %mul3A_516 : i32 to index
          %get3A_519 = tpu.vector_load %arg8[%get3A_517, %get3A_518] {strides = array<i32>} : memref<4x2048xf32, #tpu.memory_space<vmem>>, vector<1x16xf32>,
          %get3A_520 = vector.shape_cast %get3A_519 : vector<1x16xf32> to vector<16xf32>
          %swap3A_521 = arith.index_cast %scan3A_392 : i32 to index
          %swap3A_522 = arith.index_cast %mul3A_516 : i32 to index
          %swap3A_523 = tpu.vector_load %arg16[%swap3A_521, %swap3A_522] {strides = array<i32>} : memref<4x2048xf32, #tpu.memory_space<vmem>>, vector<1x16xf32>,
          %swap3A_524 = vector.shape_cast %swap3A_523 : vector<1x16xf32> to vector<16xf32>
          %swap3A_525 = vector.shape_cast %get3A_520 : vector<16xf32> to vector<1x16xf32>
          tpu.vector_store %arg16[%swap3A_521, %swap3A_522], %swap3A_525 {add = true, strides = array<i32>} : memref<4x2048xf32, #tpu.memory_space<vmem>>, vector<1x16xf32>,
          %scan3A_526 = arith.constant 10 : i32
          %scan3A_527 = arith.addi %scan3A_399, %scan3A_526 : i32
          %mul3A_528 = arith.constant 16 : i32
          %mul3A_529 = arith.muli %scan3A_527, %mul3A_528 : i32
          %get3A_530 = arith.index_cast %scan3A_392 : i32 to index
          %get3A_531 = arith.index_cast %mul3A_529 : i32 to index
          %get3A_532 = tpu.vector_load %arg8[%get3A_530, %get3A_531] {strides = array<i32>} : memref<4x2048xf32, #tpu.memory_space<vmem>>, vector<1x16xf32>,
          %get3A_533 = vector.shape_cast %get3A_532 : vector<1x16xf32> to vector<16xf32>
          %swap3A_534 = arith.index_cast %scan3A_392 : i32 to index
          %swap3A_535 = arith.index_cast %mul3A_529 : i32 to index
          %swap3A_536 = tpu.vector_load %arg16[%swap3A_534, %swap3A_535] {strides = array<i32>} : memref<4x2048xf32, #tpu.memory_space<vmem>>, vector<1x16xf32>,
          %swap3A_537 = vector.shape_cast %swap3A_536 : vector<1x16xf32> to vector<16xf32>
          %swap3A_538 = vector.shape_cast %get3A_533 : vector<16xf32> to vector<1x16xf32>
          tpu.vector_store %arg16[%swap3A_534, %swap3A_535], %swap3A_538 {add = true, strides = array<i32>} : memref<4x2048xf32, #tpu.memory_space<vmem>>, vector<1x16xf32>,
          %scan3A_539 = arith.constant 11 : i32
          %scan3A_540 = arith.addi %scan3A_399, %scan3A_539 : i32
          %mul3A_541 = arith.constant 16 : i32
          %mul3A_542 = arith.muli %scan3A_540, %mul3A_541 : i32
          %get3A_543 = arith.index_cast %scan3A_392 : i32 to index
          %get3A_544 = arith.index_cast %mul3A_542 : i32 to index
          %get3A_545 = tpu.vector_load %arg8[%get3A_543, %get3A_544] {strides = array<i32>} : memref<4x2048xf32, #tpu.memory_space<vmem>>, vector<1x16xf32>,
          %get3A_546 = vector.shape_cast %get3A_545 : vector<1x16xf32> to vector<16xf32>
          %swap3A_547 = arith.index_cast %scan3A_392 : i32 to index
          %swap3A_548 = arith.index_cast %mul3A_542 : i32 to index
          %swap3A_549 = tpu.vector_load %arg16[%swap3A_547, %swap3A_548] {strides = array<i32>} : memref<4x2048xf32, #tpu.memory_space<vmem>>, vector<1x16xf32>,
          %swap3A_550 = vector.shape_cast %swap3A_549 : vector<1x16xf32> to vector<16xf32>
          %swap3A_551 = vector.shape_cast %get3A_546 : vector<16xf32> to vector<1x16xf32>
          tpu.vector_store %arg16[%swap3A_547, %swap3A_548], %swap3A_551 {add = true, strides = array<i32>} : memref<4x2048xf32, #tpu.memory_space<vmem>>, vector<1x16xf32>,
          %scan3A_552 = arith.constant 12 : i32
          %scan3A_553 = arith.addi %scan3A_399, %scan3A_552 : i32
          %mul3A_554 = arith.constant 16 : i32
          %mul3A_555 = arith.muli %scan3A_553, %mul3A_554 : i32
          %get3A_556 = arith.index_cast %scan3A_392 : i32 to index
          %get3A_557 = arith.index_cast %mul3A_555 : i32 to index
          %get3A_558 = tpu.vector_load %arg8[%get3A_556, %get3A_557] {strides = array<i32>} : memref<4x2048xf32, #tpu.memory_space<vmem>>, vector<1x16xf32>,
          %get3A_559 = vector.shape_cast %get3A_558 : vector<1x16xf32> to vector<16xf32>
          %swap3A_560 = arith.index_cast %scan3A_392 : i32 to index
          %swap3A_561 = arith.index_cast %mul3A_555 : i32 to index
          %swap3A_562 = tpu.vector_load %arg16[%swap3A_560, %swap3A_561] {strides = array<i32>} : memref<4x2048xf32, #tpu.memory_space<vmem>>, vector<1x16xf32>,
          %swap3A_563 = vector.shape_cast %swap3A_562 : vector<1x16xf32> to vector<16xf32>
          %swap3A_564 = vector.shape_cast %get3A_559 : vector<16xf32> to vector<1x16xf32>
          tpu.vector_store %arg16[%swap3A_560, %swap3A_561], %swap3A_564 {add = true, strides = array<i32>} : memref<4x2048xf32, #tpu.memory_space<vmem>>, vector<1x16xf32>,
          %scan3A_565 = arith.constant 13 : i32
          %scan3A_566 = arith.addi %scan3A_399, %scan3A_565 : i32
          %mul3A_567 = arith.constant 16 : i32
          %mul3A_568 = arith.muli %scan3A_566, %mul3A_567 : i32
          %get3A_569 = arith.index_cast %scan3A_392 : i32 to index
          %get3A_570 = arith.index_cast %mul3A_568 : i32 to index
          %get3A_571 = tpu.vector_load %arg8[%get3A_569, %get3A_570] {strides = array<i32>} : memref<4x2048xf32, #tpu.memory_space<vmem>>, vector<1x16xf32>,
          %get3A_572 = vector.shape_cast %get3A_571 : vector<1x16xf32> to vector<16xf32>
          %swap3A_573 = arith.index_cast %scan3A_392 : i32 to index
          %swap3A_574 = arith.index_cast %mul3A_568 : i32 to index
          %swap3A_575 = tpu.vector_load %arg16[%swap3A_573, %swap3A_574] {strides = array<i32>} : memref<4x2048xf32, #tpu.memory_space<vmem>>, vector<1x16xf32>,
          %swap3A_576 = vector.shape_cast %swap3A_575 : vector<1x16xf32> to vector<16xf32>
          %swap3A_577 = vector.shape_cast %get3A_572 : vector<16xf32> to vector<1x16xf32>
          tpu.vector_store %arg16[%swap3A_573, %swap3A_574], %swap3A_577 {add = true, strides = array<i32>} : memref<4x2048xf32, #tpu.memory_space<vmem>>, vector<1x16xf32>,
          %scan3A_578 = arith.constant 14 : i32
          %scan3A_579 = arith.addi %scan3A_399, %scan3A_578 : i32
          %mul3A_580 = arith.constant 16 : i32
          %mul3A_581 = arith.muli %scan3A_579, %mul3A_580 : i32
          %get3A_582 = arith.index_cast %scan3A_392 : i32 to index
          %get3A_583 = arith.index_cast %mul3A_581 : i32 to index
          %get3A_584 = tpu.vector_load %arg8[%get3A_582, %get3A_583] {strides = array<i32>} : memref<4x2048xf32, #tpu.memory_space<vmem>>, vector<1x16xf32>,
          %get3A_585 = vector.shape_cast %get3A_584 : vector<1x16xf32> to vector<16xf32>
          %swap3A_586 = arith.index_cast %scan3A_392 : i32 to index
          %swap3A_587 = arith.index_cast %mul3A_581 : i32 to index
          %swap3A_588 = tpu.vector_load %arg16[%swap3A_586, %swap3A_587] {strides = array<i32>} : memref<4x2048xf32, #tpu.memory_space<vmem>>, vector<1x16xf32>,
          %swap3A_589 = vector.shape_cast %swap3A_588 : vector<1x16xf32> to vector<16xf32>
          %swap3A_590 = vector.shape_cast %get3A_585 : vector<16xf32> to vector<1x16xf32>
          tpu.vector_store %arg16[%swap3A_586, %swap3A_587], %swap3A_590 {add = true, strides = array<i32>} : memref<4x2048xf32, #tpu.memory_space<vmem>>, vector<1x16xf32>,
          %scan3A_591 = arith.constant 15 : i32
          %scan3A_592 = arith.addi %scan3A_399, %scan3A_591 : i32
          %mul3A_593 = arith.constant 16 : i32
          %mul3A_594 = arith.muli %scan3A_592, %mul3A_593 : i32
          %get3A_595 = arith.index_cast %scan3A_392 : i32 to index
          %get3A_596 = arith.index_cast %mul3A_594 : i32 to index
          %get3A_597 = tpu.vector_load %arg8[%get3A_595, %get3A_596] {strides = array<i32>} : memref<4x2048xf32, #tpu.memory_space<vmem>>, vector<1x16xf32>,
          %get3A_598 = vector.shape_cast %get3A_597 : vector<1x16xf32> to vector<16xf32>
          %swap3A_599 = arith.index_cast %scan3A_392 : i32 to index
          %swap3A_600 = arith.index_cast %mul3A_594 : i32 to index
          %swap3A_601 = tpu.vector_load %arg16[%swap3A_599, %swap3A_600] {strides = array<i32>} : memref<4x2048xf32, #tpu.memory_space<vmem>>, vector<1x16xf32>,
          %swap3A_602 = vector.shape_cast %swap3A_601 : vector<1x16xf32> to vector<16xf32>
          %swap3A_603 = vector.shape_cast %get3A_598 : vector<16xf32> to vector<1x16xf32>
          tpu.vector_store %arg16[%swap3A_599, %swap3A_600], %swap3A_603 {add = true, strides = array<i32>} : memref<4x2048xf32, #tpu.memory_space<vmem>>, vector<1x16xf32>,
        }
        %scan3A_398 = arith.constant 128 : i32
      }
      %scan3A_303 = arith.constant 4 : i32
      %mul3A_304 = arith.constant 4 : i32
      %mul3A_305 = arith.muli %add3A_281, %mul3A_304 : i32
      %add3A_306 = arith.addi %mul3A_2, %mul3A_305 : i32
      %dma_start3A_307 = arith.constant 0 : i32
      %dma_start3A_308 = tpu.memref_slice %arg5[%add3A_306, %dma_start3A_307] : memref<16384x2048xf32, #tpu.memory_space<hbm>> -> memref<4x2048xf32, #tpu.memory_space<hbm>>
      %dma_start3A_309 = arith.constant 0 : i32
      %dma_start3A_310 = tpu.memref_slice %arg5[%add3A_306, %dma_start3A_309] : memref<16384x2048xf32, #tpu.memory_space<hbm>> -> memref<4x2048xf32, #tpu.memory_space<hbm>>
      tpu.enqueue_dma source(%arg16 : memref<4x2048xf32, #tpu.memory_space<vmem>>) target(%dma_start3A_310 : memref<4x2048xf32, #tpu.memory_space<hbm>>) target_semaphore(%arg36 : memref<!tpu.dma_semaphore, #tpu.memory_space<semaphore_mem>>)
      %lt3A_311 = arith.constant 124 : i32
      %lt3A_312 = arith.cmpi slt, %add3A_281, %lt3A_311 : i32
      %convert_element_type3A_313 = arith.extui %lt3A_312 : i1 to i32
      %cond3A_314 = arith.constant 0 : i32
      %cond3A_315 = arith.cmpi ne, %convert_element_type3A_313, %cond3A_314 : i32
      scf.if %cond3A_315 {
        %add3A_392 = arith.constant 4 : i32
        %add3A_393 = arith.addi %add3A_281, %add3A_392 : i32
        %mul3A_394 = arith.constant 4 : i32
        %mul3A_395 = arith.muli %add3A_393, %mul3A_394 : i32
        %add3A_396 = arith.addi %mul3A_2, %mul3A_395 : i32
        %dma_start3A_397 = arith.constant 0 : i32
        %dma_start3A_398 = tpu.memref_slice %arg2[%add3A_396, %dma_start3A_397] : memref<16384x2048xf32, #tpu.memory_space<hbm>> -> memref<4x2048xf32, #tpu.memory_space<hbm>>
        %dma_start3A_399 = arith.constant 0 : i32
        %dma_start3A_400 = tpu.memref_slice %arg2[%add3A_396, %dma_start3A_399] : memref<16384x2048xf32, #tpu.memory_space<hbm>> -> memref<4x2048xf32, #tpu.memory_space<hbm>>
        tpu.enqueue_dma source(%dma_start3A_400 : memref<4x2048xf32, #tpu.memory_space<hbm>>) target(%arg8 : memref<4x2048xf32, #tpu.memory_space<vmem>>) target_semaphore(%arg20 : memref<!tpu.dma_semaphore, #tpu.memory_space<semaphore_mem>>)
      } else {
      }
      %mul3A_316 = arith.constant 8 : i32
      %mul3A_317 = arith.muli %scan3A_90, %mul3A_316 : i32
      %add3A_318 = arith.constant 6 : i32
      %add3A_319 = arith.addi %mul3A_317, %add3A_318 : i32
      %dma_wait3A_320 = arith.constant 0 : i32
      %dma_wait3A_321 = tpu.memref_slice %arg2[%mul3A_2, %dma_wait3A_320] : memref<16384x2048xf32, #tpu.memory_space<hbm>> -> memref<4x2048xf32, #tpu.memory_space<hbm>>
      %dma_wait3A_322 = arith.constant 0 : i32
      %dma_wait3A_323 = tpu.memref_slice %arg2[%mul3A_2, %dma_wait3A_322] : memref<16384x2048xf32, #tpu.memory_space<hbm>> -> memref<4x2048xf32, #tpu.memory_space<hbm>>
      tpu.wait_dma2 semaphore(%arg21 : memref<!tpu.dma_semaphore, #tpu.memory_space<semaphore_mem>>) src(%dma_wait3A_323 : memref<4x2048xf32, #tpu.memory_space<hbm>>) dst(%arg9 : memref<4x2048xf32, #tpu.memory_space<vmem>>)
      %dma_wait3A_324 = arith.constant 0 : i32
      %dma_wait3A_325 = arith.constant 0 : i32
      %dma_wait3A_326 = tpu.memref_slice %arg6[%dma_wait3A_324, %dma_wait3A_325] : memref<128x4xi32, #tpu.memory_space<vmem>> -> memref<1x4xi32, #tpu.memory_space<vmem>>
      %dma_wait3A_327 = tpu.memref_squeeze %dma_wait3A_326 : memref<1x4xi32, #tpu.memory_space<vmem>> -> memref<4xi32, #tpu.memory_space<vmem>>
      %dma_wait3A_328 = arith.constant 0 : i32
      %dma_wait3A_329 = arith.constant 0 : i32
      %dma_wait3A_330 = tpu.memref_slice %arg4[%dma_wait3A_328, %dma_wait3A_329] : memref<8192x2048xf32, #tpu.memory_space<hbm>> -> memref<8192x2048xf32, #tpu.memory_space<hbm>>
      tpu.wait_indirect_dma semaphore(%arg29 : memref<!tpu.dma_semaphore, #tpu.memory_space<semaphore_mem>>) src(%dma_wait3A_330 : memref<8192x2048xf32, #tpu.memory_space<hbm>>) dst(%arg17 : memref<4x2048xf32, #tpu.memory_space<vmem>>)
      %lt3A_331 = arith.constant 124 : i32
      %lt3A_332 = arith.cmpi slt, %add3A_319, %lt3A_331 : i32
      %convert_element_type3A_333 = arith.extui %lt3A_332 : i1 to i32
      %cond3A_334 = arith.constant 0 : i32
      %cond3A_335 = arith.cmpi ne, %convert_element_type3A_333, %cond3A_334 : i32
      scf.if %cond3A_335 {
        %ge3A = arith.constant 4 : i32
        %ge3A_392 = arith.cmpi sge, %add3A_319, %ge3A : i32
        %convert_element_type3A_393 = arith.extui %ge3A_392 : i1 to i32
        %cond3A_394 = arith.constant 0 : i32
        %cond3A_395 = arith.cmpi ne, %convert_element_type3A_393, %cond3A_394 : i32
        scf.if %cond3A_395 {
          %dma_wait3A_404 = arith.constant 0 : i32
          %dma_wait3A_405 = tpu.memref_slice %arg5[%mul3A_2, %dma_wait3A_404] : memref<16384x2048xf32, #tpu.memory_space<hbm>> -> memref<4x2048xf32, #tpu.memory_space<hbm>>
          %dma_wait3A_406 = arith.constant 0 : i32
          %dma_wait3A_407 = tpu.memref_slice %arg5[%mul3A_2, %dma_wait3A_406] : memref<16384x2048xf32, #tpu.memory_space<hbm>> -> memref<4x2048xf32, #tpu.memory_space<hbm>>
          tpu.wait_dma2 semaphore(%arg33 : memref<!tpu.dma_semaphore, #tpu.memory_space<semaphore_mem>>) src(%arg13 : memref<4x2048xf32, #tpu.memory_space<vmem>>) dst(%dma_wait3A_407 : memref<4x2048xf32, #tpu.memory_space<hbm>>)
        } else {
        }
        %add3A_396 = arith.constant 4 : i32
        %add3A_397 = arith.addi %add3A_319, %add3A_396 : i32
        %dma_start3A_398 = arith.constant 0 : i32
        %dma_start3A_399 = tpu.memref_slice %arg6[%add3A_397, %dma_start3A_398] : memref<128x4xi32, #tpu.memory_space<vmem>> -> memref<1x4xi32, #tpu.memory_space<vmem>>
        %dma_start3A_400 = tpu.memref_squeeze %dma_start3A_399 : memref<1x4xi32, #tpu.memory_space<vmem>> -> memref<4xi32, #tpu.memory_space<vmem>>
        %dma_start3A_401 = arith.constant 0 : i32
        %dma_start3A_402 = arith.constant 0 : i32
        %dma_start3A_403 = tpu.memref_slice %arg4[%dma_start3A_401, %dma_start3A_402] : memref<8192x2048xf32, #tpu.memory_space<hbm>> -> memref<8192x2048xf32, #tpu.memory_space<hbm>>
        tpu.enqueue_indirect_dma source(%dma_start3A_403 : memref<8192x2048xf32, #tpu.memory_space<hbm>>) target(%arg13 : memref<4x2048xf32, #tpu.memory_space<vmem>>) offsets(%dma_start3A_400 : memref<4xi32, #tpu.memory_space<vmem>>) semaphore(%arg25 : memref<!tpu.dma_semaphore, #tpu.memory_space<semaphore_mem>>)
      } else {
      }
      %scan3A_336 = arith.constant 0 : i32
      %scan3A_337 = arith.constant 0 : i32
      %scan3A_338 = arith.constant 4 : i32
      %scan3A_339 = arith.addi %scan3A_337, %scan3A_338 : i32
      %scan3A_340 = arith.constant 1 : i32
      scf.for %scan3A_392 = %scan3A_337 to %scan3A_339 step %scan3A_340  : i32 {
        %scan3A_393 = arith.constant 0 : i32
        %scan3A_394 = arith.constant 0 : i32
        %scan3A_395 = arith.constant 128 : i32
        %scan3A_396 = arith.addi %scan3A_394, %scan3A_395 : i32
        %scan3A_397 = arith.constant 16 : i32
        scf.for %scan3A_399 = %scan3A_394 to %scan3A_396 step %scan3A_397  : i32 {
          %mul3A_400 = arith.constant 16 : i32
          %mul3A_401 = arith.muli %scan3A_399, %mul3A_400 : i32
          %get3A = arith.index_cast %scan3A_392 : i32 to index
          %get3A_402 = arith.index_cast %mul3A_401 : i32 to index
          %get3A_403 = tpu.vector_load %arg9[%get3A, %get3A_402] {strides = array<i32>} : memref<4x2048xf32, #tpu.memory_space<vmem>>, vector<1x16xf32>,
          %get3A_404 = vector.shape_cast %get3A_403 : vector<1x16xf32> to vector<16xf32>
          %swap3A = arith.index_cast %scan3A_392 : i32 to index
          %swap3A_405 = arith.index_cast %mul3A_401 : i32 to index
          %swap3A_406 = tpu.vector_load %arg17[%swap3A, %swap3A_405] {strides = array<i32>} : memref<4x2048xf32, #tpu.memory_space<vmem>>, vector<1x16xf32>,
          %swap3A_407 = vector.shape_cast %swap3A_406 : vector<1x16xf32> to vector<16xf32>
          %swap3A_408 = vector.shape_cast %get3A_404 : vector<16xf32> to vector<1x16xf32>
          tpu.vector_store %arg17[%swap3A, %swap3A_405], %swap3A_408 {add = true, strides = array<i32>} : memref<4x2048xf32, #tpu.memory_space<vmem>>, vector<1x16xf32>,
          %scan3A_409 = arith.constant 1 : i32
          %scan3A_410 = arith.addi %scan3A_399, %scan3A_409 : i32
          %mul3A_411 = arith.constant 16 : i32
          %mul3A_412 = arith.muli %scan3A_410, %mul3A_411 : i32
          %get3A_413 = arith.index_cast %scan3A_392 : i32 to index
          %get3A_414 = arith.index_cast %mul3A_412 : i32 to index
          %get3A_415 = tpu.vector_load %arg9[%get3A_413, %get3A_414] {strides = array<i32>} : memref<4x2048xf32, #tpu.memory_space<vmem>>, vector<1x16xf32>,
          %get3A_416 = vector.shape_cast %get3A_415 : vector<1x16xf32> to vector<16xf32>
          %swap3A_417 = arith.index_cast %scan3A_392 : i32 to index
          %swap3A_418 = arith.index_cast %mul3A_412 : i32 to index
          %swap3A_419 = tpu.vector_load %arg17[%swap3A_417, %swap3A_418] {strides = array<i32>} : memref<4x2048xf32, #tpu.memory_space<vmem>>, vector<1x16xf32>,
          %swap3A_420 = vector.shape_cast %swap3A_419 : vector<1x16xf32> to vector<16xf32>
          %swap3A_421 = vector.shape_cast %get3A_416 : vector<16xf32> to vector<1x16xf32>
          tpu.vector_store %arg17[%swap3A_417, %swap3A_418], %swap3A_421 {add = true, strides = array<i32>} : memref<4x2048xf32, #tpu.memory_space<vmem>>, vector<1x16xf32>,
          %scan3A_422 = arith.constant 2 : i32
          %scan3A_423 = arith.addi %scan3A_399, %scan3A_422 : i32
          %mul3A_424 = arith.constant 16 : i32
          %mul3A_425 = arith.muli %scan3A_423, %mul3A_424 : i32
          %get3A_426 = arith.index_cast %scan3A_392 : i32 to index
          %get3A_427 = arith.index_cast %mul3A_425 : i32 to index
          %get3A_428 = tpu.vector_load %arg9[%get3A_426, %get3A_427] {strides = array<i32>} : memref<4x2048xf32, #tpu.memory_space<vmem>>, vector<1x16xf32>,
          %get3A_429 = vector.shape_cast %get3A_428 : vector<1x16xf32> to vector<16xf32>
          %swap3A_430 = arith.index_cast %scan3A_392 : i32 to index
          %swap3A_431 = arith.index_cast %mul3A_425 : i32 to index
          %swap3A_432 = tpu.vector_load %arg17[%swap3A_430, %swap3A_431] {strides = array<i32>} : memref<4x2048xf32, #tpu.memory_space<vmem>>, vector<1x16xf32>,
          %swap3A_433 = vector.shape_cast %swap3A_432 : vector<1x16xf32> to vector<16xf32>
          %swap3A_434 = vector.shape_cast %get3A_429 : vector<16xf32> to vector<1x16xf32>
          tpu.vector_store %arg17[%swap3A_430, %swap3A_431], %swap3A_434 {add = true, strides = array<i32>} : memref<4x2048xf32, #tpu.memory_space<vmem>>, vector<1x16xf32>,
          %scan3A_435 = arith.constant 3 : i32
          %scan3A_436 = arith.addi %scan3A_399, %scan3A_435 : i32
          %mul3A_437 = arith.constant 16 : i32
          %mul3A_438 = arith.muli %scan3A_436, %mul3A_437 : i32
          %get3A_439 = arith.index_cast %scan3A_392 : i32 to index
          %get3A_440 = arith.index_cast %mul3A_438 : i32 to index
          %get3A_441 = tpu.vector_load %arg9[%get3A_439, %get3A_440] {strides = array<i32>} : memref<4x2048xf32, #tpu.memory_space<vmem>>, vector<1x16xf32>,
          %get3A_442 = vector.shape_cast %get3A_441 : vector<1x16xf32> to vector<16xf32>
          %swap3A_443 = arith.index_cast %scan3A_392 : i32 to index
          %swap3A_444 = arith.index_cast %mul3A_438 : i32 to index
          %swap3A_445 = tpu.vector_load %arg17[%swap3A_443, %swap3A_444] {strides = array<i32>} : memref<4x2048xf32, #tpu.memory_space<vmem>>, vector<1x16xf32>,
          %swap3A_446 = vector.shape_cast %swap3A_445 : vector<1x16xf32> to vector<16xf32>
          %swap3A_447 = vector.shape_cast %get3A_442 : vector<16xf32> to vector<1x16xf32>
          tpu.vector_store %arg17[%swap3A_443, %swap3A_444], %swap3A_447 {add = true, strides = array<i32>} : memref<4x2048xf32, #tpu.memory_space<vmem>>, vector<1x16xf32>,
          %scan3A_448 = arith.constant 4 : i32
          %scan3A_449 = arith.addi %scan3A_399, %scan3A_448 : i32
          %mul3A_450 = arith.constant 16 : i32
          %mul3A_451 = arith.muli %scan3A_449, %mul3A_450 : i32
          %get3A_452 = arith.index_cast %scan3A_392 : i32 to index
          %get3A_453 = arith.index_cast %mul3A_451 : i32 to index
          %get3A_454 = tpu.vector_load %arg9[%get3A_452, %get3A_453] {strides = array<i32>} : memref<4x2048xf32, #tpu.memory_space<vmem>>, vector<1x16xf32>,
          %get3A_455 = vector.shape_cast %get3A_454 : vector<1x16xf32> to vector<16xf32>
          %swap3A_456 = arith.index_cast %scan3A_392 : i32 to index
          %swap3A_457 = arith.index_cast %mul3A_451 : i32 to index
          %swap3A_458 = tpu.vector_load %arg17[%swap3A_456, %swap3A_457] {strides = array<i32>} : memref<4x2048xf32, #tpu.memory_space<vmem>>, vector<1x16xf32>,
          %swap3A_459 = vector.shape_cast %swap3A_458 : vector<1x16xf32> to vector<16xf32>
          %swap3A_460 = vector.shape_cast %get3A_455 : vector<16xf32> to vector<1x16xf32>
          tpu.vector_store %arg17[%swap3A_456, %swap3A_457], %swap3A_460 {add = true, strides = array<i32>} : memref<4x2048xf32, #tpu.memory_space<vmem>>, vector<1x16xf32>,
          %scan3A_461 = arith.constant 5 : i32
          %scan3A_462 = arith.addi %scan3A_399, %scan3A_461 : i32
          %mul3A_463 = arith.constant 16 : i32
          %mul3A_464 = arith.muli %scan3A_462, %mul3A_463 : i32
          %get3A_465 = arith.index_cast %scan3A_392 : i32 to index
          %get3A_466 = arith.index_cast %mul3A_464 : i32 to index
          %get3A_467 = tpu.vector_load %arg9[%get3A_465, %get3A_466] {strides = array<i32>} : memref<4x2048xf32, #tpu.memory_space<vmem>>, vector<1x16xf32>,
          %get3A_468 = vector.shape_cast %get3A_467 : vector<1x16xf32> to vector<16xf32>
          %swap3A_469 = arith.index_cast %scan3A_392 : i32 to index
          %swap3A_470 = arith.index_cast %mul3A_464 : i32 to index
          %swap3A_471 = tpu.vector_load %arg17[%swap3A_469, %swap3A_470] {strides = array<i32>} : memref<4x2048xf32, #tpu.memory_space<vmem>>, vector<1x16xf32>,
          %swap3A_472 = vector.shape_cast %swap3A_471 : vector<1x16xf32> to vector<16xf32>
          %swap3A_473 = vector.shape_cast %get3A_468 : vector<16xf32> to vector<1x16xf32>
          tpu.vector_store %arg17[%swap3A_469, %swap3A_470], %swap3A_473 {add = true, strides = array<i32>} : memref<4x2048xf32, #tpu.memory_space<vmem>>, vector<1x16xf32>,
          %scan3A_474 = arith.constant 6 : i32
          %scan3A_475 = arith.addi %scan3A_399, %scan3A_474 : i32
          %mul3A_476 = arith.constant 16 : i32
          %mul3A_477 = arith.muli %scan3A_475, %mul3A_476 : i32
          %get3A_478 = arith.index_cast %scan3A_392 : i32 to index
          %get3A_479 = arith.index_cast %mul3A_477 : i32 to index
          %get3A_480 = tpu.vector_load %arg9[%get3A_478, %get3A_479] {strides = array<i32>} : memref<4x2048xf32, #tpu.memory_space<vmem>>, vector<1x16xf32>,
          %get3A_481 = vector.shape_cast %get3A_480 : vector<1x16xf32> to vector<16xf32>
          %swap3A_482 = arith.index_cast %scan3A_392 : i32 to index
          %swap3A_483 = arith.index_cast %mul3A_477 : i32 to index
          %swap3A_484 = tpu.vector_load %arg17[%swap3A_482, %swap3A_483] {strides = array<i32>} : memref<4x2048xf32, #tpu.memory_space<vmem>>, vector<1x16xf32>,
          %swap3A_485 = vector.shape_cast %swap3A_484 : vector<1x16xf32> to vector<16xf32>
          %swap3A_486 = vector.shape_cast %get3A_481 : vector<16xf32> to vector<1x16xf32>
          tpu.vector_store %arg17[%swap3A_482, %swap3A_483], %swap3A_486 {add = true, strides = array<i32>} : memref<4x2048xf32, #tpu.memory_space<vmem>>, vector<1x16xf32>,
          %scan3A_487 = arith.constant 7 : i32
          %scan3A_488 = arith.addi %scan3A_399, %scan3A_487 : i32
          %mul3A_489 = arith.constant 16 : i32
          %mul3A_490 = arith.muli %scan3A_488, %mul3A_489 : i32
          %get3A_491 = arith.index_cast %scan3A_392 : i32 to index
          %get3A_492 = arith.index_cast %mul3A_490 : i32 to index
          %get3A_493 = tpu.vector_load %arg9[%get3A_491, %get3A_492] {strides = array<i32>} : memref<4x2048xf32, #tpu.memory_space<vmem>>, vector<1x16xf32>,
          %get3A_494 = vector.shape_cast %get3A_493 : vector<1x16xf32> to vector<16xf32>
          %swap3A_495 = arith.index_cast %scan3A_392 : i32 to index
          %swap3A_496 = arith.index_cast %mul3A_490 : i32 to index
          %swap3A_497 = tpu.vector_load %arg17[%swap3A_495, %swap3A_496] {strides = array<i32>} : memref<4x2048xf32, #tpu.memory_space<vmem>>, vector<1x16xf32>,
          %swap3A_498 = vector.shape_cast %swap3A_497 : vector<1x16xf32> to vector<16xf32>
          %swap3A_499 = vector.shape_cast %get3A_494 : vector<16xf32> to vector<1x16xf32>
          tpu.vector_store %arg17[%swap3A_495, %swap3A_496], %swap3A_499 {add = true, strides = array<i32>} : memref<4x2048xf32, #tpu.memory_space<vmem>>, vector<1x16xf32>,
          %scan3A_500 = arith.constant 8 : i32
          %scan3A_501 = arith.addi %scan3A_399, %scan3A_500 : i32
          %mul3A_502 = arith.constant 16 : i32
          %mul3A_503 = arith.muli %scan3A_501, %mul3A_502 : i32
          %get3A_504 = arith.index_cast %scan3A_392 : i32 to index
          %get3A_505 = arith.index_cast %mul3A_503 : i32 to index
          %get3A_506 = tpu.vector_load %arg9[%get3A_504, %get3A_505] {strides = array<i32>} : memref<4x2048xf32, #tpu.memory_space<vmem>>, vector<1x16xf32>,
          %get3A_507 = vector.shape_cast %get3A_506 : vector<1x16xf32> to vector<16xf32>
          %swap3A_508 = arith.index_cast %scan3A_392 : i32 to index
          %swap3A_509 = arith.index_cast %mul3A_503 : i32 to index
          %swap3A_510 = tpu.vector_load %arg17[%swap3A_508, %swap3A_509] {strides = array<i32>} : memref<4x2048xf32, #tpu.memory_space<vmem>>, vector<1x16xf32>,
          %swap3A_511 = vector.shape_cast %swap3A_510 : vector<1x16xf32> to vector<16xf32>
          %swap3A_512 = vector.shape_cast %get3A_507 : vector<16xf32> to vector<1x16xf32>
          tpu.vector_store %arg17[%swap3A_508, %swap3A_509], %swap3A_512 {add = true, strides = array<i32>} : memref<4x2048xf32, #tpu.memory_space<vmem>>, vector<1x16xf32>,
          %scan3A_513 = arith.constant 9 : i32
          %scan3A_514 = arith.addi %scan3A_399, %scan3A_513 : i32
          %mul3A_515 = arith.constant 16 : i32
          %mul3A_516 = arith.muli %scan3A_514, %mul3A_515 : i32
          %get3A_517 = arith.index_cast %scan3A_392 : i32 to index
          %get3A_518 = arith.index_cast %mul3A_516 : i32 to index
          %get3A_519 = tpu.vector_load %arg9[%get3A_517, %get3A_518] {strides = array<i32>} : memref<4x2048xf32, #tpu.memory_space<vmem>>, vector<1x16xf32>,
          %get3A_520 = vector.shape_cast %get3A_519 : vector<1x16xf32> to vector<16xf32>
          %swap3A_521 = arith.index_cast %scan3A_392 : i32 to index
          %swap3A_522 = arith.index_cast %mul3A_516 : i32 to index
          %swap3A_523 = tpu.vector_load %arg17[%swap3A_521, %swap3A_522] {strides = array<i32>} : memref<4x2048xf32, #tpu.memory_space<vmem>>, vector<1x16xf32>,
          %swap3A_524 = vector.shape_cast %swap3A_523 : vector<1x16xf32> to vector<16xf32>
          %swap3A_525 = vector.shape_cast %get3A_520 : vector<16xf32> to vector<1x16xf32>
          tpu.vector_store %arg17[%swap3A_521, %swap3A_522], %swap3A_525 {add = true, strides = array<i32>} : memref<4x2048xf32, #tpu.memory_space<vmem>>, vector<1x16xf32>,
          %scan3A_526 = arith.constant 10 : i32
          %scan3A_527 = arith.addi %scan3A_399, %scan3A_526 : i32
          %mul3A_528 = arith.constant 16 : i32
          %mul3A_529 = arith.muli %scan3A_527, %mul3A_528 : i32
          %get3A_530 = arith.index_cast %scan3A_392 : i32 to index
          %get3A_531 = arith.index_cast %mul3A_529 : i32 to index
          %get3A_532 = tpu.vector_load %arg9[%get3A_530, %get3A_531] {strides = array<i32>} : memref<4x2048xf32, #tpu.memory_space<vmem>>, vector<1x16xf32>,
          %get3A_533 = vector.shape_cast %get3A_532 : vector<1x16xf32> to vector<16xf32>
          %swap3A_534 = arith.index_cast %scan3A_392 : i32 to index
          %swap3A_535 = arith.index_cast %mul3A_529 : i32 to index
          %swap3A_536 = tpu.vector_load %arg17[%swap3A_534, %swap3A_535] {strides = array<i32>} : memref<4x2048xf32, #tpu.memory_space<vmem>>, vector<1x16xf32>,
          %swap3A_537 = vector.shape_cast %swap3A_536 : vector<1x16xf32> to vector<16xf32>
          %swap3A_538 = vector.shape_cast %get3A_533 : vector<16xf32> to vector<1x16xf32>
          tpu.vector_store %arg17[%swap3A_534, %swap3A_535], %swap3A_538 {add = true, strides = array<i32>} : memref<4x2048xf32, #tpu.memory_space<vmem>>, vector<1x16xf32>,
          %scan3A_539 = arith.constant 11 : i32
          %scan3A_540 = arith.addi %scan3A_399, %scan3A_539 : i32
          %mul3A_541 = arith.constant 16 : i32
          %mul3A_542 = arith.muli %scan3A_540, %mul3A_541 : i32
          %get3A_543 = arith.index_cast %scan3A_392 : i32 to index
          %get3A_544 = arith.index_cast %mul3A_542 : i32 to index
          %get3A_545 = tpu.vector_load %arg9[%get3A_543, %get3A_544] {strides = array<i32>} : memref<4x2048xf32, #tpu.memory_space<vmem>>, vector<1x16xf32>,
          %get3A_546 = vector.shape_cast %get3A_545 : vector<1x16xf32> to vector<16xf32>
          %swap3A_547 = arith.index_cast %scan3A_392 : i32 to index
          %swap3A_548 = arith.index_cast %mul3A_542 : i32 to index
          %swap3A_549 = tpu.vector_load %arg17[%swap3A_547, %swap3A_548] {strides = array<i32>} : memref<4x2048xf32, #tpu.memory_space<vmem>>, vector<1x16xf32>,
          %swap3A_550 = vector.shape_cast %swap3A_549 : vector<1x16xf32> to vector<16xf32>
          %swap3A_551 = vector.shape_cast %get3A_546 : vector<16xf32> to vector<1x16xf32>
          tpu.vector_store %arg17[%swap3A_547, %swap3A_548], %swap3A_551 {add = true, strides = array<i32>} : memref<4x2048xf32, #tpu.memory_space<vmem>>, vector<1x16xf32>,
          %scan3A_552 = arith.constant 12 : i32
          %scan3A_553 = arith.addi %scan3A_399, %scan3A_552 : i32
          %mul3A_554 = arith.constant 16 : i32
          %mul3A_555 = arith.muli %scan3A_553, %mul3A_554 : i32
          %get3A_556 = arith.index_cast %scan3A_392 : i32 to index
          %get3A_557 = arith.index_cast %mul3A_555 : i32 to index
          %get3A_558 = tpu.vector_load %arg9[%get3A_556, %get3A_557] {strides = array<i32>} : memref<4x2048xf32, #tpu.memory_space<vmem>>, vector<1x16xf32>,
          %get3A_559 = vector.shape_cast %get3A_558 : vector<1x16xf32> to vector<16xf32>
          %swap3A_560 = arith.index_cast %scan3A_392 : i32 to index
          %swap3A_561 = arith.index_cast %mul3A_555 : i32 to index
          %swap3A_562 = tpu.vector_load %arg17[%swap3A_560, %swap3A_561] {strides = array<i32>} : memref<4x2048xf32, #tpu.memory_space<vmem>>, vector<1x16xf32>,
          %swap3A_563 = vector.shape_cast %swap3A_562 : vector<1x16xf32> to vector<16xf32>
          %swap3A_564 = vector.shape_cast %get3A_559 : vector<16xf32> to vector<1x16xf32>
          tpu.vector_store %arg17[%swap3A_560, %swap3A_561], %swap3A_564 {add = true, strides = array<i32>} : memref<4x2048xf32, #tpu.memory_space<vmem>>, vector<1x16xf32>,
          %scan3A_565 = arith.constant 13 : i32
          %scan3A_566 = arith.addi %scan3A_399, %scan3A_565 : i32
          %mul3A_567 = arith.constant 16 : i32
          %mul3A_568 = arith.muli %scan3A_566, %mul3A_567 : i32
          %get3A_569 = arith.index_cast %scan3A_392 : i32 to index
          %get3A_570 = arith.index_cast %mul3A_568 : i32 to index
          %get3A_571 = tpu.vector_load %arg9[%get3A_569, %get3A_570] {strides = array<i32>} : memref<4x2048xf32, #tpu.memory_space<vmem>>, vector<1x16xf32>,
          %get3A_572 = vector.shape_cast %get3A_571 : vector<1x16xf32> to vector<16xf32>
          %swap3A_573 = arith.index_cast %scan3A_392 : i32 to index
          %swap3A_574 = arith.index_cast %mul3A_568 : i32 to index
          %swap3A_575 = tpu.vector_load %arg17[%swap3A_573, %swap3A_574] {strides = array<i32>} : memref<4x2048xf32, #tpu.memory_space<vmem>>, vector<1x16xf32>,
          %swap3A_576 = vector.shape_cast %swap3A_575 : vector<1x16xf32> to vector<16xf32>
          %swap3A_577 = vector.shape_cast %get3A_572 : vector<16xf32> to vector<1x16xf32>
          tpu.vector_store %arg17[%swap3A_573, %swap3A_574], %swap3A_577 {add = true, strides = array<i32>} : memref<4x2048xf32, #tpu.memory_space<vmem>>, vector<1x16xf32>,
          %scan3A_578 = arith.constant 14 : i32
          %scan3A_579 = arith.addi %scan3A_399, %scan3A_578 : i32
          %mul3A_580 = arith.constant 16 : i32
          %mul3A_581 = arith.muli %scan3A_579, %mul3A_580 : i32
          %get3A_582 = arith.index_cast %scan3A_392 : i32 to index
          %get3A_583 = arith.index_cast %mul3A_581 : i32 to index
          %get3A_584 = tpu.vector_load %arg9[%get3A_582, %get3A_583] {strides = array<i32>} : memref<4x2048xf32, #tpu.memory_space<vmem>>, vector<1x16xf32>,
          %get3A_585 = vector.shape_cast %get3A_584 : vector<1x16xf32> to vector<16xf32>
          %swap3A_586 = arith.index_cast %scan3A_392 : i32 to index
          %swap3A_587 = arith.index_cast %mul3A_581 : i32 to index
          %swap3A_588 = tpu.vector_load %arg17[%swap3A_586, %swap3A_587] {strides = array<i32>} : memref<4x2048xf32, #tpu.memory_space<vmem>>, vector<1x16xf32>,
          %swap3A_589 = vector.shape_cast %swap3A_588 : vector<1x16xf32> to vector<16xf32>
          %swap3A_590 = vector.shape_cast %get3A_585 : vector<16xf32> to vector<1x16xf32>
          tpu.vector_store %arg17[%swap3A_586, %swap3A_587], %swap3A_590 {add = true, strides = array<i32>} : memref<4x2048xf32, #tpu.memory_space<vmem>>, vector<1x16xf32>,
          %scan3A_591 = arith.constant 15 : i32
          %scan3A_592 = arith.addi %scan3A_399, %scan3A_591 : i32
          %mul3A_593 = arith.constant 16 : i32
          %mul3A_594 = arith.muli %scan3A_592, %mul3A_593 : i32
          %get3A_595 = arith.index_cast %scan3A_392 : i32 to index
          %get3A_596 = arith.index_cast %mul3A_594 : i32 to index
          %get3A_597 = tpu.vector_load %arg9[%get3A_595, %get3A_596] {strides = array<i32>} : memref<4x2048xf32, #tpu.memory_space<vmem>>, vector<1x16xf32>,
          %get3A_598 = vector.shape_cast %get3A_597 : vector<1x16xf32> to vector<16xf32>
          %swap3A_599 = arith.index_cast %scan3A_392 : i32 to index
          %swap3A_600 = arith.index_cast %mul3A_594 : i32 to index
          %swap3A_601 = tpu.vector_load %arg17[%swap3A_599, %swap3A_600] {strides = array<i32>} : memref<4x2048xf32, #tpu.memory_space<vmem>>, vector<1x16xf32>,
          %swap3A_602 = vector.shape_cast %swap3A_601 : vector<1x16xf32> to vector<16xf32>
          %swap3A_603 = vector.shape_cast %get3A_598 : vector<16xf32> to vector<1x16xf32>
          tpu.vector_store %arg17[%swap3A_599, %swap3A_600], %swap3A_603 {add = true, strides = array<i32>} : memref<4x2048xf32, #tpu.memory_space<vmem>>, vector<1x16xf32>,
        }
        %scan3A_398 = arith.constant 128 : i32
      }
      %scan3A_341 = arith.constant 4 : i32
      %mul3A_342 = arith.constant 4 : i32
      %mul3A_343 = arith.muli %add3A_319, %mul3A_342 : i32
      %add3A_344 = arith.addi %mul3A_2, %mul3A_343 : i32
      %dma_start3A_345 = arith.constant 0 : i32
      %dma_start3A_346 = tpu.memref_slice %arg5[%add3A_344, %dma_start3A_345] : memref<16384x2048xf32, #tpu.memory_space<hbm>> -> memref<4x2048xf32, #tpu.memory_space<hbm>>
      %dma_start3A_347 = arith.constant 0 : i32
      %dma_start3A_348 = tpu.memref_slice %arg5[%add3A_344, %dma_start3A_347] : memref<16384x2048xf32, #tpu.memory_space<hbm>> -> memref<4x2048xf32, #tpu.memory_space<hbm>>
      tpu.enqueue_dma source(%arg17 : memref<4x2048xf32, #tpu.memory_space<vmem>>) target(%dma_start3A_348 : memref<4x2048xf32, #tpu.memory_space<hbm>>) target_semaphore(%arg37 : memref<!tpu.dma_semaphore, #tpu.memory_space<semaphore_mem>>)
      %lt3A_349 = arith.constant 124 : i32
      %lt3A_350 = arith.cmpi slt, %add3A_319, %lt3A_349 : i32
      %convert_element_type3A_351 = arith.extui %lt3A_350 : i1 to i32
      %cond3A_352 = arith.constant 0 : i32
      %cond3A_353 = arith.cmpi ne, %convert_element_type3A_351, %cond3A_352 : i32
      scf.if %cond3A_353 {
        %add3A_392 = arith.constant 4 : i32
        %add3A_393 = arith.addi %add3A_319, %add3A_392 : i32
        %mul3A_394 = arith.constant 4 : i32
        %mul3A_395 = arith.muli %add3A_393, %mul3A_394 : i32
        %add3A_396 = arith.addi %mul3A_2, %mul3A_395 : i32
        %dma_start3A_397 = arith.constant 0 : i32
        %dma_start3A_398 = tpu.memref_slice %arg2[%add3A_396, %dma_start3A_397] : memref<16384x2048xf32, #tpu.memory_space<hbm>> -> memref<4x2048xf32, #tpu.memory_space<hbm>>
        %dma_start3A_399 = arith.constant 0 : i32
        %dma_start3A_400 = tpu.memref_slice %arg2[%add3A_396, %dma_start3A_399] : memref<16384x2048xf32, #tpu.memory_space<hbm>> -> memref<4x2048xf32, #tpu.memory_space<hbm>>
        tpu.enqueue_dma source(%dma_start3A_400 : memref<4x2048xf32, #tpu.memory_space<hbm>>) target(%arg9 : memref<4x2048xf32, #tpu.memory_space<vmem>>) target_semaphore(%arg21 : memref<!tpu.dma_semaphore, #tpu.memory_space<semaphore_mem>>)
      } else {
      }
      %mul3A_354 = arith.constant 8 : i32
      %mul3A_355 = arith.muli %scan3A_90, %mul3A_354 : i32
      %add3A_356 = arith.constant 7 : i32
      %add3A_357 = arith.addi %mul3A_355, %add3A_356 : i32
      %dma_wait3A_358 = arith.constant 0 : i32
      %dma_wait3A_359 = tpu.memref_slice %arg2[%mul3A_2, %dma_wait3A_358] : memref<16384x2048xf32, #tpu.memory_space<hbm>> -> memref<4x2048xf32, #tpu.memory_space<hbm>>
      %dma_wait3A_360 = arith.constant 0 : i32
      %dma_wait3A_361 = tpu.memref_slice %arg2[%mul3A_2, %dma_wait3A_360] : memref<16384x2048xf32, #tpu.memory_space<hbm>> -> memref<4x2048xf32, #tpu.memory_space<hbm>>
      tpu.wait_dma2 semaphore(%arg22 : memref<!tpu.dma_semaphore, #tpu.memory_space<semaphore_mem>>) src(%dma_wait3A_361 : memref<4x2048xf32, #tpu.memory_space<hbm>>) dst(%arg10 : memref<4x2048xf32, #tpu.memory_space<vmem>>)
      %dma_wait3A_362 = arith.constant 0 : i32
      %dma_wait3A_363 = arith.constant 0 : i32
      %dma_wait3A_364 = tpu.memref_slice %arg6[%dma_wait3A_362, %dma_wait3A_363] : memref<128x4xi32, #tpu.memory_space<vmem>> -> memref<1x4xi32, #tpu.memory_space<vmem>>
      %dma_wait3A_365 = tpu.memref_squeeze %dma_wait3A_364 : memref<1x4xi32, #tpu.memory_space<vmem>> -> memref<4xi32, #tpu.memory_space<vmem>>
      %dma_wait3A_366 = arith.constant 0 : i32
      %dma_wait3A_367 = arith.constant 0 : i32
      %dma_wait3A_368 = tpu.memref_slice %arg4[%dma_wait3A_366, %dma_wait3A_367] : memref<8192x2048xf32, #tpu.memory_space<hbm>> -> memref<8192x2048xf32, #tpu.memory_space<hbm>>
      tpu.wait_indirect_dma semaphore(%arg30 : memref<!tpu.dma_semaphore, #tpu.memory_space<semaphore_mem>>) src(%dma_wait3A_368 : memref<8192x2048xf32, #tpu.memory_space<hbm>>) dst(%arg18 : memref<4x2048xf32, #tpu.memory_space<vmem>>)
      %lt3A_369 = arith.constant 124 : i32
      %lt3A_370 = arith.cmpi slt, %add3A_357, %lt3A_369 : i32
      %convert_element_type3A_371 = arith.extui %lt3A_370 : i1 to i32
      %cond3A_372 = arith.constant 0 : i32
      %cond3A_373 = arith.cmpi ne, %convert_element_type3A_371, %cond3A_372 : i32
      scf.if %cond3A_373 {
        %ge3A = arith.constant 4 : i32
        %ge3A_392 = arith.cmpi sge, %add3A_357, %ge3A : i32
        %convert_element_type3A_393 = arith.extui %ge3A_392 : i1 to i32
        %cond3A_394 = arith.constant 0 : i32
        %cond3A_395 = arith.cmpi ne, %convert_element_type3A_393, %cond3A_394 : i32
        scf.if %cond3A_395 {
          %dma_wait3A_404 = arith.constant 0 : i32
          %dma_wait3A_405 = tpu.memref_slice %arg5[%mul3A_2, %dma_wait3A_404] : memref<16384x2048xf32, #tpu.memory_space<hbm>> -> memref<4x2048xf32, #tpu.memory_space<hbm>>
          %dma_wait3A_406 = arith.constant 0 : i32
          %dma_wait3A_407 = tpu.memref_slice %arg5[%mul3A_2, %dma_wait3A_406] : memref<16384x2048xf32, #tpu.memory_space<hbm>> -> memref<4x2048xf32, #tpu.memory_space<hbm>>
          tpu.wait_dma2 semaphore(%arg34 : memref<!tpu.dma_semaphore, #tpu.memory_space<semaphore_mem>>) src(%arg14 : memref<4x2048xf32, #tpu.memory_space<vmem>>) dst(%dma_wait3A_407 : memref<4x2048xf32, #tpu.memory_space<hbm>>)
        } else {
        }
        %add3A_396 = arith.constant 4 : i32
        %add3A_397 = arith.addi %add3A_357, %add3A_396 : i32
        %dma_start3A_398 = arith.constant 0 : i32
        %dma_start3A_399 = tpu.memref_slice %arg6[%add3A_397, %dma_start3A_398] : memref<128x4xi32, #tpu.memory_space<vmem>> -> memref<1x4xi32, #tpu.memory_space<vmem>>
        %dma_start3A_400 = tpu.memref_squeeze %dma_start3A_399 : memref<1x4xi32, #tpu.memory_space<vmem>> -> memref<4xi32, #tpu.memory_space<vmem>>
        %dma_start3A_401 = arith.constant 0 : i32
        %dma_start3A_402 = arith.constant 0 : i32
        %dma_start3A_403 = tpu.memref_slice %arg4[%dma_start3A_401, %dma_start3A_402] : memref<8192x2048xf32, #tpu.memory_space<hbm>> -> memref<8192x2048xf32, #tpu.memory_space<hbm>>
        tpu.enqueue_indirect_dma source(%dma_start3A_403 : memref<8192x2048xf32, #tpu.memory_space<hbm>>) target(%arg14 : memref<4x2048xf32, #tpu.memory_space<vmem>>) offsets(%dma_start3A_400 : memref<4xi32, #tpu.memory_space<vmem>>) semaphore(%arg26 : memref<!tpu.dma_semaphore, #tpu.memory_space<semaphore_mem>>)
      } else {
      }
      %scan3A_374 = arith.constant 0 : i32
      %scan3A_375 = arith.constant 0 : i32
      %scan3A_376 = arith.constant 4 : i32
      %scan3A_377 = arith.addi %scan3A_375, %scan3A_376 : i32
      %scan3A_378 = arith.constant 1 : i32
      scf.for %scan3A_392 = %scan3A_375 to %scan3A_377 step %scan3A_378  : i32 {
        %scan3A_393 = arith.constant 0 : i32
        %scan3A_394 = arith.constant 0 : i32
        %scan3A_395 = arith.constant 128 : i32
        %scan3A_396 = arith.addi %scan3A_394, %scan3A_395 : i32
        %scan3A_397 = arith.constant 16 : i32
        scf.for %scan3A_399 = %scan3A_394 to %scan3A_396 step %scan3A_397  : i32 {
          %mul3A_400 = arith.constant 16 : i32
          %mul3A_401 = arith.muli %scan3A_399, %mul3A_400 : i32
          %get3A = arith.index_cast %scan3A_392 : i32 to index
          %get3A_402 = arith.index_cast %mul3A_401 : i32 to index
          %get3A_403 = tpu.vector_load %arg10[%get3A, %get3A_402] {strides = array<i32>} : memref<4x2048xf32, #tpu.memory_space<vmem>>, vector<1x16xf32>,
          %get3A_404 = vector.shape_cast %get3A_403 : vector<1x16xf32> to vector<16xf32>
          %swap3A = arith.index_cast %scan3A_392 : i32 to index
          %swap3A_405 = arith.index_cast %mul3A_401 : i32 to index
          %swap3A_406 = tpu.vector_load %arg18[%swap3A, %swap3A_405] {strides = array<i32>} : memref<4x2048xf32, #tpu.memory_space<vmem>>, vector<1x16xf32>,
          %swap3A_407 = vector.shape_cast %swap3A_406 : vector<1x16xf32> to vector<16xf32>
          %swap3A_408 = vector.shape_cast %get3A_404 : vector<16xf32> to vector<1x16xf32>
          tpu.vector_store %arg18[%swap3A, %swap3A_405], %swap3A_408 {add = true, strides = array<i32>} : memref<4x2048xf32, #tpu.memory_space<vmem>>, vector<1x16xf32>,
          %scan3A_409 = arith.constant 1 : i32
          %scan3A_410 = arith.addi %scan3A_399, %scan3A_409 : i32
          %mul3A_411 = arith.constant 16 : i32
          %mul3A_412 = arith.muli %scan3A_410, %mul3A_411 : i32
          %get3A_413 = arith.index_cast %scan3A_392 : i32 to index
          %get3A_414 = arith.index_cast %mul3A_412 : i32 to index
          %get3A_415 = tpu.vector_load %arg10[%get3A_413, %get3A_414] {strides = array<i32>} : memref<4x2048xf32, #tpu.memory_space<vmem>>, vector<1x16xf32>,
          %get3A_416 = vector.shape_cast %get3A_415 : vector<1x16xf32> to vector<16xf32>
          %swap3A_417 = arith.index_cast %scan3A_392 : i32 to index
          %swap3A_418 = arith.index_cast %mul3A_412 : i32 to index
          %swap3A_419 = tpu.vector_load %arg18[%swap3A_417, %swap3A_418] {strides = array<i32>} : memref<4x2048xf32, #tpu.memory_space<vmem>>, vector<1x16xf32>,
          %swap3A_420 = vector.shape_cast %swap3A_419 : vector<1x16xf32> to vector<16xf32>
          %swap3A_421 = vector.shape_cast %get3A_416 : vector<16xf32> to vector<1x16xf32>
          tpu.vector_store %arg18[%swap3A_417, %swap3A_418], %swap3A_421 {add = true, strides = array<i32>} : memref<4x2048xf32, #tpu.memory_space<vmem>>, vector<1x16xf32>,
          %scan3A_422 = arith.constant 2 : i32
          %scan3A_423 = arith.addi %scan3A_399, %scan3A_422 : i32
          %mul3A_424 = arith.constant 16 : i32
          %mul3A_425 = arith.muli %scan3A_423, %mul3A_424 : i32
          %get3A_426 = arith.index_cast %scan3A_392 : i32 to index
          %get3A_427 = arith.index_cast %mul3A_425 : i32 to index
          %get3A_428 = tpu.vector_load %arg10[%get3A_426, %get3A_427] {strides = array<i32>} : memref<4x2048xf32, #tpu.memory_space<vmem>>, vector<1x16xf32>,
          %get3A_429 = vector.shape_cast %get3A_428 : vector<1x16xf32> to vector<16xf32>
          %swap3A_430 = arith.index_cast %scan3A_392 : i32 to index
          %swap3A_431 = arith.index_cast %mul3A_425 : i32 to index
          %swap3A_432 = tpu.vector_load %arg18[%swap3A_430, %swap3A_431] {strides = array<i32>} : memref<4x2048xf32, #tpu.memory_space<vmem>>, vector<1x16xf32>,
          %swap3A_433 = vector.shape_cast %swap3A_432 : vector<1x16xf32> to vector<16xf32>
          %swap3A_434 = vector.shape_cast %get3A_429 : vector<16xf32> to vector<1x16xf32>
          tpu.vector_store %arg18[%swap3A_430, %swap3A_431], %swap3A_434 {add = true, strides = array<i32>} : memref<4x2048xf32, #tpu.memory_space<vmem>>, vector<1x16xf32>,
          %scan3A_435 = arith.constant 3 : i32
          %scan3A_436 = arith.addi %scan3A_399, %scan3A_435 : i32
          %mul3A_437 = arith.constant 16 : i32
          %mul3A_438 = arith.muli %scan3A_436, %mul3A_437 : i32
          %get3A_439 = arith.index_cast %scan3A_392 : i32 to index
          %get3A_440 = arith.index_cast %mul3A_438 : i32 to index
          %get3A_441 = tpu.vector_load %arg10[%get3A_439, %get3A_440] {strides = array<i32>} : memref<4x2048xf32, #tpu.memory_space<vmem>>, vector<1x16xf32>,
          %get3A_442 = vector.shape_cast %get3A_441 : vector<1x16xf32> to vector<16xf32>
          %swap3A_443 = arith.index_cast %scan3A_392 : i32 to index
          %swap3A_444 = arith.index_cast %mul3A_438 : i32 to index
          %swap3A_445 = tpu.vector_load %arg18[%swap3A_443, %swap3A_444] {strides = array<i32>} : memref<4x2048xf32, #tpu.memory_space<vmem>>, vector<1x16xf32>,
          %swap3A_446 = vector.shape_cast %swap3A_445 : vector<1x16xf32> to vector<16xf32>
          %swap3A_447 = vector.shape_cast %get3A_442 : vector<16xf32> to vector<1x16xf32>
          tpu.vector_store %arg18[%swap3A_443, %swap3A_444], %swap3A_447 {add = true, strides = array<i32>} : memref<4x2048xf32, #tpu.memory_space<vmem>>, vector<1x16xf32>,
          %scan3A_448 = arith.constant 4 : i32
          %scan3A_449 = arith.addi %scan3A_399, %scan3A_448 : i32
          %mul3A_450 = arith.constant 16 : i32
          %mul3A_451 = arith.muli %scan3A_449, %mul3A_450 : i32
          %get3A_452 = arith.index_cast %scan3A_392 : i32 to index
          %get3A_453 = arith.index_cast %mul3A_451 : i32 to index
          %get3A_454 = tpu.vector_load %arg10[%get3A_452, %get3A_453] {strides = array<i32>} : memref<4x2048xf32, #tpu.memory_space<vmem>>, vector<1x16xf32>,
          %get3A_455 = vector.shape_cast %get3A_454 : vector<1x16xf32> to vector<16xf32>
          %swap3A_456 = arith.index_cast %scan3A_392 : i32 to index
          %swap3A_457 = arith.index_cast %mul3A_451 : i32 to index
          %swap3A_458 = tpu.vector_load %arg18[%swap3A_456, %swap3A_457] {strides = array<i32>} : memref<4x2048xf32, #tpu.memory_space<vmem>>, vector<1x16xf32>,
          %swap3A_459 = vector.shape_cast %swap3A_458 : vector<1x16xf32> to vector<16xf32>
          %swap3A_460 = vector.shape_cast %get3A_455 : vector<16xf32> to vector<1x16xf32>
          tpu.vector_store %arg18[%swap3A_456, %swap3A_457], %swap3A_460 {add = true, strides = array<i32>} : memref<4x2048xf32, #tpu.memory_space<vmem>>, vector<1x16xf32>,
          %scan3A_461 = arith.constant 5 : i32
          %scan3A_462 = arith.addi %scan3A_399, %scan3A_461 : i32
          %mul3A_463 = arith.constant 16 : i32
          %mul3A_464 = arith.muli %scan3A_462, %mul3A_463 : i32
          %get3A_465 = arith.index_cast %scan3A_392 : i32 to index
          %get3A_466 = arith.index_cast %mul3A_464 : i32 to index
          %get3A_467 = tpu.vector_load %arg10[%get3A_465, %get3A_466] {strides = array<i32>} : memref<4x2048xf32, #tpu.memory_space<vmem>>, vector<1x16xf32>,
          %get3A_468 = vector.shape_cast %get3A_467 : vector<1x16xf32> to vector<16xf32>
          %swap3A_469 = arith.index_cast %scan3A_392 : i32 to index
          %swap3A_470 = arith.index_cast %mul3A_464 : i32 to index
          %swap3A_471 = tpu.vector_load %arg18[%swap3A_469, %swap3A_470] {strides = array<i32>} : memref<4x2048xf32, #tpu.memory_space<vmem>>, vector<1x16xf32>,
          %swap3A_472 = vector.shape_cast %swap3A_471 : vector<1x16xf32> to vector<16xf32>
          %swap3A_473 = vector.shape_cast %get3A_468 : vector<16xf32> to vector<1x16xf32>
          tpu.vector_store %arg18[%swap3A_469, %swap3A_470], %swap3A_473 {add = true, strides = array<i32>} : memref<4x2048xf32, #tpu.memory_space<vmem>>, vector<1x16xf32>,
          %scan3A_474 = arith.constant 6 : i32
          %scan3A_475 = arith.addi %scan3A_399, %scan3A_474 : i32
          %mul3A_476 = arith.constant 16 : i32
          %mul3A_477 = arith.muli %scan3A_475, %mul3A_476 : i32
          %get3A_478 = arith.index_cast %scan3A_392 : i32 to index
          %get3A_479 = arith.index_cast %mul3A_477 : i32 to index
          %get3A_480 = tpu.vector_load %arg10[%get3A_478, %get3A_479] {strides = array<i32>} : memref<4x2048xf32, #tpu.memory_space<vmem>>, vector<1x16xf32>,
          %get3A_481 = vector.shape_cast %get3A_480 : vector<1x16xf32> to vector<16xf32>
          %swap3A_482 = arith.index_cast %scan3A_392 : i32 to index
          %swap3A_483 = arith.index_cast %mul3A_477 : i32 to index
          %swap3A_484 = tpu.vector_load %arg18[%swap3A_482, %swap3A_483] {strides = array<i32>} : memref<4x2048xf32, #tpu.memory_space<vmem>>, vector<1x16xf32>,
          %swap3A_485 = vector.shape_cast %swap3A_484 : vector<1x16xf32> to vector<16xf32>
          %swap3A_486 = vector.shape_cast %get3A_481 : vector<16xf32> to vector<1x16xf32>
          tpu.vector_store %arg18[%swap3A_482, %swap3A_483], %swap3A_486 {add = true, strides = array<i32>} : memref<4x2048xf32, #tpu.memory_space<vmem>>, vector<1x16xf32>,
          %scan3A_487 = arith.constant 7 : i32
          %scan3A_488 = arith.addi %scan3A_399, %scan3A_487 : i32
          %mul3A_489 = arith.constant 16 : i32
          %mul3A_490 = arith.muli %scan3A_488, %mul3A_489 : i32
          %get3A_491 = arith.index_cast %scan3A_392 : i32 to index
          %get3A_492 = arith.index_cast %mul3A_490 : i32 to index
          %get3A_493 = tpu.vector_load %arg10[%get3A_491, %get3A_492] {strides = array<i32>} : memref<4x2048xf32, #tpu.memory_space<vmem>>, vector<1x16xf32>,
          %get3A_494 = vector.shape_cast %get3A_493 : vector<1x16xf32> to vector<16xf32>
          %swap3A_495 = arith.index_cast %scan3A_392 : i32 to index
          %swap3A_496 = arith.index_cast %mul3A_490 : i32 to index
          %swap3A_497 = tpu.vector_load %arg18[%swap3A_495, %swap3A_496] {strides = array<i32>} : memref<4x2048xf32, #tpu.memory_space<vmem>>, vector<1x16xf32>,
          %swap3A_498 = vector.shape_cast %swap3A_497 : vector<1x16xf32> to vector<16xf32>
          %swap3A_499 = vector.shape_cast %get3A_494 : vector<16xf32> to vector<1x16xf32>
          tpu.vector_store %arg18[%swap3A_495, %swap3A_496], %swap3A_499 {add = true, strides = array<i32>} : memref<4x2048xf32, #tpu.memory_space<vmem>>, vector<1x16xf32>,
          %scan3A_500 = arith.constant 8 : i32
          %scan3A_501 = arith.addi %scan3A_399, %scan3A_500 : i32
          %mul3A_502 = arith.constant 16 : i32
          %mul3A_503 = arith.muli %scan3A_501, %mul3A_502 : i32
          %get3A_504 = arith.index_cast %scan3A_392 : i32 to index
          %get3A_505 = arith.index_cast %mul3A_503 : i32 to index
          %get3A_506 = tpu.vector_load %arg10[%get3A_504, %get3A_505] {strides = array<i32>} : memref<4x2048xf32, #tpu.memory_space<vmem>>, vector<1x16xf32>,
          %get3A_507 = vector.shape_cast %get3A_506 : vector<1x16xf32> to vector<16xf32>
          %swap3A_508 = arith.index_cast %scan3A_392 : i32 to index
          %swap3A_509 = arith.index_cast %mul3A_503 : i32 to index
          %swap3A_510 = tpu.vector_load %arg18[%swap3A_508, %swap3A_509] {strides = array<i32>} : memref<4x2048xf32, #tpu.memory_space<vmem>>, vector<1x16xf32>,
          %swap3A_511 = vector.shape_cast %swap3A_510 : vector<1x16xf32> to vector<16xf32>
          %swap3A_512 = vector.shape_cast %get3A_507 : vector<16xf32> to vector<1x16xf32>
          tpu.vector_store %arg18[%swap3A_508, %swap3A_509], %swap3A_512 {add = true, strides = array<i32>} : memref<4x2048xf32, #tpu.memory_space<vmem>>, vector<1x16xf32>,
          %scan3A_513 = arith.constant 9 : i32
          %scan3A_514 = arith.addi %scan3A_399, %scan3A_513 : i32
          %mul3A_515 = arith.constant 16 : i32
          %mul3A_516 = arith.muli %scan3A_514, %mul3A_515 : i32
          %get3A_517 = arith.index_cast %scan3A_392 : i32 to index
          %get3A_518 = arith.index_cast %mul3A_516 : i32 to index
          %get3A_519 = tpu.vector_load %arg10[%get3A_517, %get3A_518] {strides = array<i32>} : memref<4x2048xf32, #tpu.memory_space<vmem>>, vector<1x16xf32>,
          %get3A_520 = vector.shape_cast %get3A_519 : vector<1x16xf32> to vector<16xf32>
          %swap3A_521 = arith.index_cast %scan3A_392 : i32 to index
          %swap3A_522 = arith.index_cast %mul3A_516 : i32 to index
          %swap3A_523 = tpu.vector_load %arg18[%swap3A_521, %swap3A_522] {strides = array<i32>} : memref<4x2048xf32, #tpu.memory_space<vmem>>, vector<1x16xf32>,
          %swap3A_524 = vector.shape_cast %swap3A_523 : vector<1x16xf32> to vector<16xf32>
          %swap3A_525 = vector.shape_cast %get3A_520 : vector<16xf32> to vector<1x16xf32>
          tpu.vector_store %arg18[%swap3A_521, %swap3A_522], %swap3A_525 {add = true, strides = array<i32>} : memref<4x2048xf32, #tpu.memory_space<vmem>>, vector<1x16xf32>,
          %scan3A_526 = arith.constant 10 : i32
          %scan3A_527 = arith.addi %scan3A_399, %scan3A_526 : i32
          %mul3A_528 = arith.constant 16 : i32
          %mul3A_529 = arith.muli %scan3A_527, %mul3A_528 : i32
          %get3A_530 = arith.index_cast %scan3A_392 : i32 to index
          %get3A_531 = arith.index_cast %mul3A_529 : i32 to index
          %get3A_532 = tpu.vector_load %arg10[%get3A_530, %get3A_531] {strides = array<i32>} : memref<4x2048xf32, #tpu.memory_space<vmem>>, vector<1x16xf32>,
          %get3A_533 = vector.shape_cast %get3A_532 : vector<1x16xf32> to vector<16xf32>
          %swap3A_534 = arith.index_cast %scan3A_392 : i32 to index
          %swap3A_535 = arith.index_cast %mul3A_529 : i32 to index
          %swap3A_536 = tpu.vector_load %arg18[%swap3A_534, %swap3A_535] {strides = array<i32>} : memref<4x2048xf32, #tpu.memory_space<vmem>>, vector<1x16xf32>,
          %swap3A_537 = vector.shape_cast %swap3A_536 : vector<1x16xf32> to vector<16xf32>
          %swap3A_538 = vector.shape_cast %get3A_533 : vector<16xf32> to vector<1x16xf32>
          tpu.vector_store %arg18[%swap3A_534, %swap3A_535], %swap3A_538 {add = true, strides = array<i32>} : memref<4x2048xf32, #tpu.memory_space<vmem>>, vector<1x16xf32>,
          %scan3A_539 = arith.constant 11 : i32
          %scan3A_540 = arith.addi %scan3A_399, %scan3A_539 : i32
          %mul3A_541 = arith.constant 16 : i32
          %mul3A_542 = arith.muli %scan3A_540, %mul3A_541 : i32
          %get3A_543 = arith.index_cast %scan3A_392 : i32 to index
          %get3A_544 = arith.index_cast %mul3A_542 : i32 to index
          %get3A_545 = tpu.vector_load %arg10[%get3A_543, %get3A_544] {strides = array<i32>} : memref<4x2048xf32, #tpu.memory_space<vmem>>, vector<1x16xf32>,
          %get3A_546 = vector.shape_cast %get3A_545 : vector<1x16xf32> to vector<16xf32>
          %swap3A_547 = arith.index_cast %scan3A_392 : i32 to index
          %swap3A_548 = arith.index_cast %mul3A_542 : i32 to index
          %swap3A_549 = tpu.vector_load %arg18[%swap3A_547, %swap3A_548] {strides = array<i32>} : memref<4x2048xf32, #tpu.memory_space<vmem>>, vector<1x16xf32>,
          %swap3A_550 = vector.shape_cast %swap3A_549 : vector<1x16xf32> to vector<16xf32>
          %swap3A_551 = vector.shape_cast %get3A_546 : vector<16xf32> to vector<1x16xf32>
          tpu.vector_store %arg18[%swap3A_547, %swap3A_548], %swap3A_551 {add = true, strides = array<i32>} : memref<4x2048xf32, #tpu.memory_space<vmem>>, vector<1x16xf32>,
          %scan3A_552 = arith.constant 12 : i32
          %scan3A_553 = arith.addi %scan3A_399, %scan3A_552 : i32
          %mul3A_554 = arith.constant 16 : i32
          %mul3A_555 = arith.muli %scan3A_553, %mul3A_554 : i32
          %get3A_556 = arith.index_cast %scan3A_392 : i32 to index
          %get3A_557 = arith.index_cast %mul3A_555 : i32 to index
          %get3A_558 = tpu.vector_load %arg10[%get3A_556, %get3A_557] {strides = array<i32>} : memref<4x2048xf32, #tpu.memory_space<vmem>>, vector<1x16xf32>,
          %get3A_559 = vector.shape_cast %get3A_558 : vector<1x16xf32> to vector<16xf32>
          %swap3A_560 = arith.index_cast %scan3A_392 : i32 to index
          %swap3A_561 = arith.index_cast %mul3A_555 : i32 to index
          %swap3A_562 = tpu.vector_load %arg18[%swap3A_560, %swap3A_561] {strides = array<i32>} : memref<4x2048xf32, #tpu.memory_space<vmem>>, vector<1x16xf32>,
          %swap3A_563 = vector.shape_cast %swap3A_562 : vector<1x16xf32> to vector<16xf32>
          %swap3A_564 = vector.shape_cast %get3A_559 : vector<16xf32> to vector<1x16xf32>
          tpu.vector_store %arg18[%swap3A_560, %swap3A_561], %swap3A_564 {add = true, strides = array<i32>} : memref<4x2048xf32, #tpu.memory_space<vmem>>, vector<1x16xf32>,
          %scan3A_565 = arith.constant 13 : i32
          %scan3A_566 = arith.addi %scan3A_399, %scan3A_565 : i32
          %mul3A_567 = arith.constant 16 : i32
          %mul3A_568 = arith.muli %scan3A_566, %mul3A_567 : i32
          %get3A_569 = arith.index_cast %scan3A_392 : i32 to index
          %get3A_570 = arith.index_cast %mul3A_568 : i32 to index
          %get3A_571 = tpu.vector_load %arg10[%get3A_569, %get3A_570] {strides = array<i32>} : memref<4x2048xf32, #tpu.memory_space<vmem>>, vector<1x16xf32>,
          %get3A_572 = vector.shape_cast %get3A_571 : vector<1x16xf32> to vector<16xf32>
          %swap3A_573 = arith.index_cast %scan3A_392 : i32 to index
          %swap3A_574 = arith.index_cast %mul3A_568 : i32 to index
          %swap3A_575 = tpu.vector_load %arg18[%swap3A_573, %swap3A_574] {strides = array<i32>} : memref<4x2048xf32, #tpu.memory_space<vmem>>, vector<1x16xf32>,
          %swap3A_576 = vector.shape_cast %swap3A_575 : vector<1x16xf32> to vector<16xf32>
          %swap3A_577 = vector.shape_cast %get3A_572 : vector<16xf32> to vector<1x16xf32>
          tpu.vector_store %arg18[%swap3A_573, %swap3A_574], %swap3A_577 {add = true, strides = array<i32>} : memref<4x2048xf32, #tpu.memory_space<vmem>>, vector<1x16xf32>,
          %scan3A_578 = arith.constant 14 : i32
          %scan3A_579 = arith.addi %scan3A_399, %scan3A_578 : i32
          %mul3A_580 = arith.constant 16 : i32
          %mul3A_581 = arith.muli %scan3A_579, %mul3A_580 : i32
          %get3A_582 = arith.index_cast %scan3A_392 : i32 to index
          %get3A_583 = arith.index_cast %mul3A_581 : i32 to index
          %get3A_584 = tpu.vector_load %arg10[%get3A_582, %get3A_583] {strides = array<i32>} : memref<4x2048xf32, #tpu.memory_space<vmem>>, vector<1x16xf32>,
          %get3A_585 = vector.shape_cast %get3A_584 : vector<1x16xf32> to vector<16xf32>
          %swap3A_586 = arith.index_cast %scan3A_392 : i32 to index
          %swap3A_587 = arith.index_cast %mul3A_581 : i32 to index
          %swap3A_588 = tpu.vector_load %arg18[%swap3A_586, %swap3A_587] {strides = array<i32>} : memref<4x2048xf32, #tpu.memory_space<vmem>>, vector<1x16xf32>,
          %swap3A_589 = vector.shape_cast %swap3A_588 : vector<1x16xf32> to vector<16xf32>
          %swap3A_590 = vector.shape_cast %get3A_585 : vector<16xf32> to vector<1x16xf32>
          tpu.vector_store %arg18[%swap3A_586, %swap3A_587], %swap3A_590 {add = true, strides = array<i32>} : memref<4x2048xf32, #tpu.memory_space<vmem>>, vector<1x16xf32>,
          %scan3A_591 = arith.constant 15 : i32
          %scan3A_592 = arith.addi %scan3A_399, %scan3A_591 : i32
          %mul3A_593 = arith.constant 16 : i32
          %mul3A_594 = arith.muli %scan3A_592, %mul3A_593 : i32
          %get3A_595 = arith.index_cast %scan3A_392 : i32 to index
          %get3A_596 = arith.index_cast %mul3A_594 : i32 to index
          %get3A_597 = tpu.vector_load %arg10[%get3A_595, %get3A_596] {strides = array<i32>} : memref<4x2048xf32, #tpu.memory_space<vmem>>, vector<1x16xf32>,
          %get3A_598 = vector.shape_cast %get3A_597 : vector<1x16xf32> to vector<16xf32>
          %swap3A_599 = arith.index_cast %scan3A_392 : i32 to index
          %swap3A_600 = arith.index_cast %mul3A_594 : i32 to index
          %swap3A_601 = tpu.vector_load %arg18[%swap3A_599, %swap3A_600] {strides = array<i32>} : memref<4x2048xf32, #tpu.memory_space<vmem>>, vector<1x16xf32>,
          %swap3A_602 = vector.shape_cast %swap3A_601 : vector<1x16xf32> to vector<16xf32>
          %swap3A_603 = vector.shape_cast %get3A_598 : vector<16xf32> to vector<1x16xf32>
          tpu.vector_store %arg18[%swap3A_599, %swap3A_600], %swap3A_603 {add = true, strides = array<i32>} : memref<4x2048xf32, #tpu.memory_space<vmem>>, vector<1x16xf32>,
        }
        %scan3A_398 = arith.constant 128 : i32
      }
      %scan3A_379 = arith.constant 4 : i32
      %mul3A_380 = arith.constant 4 : i32
      %mul3A_381 = arith.muli %add3A_357, %mul3A_380 : i32
      %add3A_382 = arith.addi %mul3A_2, %mul3A_381 : i32
      %dma_start3A_383 = arith.constant 0 : i32
      %dma_start3A_384 = tpu.memref_slice %arg5[%add3A_382, %dma_start3A_383] : memref<16384x2048xf32, #tpu.memory_space<hbm>> -> memref<4x2048xf32, #tpu.memory_space<hbm>>
      %dma_start3A_385 = arith.constant 0 : i32
      %dma_start3A_386 = tpu.memref_slice %arg5[%add3A_382, %dma_start3A_385] : memref<16384x2048xf32, #tpu.memory_space<hbm>> -> memref<4x2048xf32, #tpu.memory_space<hbm>>
      tpu.enqueue_dma source(%arg18 : memref<4x2048xf32, #tpu.memory_space<vmem>>) target(%dma_start3A_386 : memref<4x2048xf32, #tpu.memory_space<hbm>>) target_semaphore(%arg38 : memref<!tpu.dma_semaphore, #tpu.memory_space<semaphore_mem>>)
      %lt3A_387 = arith.constant 124 : i32
      %lt3A_388 = arith.cmpi slt, %add3A_357, %lt3A_387 : i32
      %convert_element_type3A_389 = arith.extui %lt3A_388 : i1 to i32
      %cond3A_390 = arith.constant 0 : i32
      %cond3A_391 = arith.cmpi ne, %convert_element_type3A_389, %cond3A_390 : i32
      scf.if %cond3A_391 {
        %add3A_392 = arith.constant 4 : i32
        %add3A_393 = arith.addi %add3A_357, %add3A_392 : i32
        %mul3A_394 = arith.constant 4 : i32
        %mul3A_395 = arith.muli %add3A_393, %mul3A_394 : i32
        %add3A_396 = arith.addi %mul3A_2, %mul3A_395 : i32
        %dma_start3A_397 = arith.constant 0 : i32
        %dma_start3A_398 = tpu.memref_slice %arg2[%add3A_396, %dma_start3A_397] : memref<16384x2048xf32, #tpu.memory_space<hbm>> -> memref<4x2048xf32, #tpu.memory_space<hbm>>
        %dma_start3A_399 = arith.constant 0 : i32
        %dma_start3A_400 = tpu.memref_slice %arg2[%add3A_396, %dma_start3A_399] : memref<16384x2048xf32, #tpu.memory_space<hbm>> -> memref<4x2048xf32, #tpu.memory_space<hbm>>
        tpu.enqueue_dma source(%dma_start3A_400 : memref<4x2048xf32, #tpu.memory_space<hbm>>) target(%arg10 : memref<4x2048xf32, #tpu.memory_space<vmem>>) target_semaphore(%arg22 : memref<!tpu.dma_semaphore, #tpu.memory_space<semaphore_mem>>)
      } else {
      }
    }
    %scan3A_58 = arith.constant 16 : i32
    %dma_wait3A = arith.constant 0 : i32
    %dma_wait3A_59 = tpu.memref_slice %arg5[%mul3A_2, %dma_wait3A] : memref<16384x2048xf32, #tpu.memory_space<hbm>> -> memref<4x2048xf32, #tpu.memory_space<hbm>>
    %dma_wait3A_60 = arith.constant 0 : i32
    %dma_wait3A_61 = tpu.memref_slice %arg5[%mul3A_2, %dma_wait3A_60] : memref<16384x2048xf32, #tpu.memory_space<hbm>> -> memref<4x2048xf32, #tpu.memory_space<hbm>>
    tpu.wait_dma2 semaphore(%arg31 : memref<!tpu.dma_semaphore, #tpu.memory_space<semaphore_mem>>) src(%arg11 : memref<4x2048xf32, #tpu.memory_space<vmem>>) dst(%dma_wait3A_61 : memref<4x2048xf32, #tpu.memory_space<hbm>>)
    %dma_wait3A_62 = arith.constant 0 : i32
    %dma_wait3A_63 = tpu.memref_slice %arg5[%mul3A_2, %dma_wait3A_62] : memref<16384x2048xf32, #tpu.memory_space<hbm>> -> memref<4x2048xf32, #tpu.memory_space<hbm>>
    %dma_wait3A_64 = arith.constant 0 : i32
    %dma_wait3A_65 = tpu.memref_slice %arg5[%mul3A_2, %dma_wait3A_64] : memref<16384x2048xf32, #tpu.memory_space<hbm>> -> memref<4x2048xf32, #tpu.memory_space<hbm>>
    tpu.wait_dma2 semaphore(%arg32 : memref<!tpu.dma_semaphore, #tpu.memory_space<semaphore_mem>>) src(%arg12 : memref<4x2048xf32, #tpu.memory_space<vmem>>) dst(%dma_wait3A_65 : memref<4x2048xf32, #tpu.memory_space<hbm>>)
    %dma_wait3A_66 = arith.constant 0 : i32
    %dma_wait3A_67 = tpu.memref_slice %arg5[%mul3A_2, %dma_wait3A_66] : memref<16384x2048xf32, #tpu.memory_space<hbm>> -> memref<4x2048xf32, #tpu.memory_space<hbm>>
    %dma_wait3A_68 = arith.constant 0 : i32
    %dma_wait3A_69 = tpu.memref_slice %arg5[%mul3A_2, %dma_wait3A_68] : memref<16384x2048xf32, #tpu.memory_space<hbm>> -> memref<4x2048xf32, #tpu.memory_space<hbm>>
    tpu.wait_dma2 semaphore(%arg33 : memref<!tpu.dma_semaphore, #tpu.memory_space<semaphore_mem>>) src(%arg13 : memref<4x2048xf32, #tpu.memory_space<vmem>>) dst(%dma_wait3A_69 : memref<4x2048xf32, #tpu.memory_space<hbm>>)
    %dma_wait3A_70 = arith.constant 0 : i32
    %dma_wait3A_71 = tpu.memref_slice %arg5[%mul3A_2, %dma_wait3A_70] : memref<16384x2048xf32, #tpu.memory_space<hbm>> -> memref<4x2048xf32, #tpu.memory_space<hbm>>
    %dma_wait3A_72 = arith.constant 0 : i32
    %dma_wait3A_73 = tpu.memref_slice %arg5[%mul3A_2, %dma_wait3A_72] : memref<16384x2048xf32, #tpu.memory_space<hbm>> -> memref<4x2048xf32, #tpu.memory_space<hbm>>
    tpu.wait_dma2 semaphore(%arg34 : memref<!tpu.dma_semaphore, #tpu.memory_space<semaphore_mem>>) src(%arg14 : memref<4x2048xf32, #tpu.memory_space<vmem>>) dst(%dma_wait3A_73 : memref<4x2048xf32, #tpu.memory_space<hbm>>)
    %dma_wait3A_74 = arith.constant 0 : i32
    %dma_wait3A_75 = tpu.memref_slice %arg5[%mul3A_2, %dma_wait3A_74] : memref<16384x2048xf32, #tpu.memory_space<hbm>> -> memref<4x2048xf32, #tpu.memory_space<hbm>>
    %dma_wait3A_76 = arith.constant 0 : i32
    %dma_wait3A_77 = tpu.memref_slice %arg5[%mul3A_2, %dma_wait3A_76] : memref<16384x2048xf32, #tpu.memory_space<hbm>> -> memref<4x2048xf32, #tpu.memory_space<hbm>>
    tpu.wait_dma2 semaphore(%arg35 : memref<!tpu.dma_semaphore, #tpu.memory_space<semaphore_mem>>) src(%arg15 : memref<4x2048xf32, #tpu.memory_space<vmem>>) dst(%dma_wait3A_77 : memref<4x2048xf32, #tpu.memory_space<hbm>>)
    %dma_wait3A_78 = arith.constant 0 : i32
    %dma_wait3A_79 = tpu.memref_slice %arg5[%mul3A_2, %dma_wait3A_78] : memref<16384x2048xf32, #tpu.memory_space<hbm>> -> memref<4x2048xf32, #tpu.memory_space<hbm>>
    %dma_wait3A_80 = arith.constant 0 : i32
    %dma_wait3A_81 = tpu.memref_slice %arg5[%mul3A_2, %dma_wait3A_80] : memref<16384x2048xf32, #tpu.memory_space<hbm>> -> memref<4x2048xf32, #tpu.memory_space<hbm>>
    tpu.wait_dma2 semaphore(%arg36 : memref<!tpu.dma_semaphore, #tpu.memory_space<semaphore_mem>>) src(%arg16 : memref<4x2048xf32, #tpu.memory_space<vmem>>) dst(%dma_wait3A_81 : memref<4x2048xf32, #tpu.memory_space<hbm>>)
    %dma_wait3A_82 = arith.constant 0 : i32
    %dma_wait3A_83 = tpu.memref_slice %arg5[%mul3A_2, %dma_wait3A_82] : memref<16384x2048xf32, #tpu.memory_space<hbm>> -> memref<4x2048xf32, #tpu.memory_space<hbm>>
    %dma_wait3A_84 = arith.constant 0 : i32
    %dma_wait3A_85 = tpu.memref_slice %arg5[%mul3A_2, %dma_wait3A_84] : memref<16384x2048xf32, #tpu.memory_space<hbm>> -> memref<4x2048xf32, #tpu.memory_space<hbm>>
    tpu.wait_dma2 semaphore(%arg37 : memref<!tpu.dma_semaphore, #tpu.memory_space<semaphore_mem>>) src(%arg17 : memref<4x2048xf32, #tpu.memory_space<vmem>>) dst(%dma_wait3A_85 : memref<4x2048xf32, #tpu.memory_space<hbm>>)
    %dma_wait3A_86 = arith.constant 0 : i32
    %dma_wait3A_87 = tpu.memref_slice %arg5[%mul3A_2, %dma_wait3A_86] : memref<16384x2048xf32, #tpu.memory_space<hbm>> -> memref<4x2048xf32, #tpu.memory_space<hbm>>
    %dma_wait3A_88 = arith.constant 0 : i32
    %dma_wait3A_89 = tpu.memref_slice %arg5[%mul3A_2, %dma_wait3A_88] : memref<16384x2048xf32, #tpu.memory_space<hbm>> -> memref<4x2048xf32, #tpu.memory_space<hbm>>
    tpu.wait_dma2 semaphore(%arg38 : memref<!tpu.dma_semaphore, #tpu.memory_space<semaphore_mem>>) src(%arg18 : memref<4x2048xf32, #tpu.memory_space<vmem>>) dst(%dma_wait3A_89 : memref<4x2048xf32, #tpu.memory_space<hbm>>)
    return
  }
}

</mosaic_0001>

<sc_bundles>
// kernel: _pos_add.3.cloned.1.call-start
scs
__scs_entry_jumppad:
0x0: {  	(pc) =	sbr.rel $0x88, $3  }
0x1: {  	(tag) =	ssettag $0x0;
	lr =	simm.s32 $0x1  }
0x2: {  	[smem:$0x3F9E] =	sst lr;
	_ =	strace $0xD0000000  }
0x3: {  	_ = 	snop  }
0x4: {  	_ = 	snop  }
0x5: {  	_ = 	snop  }
0x6: {  	_ = 	snop  }
0x7: {  	_ = 	snop  }
__scs_overlays_trampoline_lowered:
0x8: {  	[smem:$0x3FAD] =	sst s0  }
0x9: {  	[smem:$0x3FAE] =	sst s1  }
0xa: {  	[smem:$0x3FAF] =	sst s2  }
0xb: {  	[smem:$0x3FB0] =	sst s3  }
0xc: {  	[smem:$0x3FB1] =	sst s4  }
0xd: {  	[smem:$0x3FB2] =	sst s5  }
0xe: {  	[smem:$0x3FB3] =	sst s6  }
0xf: {  	[smem:$0x3FB4] =	sst s7  }
0x10: {  	[smem:$0x3FB5] =	sst s8  }
0x11: {  	[smem:$0x3FB6] =	sst s9;
	s0 =	simm.s32 @!p0 $0x0  }
0x12: {  	s1 =	sld [smem:$0x3F9C];
	s0 =	simm.s32 @p0 $0x1  }
0x13: {  	[smem:$0x3FB7] =	sst s0;
	s0 =	simm.s32 @!p1 $0x0  }
0x14: {  	s2 =	sld [smem:$0x3F9B];
	s0 =	simm.s32 @p1 $0x1  }
0x15: {  	[smem:$0x3FB8] =	sst s0;
	s0 =	simm.s32 @!p2 $0x0  }
0x16: {  	s3 =	sld [smem:$0x3FDB];
	s0 =	simm.s32 @p2 $0x1  }
0x17: {  	s4 =	simm.s32 $0x1BF5;
	[smem:$0x3FBA] =	sst s0  }
0x18: {  	s0 =	sld [smem:$0x3F9D];
	_ =	swait.ge [sflag:s4], $0x0  }
0x19: {  	s7 =	sld [smem:$0x3F9E]  }
0x1a: {  	s8 =	sadd.s32 $0xFFFFE003, lr  }
0x1b: {  	s9 =	sadd.s32 $0xFFFFFEF7, lr;
	s5 =	simm.s32 $0xFFFFFFFF;
	p2 =	slt.u32 s8, $0xFFFFF086  }
0x1c: {  	p1 =	slt.u32 s9, $0xF7A;
	s5 =	simm.s32 @!p2 $0x0  }
0x1d: {  	s5 =	simm.s32 @p1 $0x1;
	p0 =	seq.s32 s7, s2  }
0x1e: {  	s7 =	smul.u32 @!p0 $0xF7A, s2;
	p2 =	seq.s32 @!p0 s5, $0x0  }
0x1f: {  	s9 =	smul.u32 $0xF7A, s1;
	s8 =	simm.s32 @!p0 $0x1BF5;
	p2 =	por !p2, p0  }
0x20: {  	[sflag:s8] =	ssyncset.s32 @!p0 $0xFFFFF086;
	s6 =	sadd.s32 @!p0 s3, s7;
	s7 =	simm.s32 @!p0 $0x108  }
0x21: {  	s3 =	sadd.s32 s3, s9;
	s6 =	sadd.s32 @!p0 $0x88, s6;
	s7 =	simm.s32 @p2 $0x1082  }
0x22: {  	[simem:s7], [sflag:s8] =	dma.local @!p0 [hbm:s6], $0xF7A  }
0x23: {  	s9 =	sor.u32 $0xD0000000, s2;
	s6 =	simm.s32 $0x108;
	_ =	swait.ge @!p0 [sflag:s8], $0x0  }
0x24: {  	s3 =	sadd.s32 $0x88, s3;
	s6 =	simm.s32 @!p1 $0x1082;
	[sflag:s4] =	ssyncset.s32 $0xFFFFF086  }
0x25: {  	[simem:s6], [sflag:s4] =	dma.local [hbm:s3], $0xF7A  }
0x26: {  	[smem:$0x3F9E] =	sst s1;
	(tag) =	ssettag s2;
	_ =	strace s9  }
0x27: {  	s1 =	sld [smem:$0x3FAE]  }
0x28: {  	s2 =	sld [smem:$0x3FAF]  }
0x29: {  	s4 =	sld [smem:$0x3FB1]  }
0x2a: {  	p0 =	seq.s32 s5, $0x0;
	s5 =	sld [smem:$0x3FB2]  }
0x2b: {  	s6 =	sld [smem:$0x3FB3]  }
0x2c: {  	s7 =	sld [smem:$0x3FB4]  }
0x2d: {  	s3 =	simm.s32 $0x108;
	s8 =	sld [smem:$0x3FB5]  }
0x2e: {  	s3 =	simm.s32 @!p0 $0x1082;
	s9 =	sld [smem:$0x3FB6]  }
0x2f: {  	lr =	sadd.s32 s0, s3;
	s0 =	sld [smem:$0x3FAD]  }
0x30: {  	s3 =	sld [smem:$0x3FB0]  }
0x31: {  	[smem:$0x3FB9] =	sst s10  }
0x32: {  	s10 =	sld [smem:$0x3FB7];
	_ =	sdelay $0x3  }
0x33: {  	p0 =	seq.s32 s10, $0x1;
	s10 =	sld [smem:$0x3FB9];
	_ =	sdelay $0x3  }
0x34: {  	[smem:$0x3FB9] =	sst s10  }
0x35: {  	s10 =	sld [smem:$0x3FB8];
	_ =	sdelay $0x3  }
0x36: {  	p1 =	seq.s32 s10, $0x1;
	s10 =	sld [smem:$0x3FB9];
	_ =	sdelay $0x3  }
0x37: {  	[smem:$0x3FB9] =	sst s10  }
0x38: {  	s10 =	sld [smem:$0x3FBA]  }
0x39: {  	_ = 	snop;
	(pc) =	sbr.ind lr, $3  }
0x3a: {  	_ = 	snop  }
0x3b: {  	_ = 	snop  }
0x3c: {  	p2 =	seq.s32 s10, $0x1;
	s10 =	sld [smem:$0x3FB9]  }
0x3d: {  	_ =	shalt  }
0x3e: {  	_ =	shalt  }
0x3f: {  	_ =	shalt  }
0x40: {  	_ =	shalt  }
0x41: {  	_ =	shalt  }
0x42: {  	_ =	shalt  }
0x43: {  	_ =	shalt  }
0x44: {  	_ =	shalt  }
0x45: {  	_ =	shalt  }
0x46: {  	_ =	shalt  }
0x47: {  	_ =	shalt  }
0x48: {  	_ =	shalt  }
0x49: {  	_ =	shalt  }
0x4a: {  	_ =	shalt  }
0x4b: {  	_ =	shalt  }
0x4c: {  	_ =	shalt  }
0x4d: {  	_ =	shalt  }
0x4e: {  	_ =	shalt  }
0x4f: {  	_ =	shalt  }
0x50: {  	_ =	shalt  }
0x51: {  	_ =	shalt  }
0x52: {  	_ =	shalt  }
0x53: {  	_ =	shalt  }
0x54: {  	_ =	shalt  }
0x55: {  	_ =	shalt  }
0x56: {  	_ =	shalt  }
0x57: {  	_ =	shalt  }
0x58: {  	_ =	shalt  }
0x59: {  	_ =	shalt  }
0x5a: {  	_ =	shalt  }
0x5b: {  	_ =	shalt  }
0x5c: {  	_ =	shalt  }
0x5d: {  	_ =	shalt  }
0x5e: {  	_ =	shalt  }
0x5f: {  	_ =	shalt  }
0x60: {  	_ =	shalt  }
0x61: {  	_ =	shalt  }
0x62: {  	_ =	shalt  }
0x63: {  	_ =	shalt  }
0x64: {  	_ =	shalt  }
0x65: {  	_ =	shalt  }
0x66: {  	_ =	shalt  }
0x67: {  	_ =	shalt  }
0x68: {  	_ =	shalt  }
0x69: {  	_ =	shalt  }
0x6a: {  	_ =	shalt  }
0x6b: {  	_ =	shalt  }
0x6c: {  	_ =	shalt  }
0x6d: {  	_ =	shalt  }
0x6e: {  	_ =	shalt  }
0x6f: {  	_ =	shalt  }
0x70: {  	_ =	shalt  }
0x71: {  	_ =	shalt  }
0x72: {  	_ =	shalt  }
0x73: {  	_ =	shalt  }
0x74: {  	_ =	shalt  }
0x75: {  	_ =	shalt  }
0x76: {  	_ =	shalt  }
0x77: {  	_ =	shalt  }
0x78: {  	_ =	shalt  }
0x79: {  	_ =	shalt  }
0x7a: {  	_ =	shalt  }
0x7b: {  	_ =	shalt  }
0x7c: {  	_ =	shalt  }
0x7d: {  	_ =	shalt  }
0x7e: {  	_ =	shalt  }
0x7f: {  	_ =	shalt  }
0x80: {  	_ =	shalt  }
0x81: {  	_ =	shalt  }
0x82: {  	_ =	shalt  }
0x83: {  	_ =	shalt  }
0x84: {  	_ =	shalt  }
0x85: {  	_ =	shalt  }
0x86: {  	_ =	shalt  }
0x87: {  	_ =	shalt  }
.Lfunc_end0:
.L_simem_size_0:
called_computation_lowered:
.L_overlay_start_0:
0x88: {  	s2 =	sld [smem:$0x3FD9]  }
0x89: {  	s3 =	sld [smem:$0x3FFE];
	_ =	sdelay $0x1  }
0x8a: {  	s1 =	srdreg.scid  }
0x8b: {  	s0 =	sand.u32 $0x1, s1  }
0x8c: {  	s17 =	sshll.u32 s0, $0xA;
	s2 =	sadd.s32 s3, s2  }
0x8d: {  	s2 =	sadd.s32 s2, s17  }
0x8e: {  	[smem:$0x3FC5] =	sst s2  }
0x8f: {  	_ = 	snop  }
0x90: {  	s2 =	sld [smem:$0x3FC9]  }
0x91: {  	s18 =	sld [smem:$0x3FC7]  }
0x92: {  	s4 =	sld [smem:$0x3FD0];
	(tm) =	ssettm $0x1  }
0x93: {  	s5 =	sld [smem:$0x3FFB];
	_ =	sdelay $0x3  }
0x94: {  	_ =	strace s5  }
0x95: {  	s5 =	sld [smem:$0x3FFC];
	_ =	sdelay $0x3  }
0x96: {  	_ =	strace s5  }
0x97: {  	s5 =	sld [smem:$0x3FFD];
	_ =	sdelay $0x3  }
0x98: {  	_ =	strace s5  }
0x99: {  	_ =	strace $0x8FFFFFFF  }
0x9a: {  	s19 =	sld [smem:$0x3FDB];
	_ =	sdelay $0x1  }
0x9b: {  	s6 =	simm.s32 $_scs_section_size  }
0x9c: {  	s7 =	simm.s32 $_size__tile_overlayer_lowered;
	s8 =	simm.s32 $_tile_overlayer_lowered  }
0x9d: {  	s22 =	simm.s32 $0x1BFF;
	s21 =	sshll.u32 s8, $0x1;
	s5 =	sadd.s32 s6, s19  }
0x9e: {  	s9 =	simm.s32 $0x0;
	s20 =	sshll.u32 s7, $0x1;
	s7 =	sadd.s32 s21, s5  }
0x9f: {  	[timem:s9], [sflag:s22] =	dma.local [hbm:s7], s20  }
0xa0: {  	_ =	swait.ge [sflag:s22], s20  }
0xa1: {  	s6 =	ssub.s32 $0x0, s20;
	[sflag:s22] =	ssyncset.done $0x0  }
0xa2: {  	[sflag:s22] =	ssyncadd.s32 s6;
	_ =	sdelay $0x1  }
0xa3: {  	s23 =	simm.s32 $0x1B8B  }
0xa4: {  	_ =	swait.ge [sflag:s23], $0x1  }
0xa5: {  	[sflag:s23] =	ssyncset.done $0x0  }
0xa6: {  	s25 =	simm.s32 $0x1B8E;
	s24 =	sld [smem:$0x3FFE];
	[sflag:s23] =	ssyncadd.s32 $0xFFFFFFFF  }
0xa7: {  	s26 =	simm.s32 $execute0_lowered;
	[smem:$0x3FD2] =	sst s25  }
0xa8: {  	s7 =	sshll.u32 s26, $0x1;
	_ =	strace $0x80000046;
	[dreg:$0x1] =	wrdreg $0xFFFFFFFF  }
0xa9: {  	s28 =	simm.s32 $_size_execute0_lowered;
	s5 =	sadd.s32 s5, s7;
	[dreg:$0x0] =	wrdreg $0x0  }
0xaa: {  	s7 =	sshll.u32 s28, $0x1;
	[dreg:$0x2] =	wrdreg s5  }
0xab: {  	[dreg:$0x3] =	wrdreg s7  }
0xac: {  	[dreg:$0x4] =	wrdreg $0xC0  }
0xad: {  	_ =	task [dreg:s9], $0x5FFFF  }
0xae: {  	[dreg:$0x1] =	wrdreg $0xFFFFFFFF  }
0xaf: {  	[dreg:$0x0] =	wrdreg $0x60  }
0xb0: {  	[dreg:$0x2] =	wrdreg s2  }
0xb1: {  	[dreg:$0x3] =	wrdreg s24  }
0xb2: {  	[dreg:$0x4] =	wrdreg s18  }
0xb3: {  	[dreg:$0x5] =	wrdreg s4  }
0xb4: {  	[dreg:$0x6] =	wrdreg $0x9  }
0xb5: {  	_ =	task.clear_ibuf [dreg:s9], $0x7FFFF;
	_ =	strace $0x90000046  }
0xb6: {  	s29 =	simm.s32 $0x9;
	_ =	strace $0x80000048  }
0xb7: {  	_ =	swait.ge [sflag:s29], $0x1  }
0xb8: {  	[sflag:s29] =	ssyncadd.s32 $0xFFFFFFFF  }
0xb9: {  	_ =	strace $0x90000048  }
0xba: {  	_ =	sfence  }
0xbb: {  	s30 =	sld [smem:$0x0];
	_ =	sdelay $0x2  }
0xbc: {  	s31 =	sshll.u32 s1, $0xD;
	s1 =	sshrl.u32 s1, $0x2  }
0xbd: {  	s3 =	sand.u32 $0x4000, s31;
	s1 =	sadd.s32 s1, s30  }
0xbe: {  	s0 =	sor.u32 s3, s0;
	s1 =	sshll.u32 s1, $0x11  }
0xbf: {  	s0 =	sor.u32 s1, s0  }
0xc0: {  	s0 =	sadd.s32 $0x8F2B, s0  }
0xc1: {  	[sflag:s0] =	ssyncadd.remote.s32 $0x1  }
0xc2: {  	_ =	sfence.sel $0xFFFF  }
0xc3: {  	[dreg:$0x0] =	wrdreg $0xFFFFFFFF;
	(pc) =	sbr.abs _section_cstart, $3  }
0xc4: {  	[dreg:$0x1] =	wrdreg $0xFFFFFFFF  }
0xc5: {  	_ =	task.clear_ibuf [dreg:s9], $0x2FFFF;
	_ =	strace $0x9FFFFFFF  }
0xc6: {  	(tm) =	ssettm $0x7FFFFFFF  }
0xc7: {  	_ =	shalt  }
tec
execute0_lowered:
.L_overlay_start_1:
0x0: {  	(tag) =	ssettag $0x1  }
0x1: {  	s1 =	rddreg [dreg:$0x0]  }
0x2: {  	s0 =	rddreg [dreg:$0x1]  }
0x3: {  	s3 =	rddreg [dreg:$0x2]  }
0x4: {  	s7 =	rddreg [dreg:$0x3]  }
0x5: {  	s2 =	srdreg.scid;
	s4 =	stileid.u32;
	s5 =	simm.s32 $0x0  }
0x6: {  	s15 =	simm.s32 $0x1;
	s30 =	simm.s32 $0x14000;
	s31 =	simm.s32 $0x16000  }
0x7: {  	s14 =	simm.s32 $0xB;
	s9 =	simm.s32 $0x0;
	s2 =	sand.u32 $0x1, s2  }
0x8: {  	s4 =	sshll.u32 s4, $0x1;
	[smem:$0x7FF] =	sst s5;
	s10 =	sadd.s32 $0x200, s3  }
0x9: {  	s11 =	sadd.s32 $0x40, s1;
	s12 =	sadd.s32 $0x400, s3;
	s13 =	sadd.s32 $0x600, s3  }
0xa: {  	s17 =	sadd.s32 $0x40, s7;
	s26 =	sadd.s32 $0x800, s7;
	s28 =	sadd.s32 $0x840, s7  }
0xb: {  	s5 =	simm.s32 $0x3;
	_ =	strace $0x80000047;
	[dreg:$0xb] =	wrdreg s26  }
0xc: {  	s4 =	sor.u32 s2, s4;
	s2 =	ssub.s32 $0x2, s2;
	[dreg:$0xc] =	wrdreg s28  }
0xd: {  	s26 =	simm.s32 $0x400;
	s22 =	sshll.u32 s4, $0xB;
	s6 =	sshrl.u32 s2, $0x1  }
0xe: {  	s23 =	sshll.u32 s4, $0x9;
	s8 =	sshll.u32 s4, $0x11;
	s0 =	sadd.s32 s22, s0  }
0xf: {  	s2 =	ssub.s32 s2, s6;
	s4 =	sadd.s32 s8, s11;
	[dreg:$0x5] =	wrdreg s23  }
0x10: {  	s24 =	sadd.s32 s1, s8;
	s20 =	sadd.s32 s7, s8;
	[dreg:$0x8] =	wrdreg s4  }
0x11: {  	s21 =	sor.u32 $0x20, s23;
	s0 =	sadd.s32 $0x400, s0;
	[dreg:$0x7] =	wrdreg s24  }
0x12: {  	s22 =	sor.u32 $0x28, s23;
	s25 =	sadd.s32 $0x800, s24;
	[dreg:$0x6] =	wrdreg s0  }
0x13: {  	v0 =	vlaneseq.u32;
	s6 =	simm.s32 $0xC;
	s29 =	smax.u32 s2, $0x1;
	[dreg:$0x9] =	wrdreg s25  }
0x14: {  	v1 =	vshrl.u32 v0, $0x2;
	s4 =	simm.s32 $0x2;
	s0 =	sadd.s32 $0x840, s24;
	[dreg:$0xd] =	wrdreg s29  }
0x15: {  	vm0 =	vmmov $0xffff;
	v0 =	vand.u32 $0x3, v0;
	v1 =	vmul.u32 $0x8, v1;
	s2 =	simm.s32 $0x4;
	s25 =	simm.s32 $0x200;
	[dreg:$0xa] =	wrdreg s0  }
.LBB2_1:
0x16: {  	[dreg:$0xe] =	wrdreg s9  }
0x17: {  	s0 =	simm.s32 $0x0;
	s7 =	rddreg [dreg:$0x6];
	s29 =	simm.s32 $0x15  }
0x18: {  	[tilespmem:s0], [sflag:$0x15] =	stream.linear.gather [hbm4b:s7+s0], $0x4000, $0x38;
	[tilespmem:$0x1C000] =	vst v63  }
0x19: {  	_ =	swait.ge [sflag:s29], $0x4000  }
0x1a: {  	[sflag:s29] =	ssyncset.done $0x0  }
0x1b: {  	s16 =	simm.s32 $0x4000;
	s9 =	rddreg [dreg:$0x7];
	[sflag:s29] =	ssyncadd.s32 $0xFFFFC000  }
0x1c: {  	[tilespmem:s16], [sflag:$0x1] =	stream.strided.gather [hbm4b:s9+s25], $0x2000, s26, s25, $0x38;
	[tilespmem:$0x1C000] =	vst v63  }
0x1d: {  	v2 =	vld.msk [tilespmem:$0x0], $0xf;
	_ =	sdelay $0x4  }
0x1e: {  	v3 =	vshll.u32 v2, $0x4  }
0x1f: {  	v2 =	vand.u32 $0x7, v2;
	v3 =	vand.u32 $0xFFFFFF80, v3  }
0x20: {  	v2 =	vor.u32 v2, v3  }
0x21: {  	v2 =	vperm.xlane v2, v0;
	_ =	sdelay $0x1  }
0x22: {  	v2 =	vadd.s32 v1, v2;
	_ =	sdelay $0x3  }
0x23: {  	s18 =	simm.s32 $0xC000  }
0x24: {  	[tilespmem:s18], [sflag:$0x5] =	stream.indirect_vreg.gather [hbm4b:s3+s0], $0x80, v2, vm0, $0xb8;
	[tilespmem:$0x1C000] =	vst v63  }
0x25: {  	s19 =	simm.s32 $0xC800  }
0x26: {  	[tilespmem:s19], [sflag:$0x5] =	stream.indirect_vreg.gather [hbm4b:s10+s0], $0x80, v2, vm0, $0xb8;
	[tilespmem:$0x1C000] =	vst v63  }
0x27: {  	s23 =	simm.s32 $0xD000  }
0x28: {  	[tilespmem:s23], [sflag:$0x5] =	stream.indirect_vreg.gather [hbm4b:s12+s0], $0x80, v2, vm0, $0xb8;
	[tilespmem:$0x1C000] =	vst v63  }
0x29: {  	s24 =	simm.s32 $0xD800  }
0x2a: {  	[tilespmem:s24], [sflag:$0x5] =	stream.indirect_vreg.gather [hbm4b:s13+s0], $0x80, v2, vm0, $0xb8;
	[tilespmem:$0x1C000] =	vst v63  }
0x2b: {  	s28 =	rddreg [dreg:$0x8];
	s29 =	simm.s32 $0x6000  }
0x2c: {  	[tilespmem:s29], [sflag:$0x2] =	stream.strided.gather [hbm4b:s28+s25], $0x2000, s26, s25, $0x38;
	[tilespmem:$0x1C000] =	vst v63  }
0x2d: {  	v2 =	vld.msk [tilespmem:$0x80], $0xf;
	_ =	sdelay $0x4  }
0x2e: {  	v3 =	vshll.u32 v2, $0x4  }
0x2f: {  	v2 =	vand.u32 $0x7, v2;
	v3 =	vand.u32 $0xFFFFFF80, v3  }
0x30: {  	v2 =	vor.u32 v2, v3  }
0x31: {  	v2 =	vperm.xlane v2, v0;
	_ =	sdelay $0x1  }
0x32: {  	v2 =	vadd.s32 v1, v2;
	_ =	sdelay $0x3  }
0x33: {  	s9 =	simm.s32 $0xE000  }
0x34: {  	[tilespmem:s9], [sflag:$0x6] =	stream.indirect_vreg.gather [hbm4b:s3+s0], $0x80, v2, vm0, $0xb8;
	[tilespmem:$0x1C000] =	vst v63  }
0x35: {  	s16 =	simm.s32 $0xE800  }
0x36: {  	[tilespmem:s16], [sflag:$0x6] =	stream.indirect_vreg.gather [hbm4b:s10+s0], $0x80, v2, vm0, $0xb8;
	[tilespmem:$0x1C000] =	vst v63  }
0x37: {  	s18 =	simm.s32 $0xF000  }
0x38: {  	[tilespmem:s18], [sflag:$0x6] =	stream.indirect_vreg.gather [hbm4b:s12+s0], $0x80, v2, vm0, $0xb8;
	[tilespmem:$0x1C000] =	vst v63  }
0x39: {  	s19 =	simm.s32 $0xF800  }
0x3a: {  	[tilespmem:s19], [sflag:$0x6] =	stream.indirect_vreg.gather [hbm4b:s13+s0], $0x80, v2, vm0, $0xb8;
	[tilespmem:$0x1C000] =	vst v63  }
0x3b: {  	s23 =	rddreg [dreg:$0x9];
	s24 =	simm.s32 $0x8000  }
0x3c: {  	[tilespmem:s24], [sflag:$0x3] =	stream.strided.gather [hbm4b:s23+s25], $0x2000, s26, s25, $0x38;
	[tilespmem:$0x1C000] =	vst v63  }
0x3d: {  	v2 =	vld.msk [tilespmem:$0x100], $0xf;
	_ =	sdelay $0x4  }
0x3e: {  	v3 =	vshll.u32 v2, $0x4  }
0x3f: {  	v2 =	vand.u32 $0x7, v2;
	v3 =	vand.u32 $0xFFFFFF80, v3  }
0x40: {  	v2 =	vor.u32 v2, v3  }
0x41: {  	v2 =	vperm.xlane v2, v0;
	_ =	sdelay $0x1  }
0x42: {  	v2 =	vadd.s32 v1, v2;
	_ =	sdelay $0x3  }
0x43: {  	s28 =	simm.s32 $0x10000  }
0x44: {  	[tilespmem:s28], [sflag:$0x7] =	stream.indirect_vreg.gather [hbm4b:s3+s0], $0x80, v2, vm0, $0xb8;
	[tilespmem:$0x1C000] =	vst v63  }
0x45: {  	s29 =	simm.s32 $0x10800  }
0x46: {  	[tilespmem:s29], [sflag:$0x7] =	stream.indirect_vreg.gather [hbm4b:s10+s0], $0x80, v2, vm0, $0xb8;
	[tilespmem:$0x1C000] =	vst v63  }
0x47: {  	s9 =	simm.s32 $0x11000  }
0x48: {  	[tilespmem:s9], [sflag:$0x7] =	stream.indirect_vreg.gather [hbm4b:s12+s0], $0x80, v2, vm0, $0xb8;
	[tilespmem:$0x1C000] =	vst v63  }
0x49: {  	s16 =	simm.s32 $0x11800  }
0x4a: {  	[tilespmem:s16], [sflag:$0x7] =	stream.indirect_vreg.gather [hbm4b:s13+s0], $0x80, v2, vm0, $0xb8;
	[tilespmem:$0x1C000] =	vst v63  }
0x4b: {  	s18 =	rddreg [dreg:$0xa];
	s19 =	simm.s32 $0xA000  }
0x4c: {  	[tilespmem:s19], [sflag:$0x4] =	stream.strided.gather [hbm4b:s18+s25], $0x2000, s26, s25, $0x38;
	[tilespmem:$0x1C000] =	vst v63  }
0x4d: {  	v2 =	vld.msk [tilespmem:$0x180], $0xf;
	_ =	sdelay $0x4  }
0x4e: {  	v3 =	vshll.u32 v2, $0x4  }
0x4f: {  	v2 =	vand.u32 $0x7, v2;
	v3 =	vand.u32 $0xFFFFFF80, v3  }
0x50: {  	v2 =	vor.u32 v2, v3  }
0x51: {  	v2 =	vperm.xlane v2, v0;
	_ =	sdelay $0x1  }
0x52: {  	v2 =	vadd.s32 v1, v2;
	_ =	sdelay $0x3  }
0x53: {  	s23 =	simm.s32 $0x12000  }
0x54: {  	[tilespmem:s23], [sflag:$0x8] =	stream.indirect_vreg.gather [hbm4b:s3+s0], $0x80, v2, vm0, $0xb8;
	[tilespmem:$0x1C000] =	vst v63  }
0x55: {  	s24 =	simm.s32 $0x12800  }
0x56: {  	[tilespmem:s24], [sflag:$0x8] =	stream.indirect_vreg.gather [hbm4b:s10+s0], $0x80, v2, vm0, $0xb8;
	[tilespmem:$0x1C000] =	vst v63  }
0x57: {  	s28 =	simm.s32 $0x13000  }
0x58: {  	[tilespmem:s28], [sflag:$0x8] =	stream.indirect_vreg.gather [hbm4b:s12+s0], $0x80, v2, vm0, $0xb8;
	[tilespmem:$0x1C000] =	vst v63  }
0x59: {  	s29 =	simm.s32 $0x13800;
	s18 =	simm.s32 $0x0  }
0x5a: {  	[tilespmem:s29], [sflag:$0x8] =	stream.indirect_vreg.gather [hbm4b:s13+s0], $0x80, v2, vm0, $0xb8;
	[tilespmem:$0x1C000] =	vst v63  }
.LBB2_2:
0x5b: {  	_ =	swait.ge [sflag:s15], $0x2000  }
0x5c: {  	[sflag:s15] =	ssyncset.done $0x0  }
0x5d: {  	s0 =	simm.s32 $0x5;
	[sflag:s15] =	ssyncadd.s32 $0xFFFFE000  }
0x5e: {  	_ =	swait.ge [sflag:s0], $0x2000  }
0x5f: {  	p0 =	seq.s32 s18, $0x0;
	[sflag:s0] =	ssyncset.done $0x0  }
0x60: {  	[sflag:s0] =	ssyncadd.s32 $0xFFFFE000;
	s0 =	simm.s32 @!p0 $0x11  }
0x61: {  	s7 =	sshll.u32 s18, $0xA;
	_ =	swait.ge @!p0 [sflag:s0], $0x2000  }
0x62: {  	s23 =	sand.u32 $0x3FFFFC00, s7;
	[sflag:s0] =	ssyncset.done @!p0 $0x0  }
0x63: {  	s24 =	sor.u32 $0x200, s23;
	[sflag:s0] =	ssyncadd.s32 @!p0 $0xFFFFE000  }
0x64: {  	v2 =	vld.msk [tilespmem:s24+$0x0], $0xf;
	_ =	sdelay $0x4  }
0x65: {  	v3 =	vshll.u32 v2, $0x4  }
0x66: {  	v2 =	vand.u32 $0x7, v2;
	v3 =	vand.u32 $0xFFFFFF80, v3  }
0x67: {  	v2 =	vor.u32 v2, v3  }
0x68: {  	v2 =	vperm.xlane v2, v0;
	_ =	sdelay $0x1  }
0x69: {  	v2 =	vadd.s32 v1, v2;
	_ =	sdelay $0x3  }
0x6a: {  	s0 =	simm.s32 $0x0  }
0x6b: {  	[tilespmem:s30], [sflag:$0x9] =	stream.indirect_vreg.gather [hbm4b:s3+s0], $0x80, v2, vm0, $0xb8;
	[tilespmem:$0x1C000] =	vst v63  }
0x6c: {  	s28 =	simm.s32 $0x14800  }
0x6d: {  	[tilespmem:s28], [sflag:$0x9] =	stream.indirect_vreg.gather [hbm4b:s10+s0], $0x80, v2, vm0, $0xb8;
	[tilespmem:$0x1C000] =	vst v63  }
0x6e: {  	s29 =	simm.s32 $0x15000  }
0x6f: {  	[tilespmem:s29], [sflag:$0x9] =	stream.indirect_vreg.gather [hbm4b:s12+s0], $0x80, v2, vm0, $0xb8;
	[tilespmem:$0x1C000] =	vst v63  }
0x70: {  	s9 =	simm.s32 $0x0;
	s24 =	sshll.u32 s18, $0x3;
	s30 =	simm.s32 $0x15800  }
0x71: {  	[tilespmem:s30], [sflag:$0x9] =	stream.indirect_vreg.gather [hbm4b:s13+s0], $0x80, v2, vm0, $0xb8;
	[tilespmem:$0x1C000] =	vst v63  }
.LBB2_3:
0x72: {  	s16 =	sshra.s32 s0, $0x2  }
0x73: {  	v2 =	vld [tilespmem:s16+$0x4270]  }
0x74: {  	v3 =	vld [tilespmem:s16+$0x4000]  }
0x75: {  	v4 =	vld [tilespmem:s16+$0x4010]  }
0x76: {  	v5 =	vld [tilespmem:s16+$0x4020]  }
0x77: {  	v6 =	vld [tilespmem:s16+$0x4030]  }
0x78: {  	v7 =	vld [tilespmem:s16+$0x4040]  }
0x79: {  	v8 =	vld [tilespmem:s16+$0x4050]  }
0x7a: {  	v9 =	vld [tilespmem:s16+$0x4060]  }
0x7b: {  	v10 =	vld [tilespmem:s16+$0x4070]  }
0x7c: {  	v11 =	vld [tilespmem:s16+$0x4200]  }
0x7d: {  	v12 =	vld [tilespmem:s16+$0x4210]  }
0x7e: {  	v13 =	vld [tilespmem:s16+$0x4220]  }
0x7f: {  	v14 =	vld [tilespmem:s16+$0x4230]  }
0x80: {  	v15 =	vld [tilespmem:s16+$0x4240]  }
0x81: {  	v16 =	vld [tilespmem:s16+$0x4250]  }
0x82: {  	[tilespmem:s16+$0xC270] =	vst.add.f32.msk $0xffff, v2  }
0x83: {  	v2 =	vld [tilespmem:s16+$0x4260]  }
0x84: {  	[tilespmem:s16+$0xC000] =	vst.add.f32.msk $0xffff, v3  }
0x85: {  	[tilespmem:s16+$0xC010] =	vst.add.f32.msk $0xffff, v4  }
0x86: {  	[tilespmem:s16+$0xC020] =	vst.add.f32.msk $0xffff, v5  }
0x87: {  	[tilespmem:s16+$0xC030] =	vst.add.f32.msk $0xffff, v6  }
0x88: {  	[tilespmem:s16+$0xC040] =	vst.add.f32.msk $0xffff, v7  }
0x89: {  	[tilespmem:s16+$0xC050] =	vst.add.f32.msk $0xffff, v8  }
0x8a: {  	[tilespmem:s16+$0xC060] =	vst.add.f32.msk $0xffff, v9  }
0x8b: {  	[tilespmem:s16+$0xC070] =	vst.add.f32.msk $0xffff, v10  }
0x8c: {  	[tilespmem:s16+$0xC200] =	vst.add.f32.msk $0xffff, v11  }
0x8d: {  	[tilespmem:s16+$0xC210] =	vst.add.f32.msk $0xffff, v12  }
0x8e: {  	[tilespmem:s16+$0xC220] =	vst.add.f32.msk $0xffff, v13  }
0x8f: {  	[tilespmem:s16+$0xC230] =	vst.add.f32.msk $0xffff, v14  }
0x90: {  	[tilespmem:s16+$0xC240] =	vst.add.f32.msk $0xffff, v15  }
0x91: {  	s19 =	simm.s32 $0x0;
	s28 =	sadd.s32 $0x1000, s0;
	[tilespmem:s16+$0xC250] =	vst.add.f32.msk $0xffff, v16  }
.LBB2_4:
0x92: {  	s19 =	sadd.s32 $0x10, s19;
	[tilespmem:s16+$0xC260] =	vst.add.f32.msk $0xffff, v2;
	s16 =	sshra.s32 s28, $0x2  }
0x93: {  	v2 =	vld [tilespmem:s16+$0x4270];
	p1 =	slt.u32 s19, $0x70  }
0x94: {  	v3 =	vld [tilespmem:s16+$0x4000]  }
0x95: {  	v4 =	vld [tilespmem:s16+$0x4010]  }
0x96: {  	v5 =	vld [tilespmem:s16+$0x4020]  }
0x97: {  	v6 =	vld [tilespmem:s16+$0x4030]  }
0x98: {  	[tilespmem:s16+$0xC270] =	vst.add.f32.msk $0xffff, v2  }
0x99: {  	v7 =	vld [tilespmem:s16+$0x4040]  }
0x9a: {  	v8 =	vld [tilespmem:s16+$0x4050]  }
0x9b: {  	v9 =	vld [tilespmem:s16+$0x4060]  }
0x9c: {  	v10 =	vld [tilespmem:s16+$0x4070]  }
0x9d: {  	v11 =	vld [tilespmem:s16+$0x4200]  }
0x9e: {  	v12 =	vld [tilespmem:s16+$0x4210]  }
0x9f: {  	v13 =	vld [tilespmem:s16+$0x4220]  }
0xa0: {  	v14 =	vld [tilespmem:s16+$0x4230]  }
0xa1: {  	v15 =	vld [tilespmem:s16+$0x4240]  }
0xa2: {  	v16 =	vld [tilespmem:s16+$0x4250]  }
0xa3: {  	v2 =	vld [tilespmem:s16+$0x4260]  }
0xa4: {  	[tilespmem:s16+$0xC000] =	vst.add.f32.msk $0xffff, v3  }
0xa5: {  	[tilespmem:s16+$0xC010] =	vst.add.f32.msk $0xffff, v4  }
0xa6: {  	[tilespmem:s16+$0xC020] =	vst.add.f32.msk $0xffff, v5  }
0xa7: {  	[tilespmem:s16+$0xC030] =	vst.add.f32.msk $0xffff, v6  }
0xa8: {  	[tilespmem:s16+$0xC040] =	vst.add.f32.msk $0xffff, v7  }
0xa9: {  	[tilespmem:s16+$0xC050] =	vst.add.f32.msk $0xffff, v8  }
0xaa: {  	[tilespmem:s16+$0xC060] =	vst.add.f32.msk $0xffff, v9  }
0xab: {  	[tilespmem:s16+$0xC070] =	vst.add.f32.msk $0xffff, v10  }
0xac: {  	[tilespmem:s16+$0xC200] =	vst.add.f32.msk $0xffff, v11  }
.Ltmp0:
0xad: {  	[tilespmem:s16+$0xC210] =	vst.add.f32.msk $0xffff, v12;
	(pc) =	sbr.rel @p1 .LBB2_4-.Ltmp0, $4  }
0xae: {  	[tilespmem:s16+$0xC220] =	vst.add.f32.msk $0xffff, v13  }
0xaf: {  	[tilespmem:s16+$0xC230] =	vst.add.f32.msk $0xffff, v14  }
0xb0: {  	[tilespmem:s16+$0xC240] =	vst.add.f32.msk $0xffff, v15  }
0xb1: {  	s28 =	sadd.s32 $0x1000, s28;
	[tilespmem:s16+$0xC250] =	vst.add.f32.msk $0xffff, v16  }
0xb2: {  	s9 =	sadd.s32 $0x1, s9  }
0xb3: {  	p1 =	sne.s32 s9, $0x4  }
.Ltmp1:
0xb4: {  	_ = 	snop;
	(pc) =	sbr.rel @p1 .LBB2_3-.Ltmp1, $2  }
0xb5: {  	_ =	sdelay $0x2  }
0xb6: {  	[tilespmem:s16+$0xC260] =	vst.add.f32.msk $0xffff, v2;
	s0 =	sadd.s32 $0x200, s0  }
0xb7: {  	s0 =	sshll.u32 s18, $0xD  }
0xb8: {  	s7 =	rddreg [dreg:$0x3];
	s19 =	sshll.u32 s18, $0x5;
	s29 =	sadd.s32 s8, s0  }
0xb9: {  	s9 =	rddreg [dreg:$0x5];
	s0 =	sadd.s32 s7, s29;
	s7 =	simm.s32 $0xC000  }
0xba: {  	[hbm4b:s0+s25] =	stream.strided.scatter [tilespmem:s7], [sflag:$0xD], $0x2000, s26, s25, $0x38;
	[tilespmem:$0x1C000] =	vst v63  }
0xbb: {  	s0 =	sadd.s32 s19, s9  }
0xbc: {  	s0 =	sshll.u32 s0, $0x8  }
0xbd: {  	s16 =	sadd.s32 $0x1000, s0  }
0xbe: {  	s16 =	sand.u32 $0x1FFFF000, s16  }
0xbf: {  	s9 =	simm.s32 $0x4000;
	s7 =	sadd.s32 s1, s16  }
0xc0: {  	[tilespmem:s9], [sflag:$0x1] =	stream.strided.gather [hbm4b:s7+s25], $0x2000, s26, s25, $0x38;
	[tilespmem:$0x1C000] =	vst v63  }
0xc1: {  	_ =	swait.ge [sflag:s4], $0x2000  }
0xc2: {  	[sflag:s4] =	ssyncset.done $0x0  }
0xc3: {  	s30 =	simm.s32 $0x6;
	[sflag:s4] =	ssyncadd.s32 $0xFFFFE000  }
0xc4: {  	_ =	swait.ge [sflag:s30], $0x2000  }
0xc5: {  	[sflag:s30] =	ssyncset.done $0x0  }
0xc6: {  	s7 =	simm.s32 @!p0 $0x12;
	[sflag:s30] =	ssyncadd.s32 $0xFFFFE000  }
0xc7: {  	_ =	swait.ge @!p0 [sflag:s7], $0x2000  }
0xc8: {  	[sflag:s7] =	ssyncset.done @!p0 $0x0  }
0xc9: {  	[sflag:s7] =	ssyncadd.s32 @!p0 $0xFFFFE000  }
0xca: {  	v2 =	vld.msk [tilespmem:s23+$0x280], $0xf;
	_ =	sdelay $0x4  }
0xcb: {  	v3 =	vshll.u32 v2, $0x4  }
0xcc: {  	v2 =	vand.u32 $0x7, v2;
	v3 =	vand.u32 $0xFFFFFF80, v3  }
0xcd: {  	v2 =	vor.u32 v2, v3  }
0xce: {  	v2 =	vperm.xlane v2, v0;
	_ =	sdelay $0x1  }
0xcf: {  	v2 =	vadd.s32 v1, v2;
	_ =	sdelay $0x3  }
0xd0: {  	s9 =	simm.s32 $0x0  }
0xd1: {  	[tilespmem:s31], [sflag:$0xA] =	stream.indirect_vreg.gather [hbm4b:s3+s9], $0x80, v2, vm0, $0xb8;
	[tilespmem:$0x1C000] =	vst v63  }
0xd2: {  	s31 =	simm.s32 $0x16800  }
0xd3: {  	[tilespmem:s31], [sflag:$0xA] =	stream.indirect_vreg.gather [hbm4b:s10+s9], $0x80, v2, vm0, $0xb8;
	[tilespmem:$0x1C000] =	vst v63  }
0xd4: {  	s30 =	simm.s32 $0x17000  }
0xd5: {  	[tilespmem:s30], [sflag:$0xA] =	stream.indirect_vreg.gather [hbm4b:s12+s9], $0x80, v2, vm0, $0xb8;
	[tilespmem:$0x1C000] =	vst v63  }
0xd6: {  	s28 =	simm.s32 $0x0;
	s31 =	simm.s32 $0x17800  }
0xd7: {  	[tilespmem:s31], [sflag:$0xA] =	stream.indirect_vreg.gather [hbm4b:s13+s9], $0x80, v2, vm0, $0xb8;
	[tilespmem:$0x1C000] =	vst v63  }
.LBB2_7:
0xd8: {  	s30 =	sshra.s32 s9, $0x2  }
0xd9: {  	v2 =	vld [tilespmem:s30+$0x6270]  }
0xda: {  	v3 =	vld [tilespmem:s30+$0x6000]  }
0xdb: {  	v4 =	vld [tilespmem:s30+$0x6010]  }
0xdc: {  	v5 =	vld [tilespmem:s30+$0x6020]  }
0xdd: {  	v6 =	vld [tilespmem:s30+$0x6030]  }
0xde: {  	v7 =	vld [tilespmem:s30+$0x6040]  }
0xdf: {  	v8 =	vld [tilespmem:s30+$0x6050]  }
0xe0: {  	v9 =	vld [tilespmem:s30+$0x6060]  }
0xe1: {  	v10 =	vld [tilespmem:s30+$0x6070]  }
0xe2: {  	v11 =	vld [tilespmem:s30+$0x6200]  }
0xe3: {  	v12 =	vld [tilespmem:s30+$0x6210]  }
0xe4: {  	v13 =	vld [tilespmem:s30+$0x6220]  }
0xe5: {  	v14 =	vld [tilespmem:s30+$0x6230]  }
0xe6: {  	v15 =	vld [tilespmem:s30+$0x6240]  }
0xe7: {  	v16 =	vld [tilespmem:s30+$0x6250]  }
0xe8: {  	[tilespmem:s30+$0xE270] =	vst.add.f32.msk $0xffff, v2  }
0xe9: {  	v2 =	vld [tilespmem:s30+$0x6260]  }
0xea: {  	[tilespmem:s30+$0xE000] =	vst.add.f32.msk $0xffff, v3  }
0xeb: {  	[tilespmem:s30+$0xE010] =	vst.add.f32.msk $0xffff, v4  }
0xec: {  	[tilespmem:s30+$0xE020] =	vst.add.f32.msk $0xffff, v5  }
0xed: {  	[tilespmem:s30+$0xE030] =	vst.add.f32.msk $0xffff, v6  }
0xee: {  	[tilespmem:s30+$0xE040] =	vst.add.f32.msk $0xffff, v7  }
0xef: {  	[tilespmem:s30+$0xE050] =	vst.add.f32.msk $0xffff, v8  }
0xf0: {  	[tilespmem:s30+$0xE060] =	vst.add.f32.msk $0xffff, v9  }
0xf1: {  	[tilespmem:s30+$0xE070] =	vst.add.f32.msk $0xffff, v10  }
0xf2: {  	[tilespmem:s30+$0xE200] =	vst.add.f32.msk $0xffff, v11  }
0xf3: {  	[tilespmem:s30+$0xE210] =	vst.add.f32.msk $0xffff, v12  }
0xf4: {  	[tilespmem:s30+$0xE220] =	vst.add.f32.msk $0xffff, v13  }
0xf5: {  	[tilespmem:s30+$0xE230] =	vst.add.f32.msk $0xffff, v14  }
0xf6: {  	[tilespmem:s30+$0xE240] =	vst.add.f32.msk $0xffff, v15  }
0xf7: {  	s31 =	simm.s32 $0x0;
	s7 =	sadd.s32 $0x1000, s9;
	[tilespmem:s30+$0xE250] =	vst.add.f32.msk $0xffff, v16  }
.LBB2_8:
0xf8: {  	s31 =	sadd.s32 $0x10, s31;
	[tilespmem:s30+$0xE260] =	vst.add.f32.msk $0xffff, v2;
	s30 =	sshra.s32 s7, $0x2  }
0xf9: {  	v2 =	vld [tilespmem:s30+$0x6270];
	p1 =	slt.u32 s31, $0x70  }
0xfa: {  	v3 =	vld [tilespmem:s30+$0x6000]  }
0xfb: {  	v4 =	vld [tilespmem:s30+$0x6010]  }
0xfc: {  	v5 =	vld [tilespmem:s30+$0x6020]  }
0xfd: {  	v6 =	vld [tilespmem:s30+$0x6030]  }
0xfe: {  	[tilespmem:s30+$0xE270] =	vst.add.f32.msk $0xffff, v2  }
0xff: {  	v7 =	vld [tilespmem:s30+$0x6040]  }
0x100: {  	v8 =	vld [tilespmem:s30+$0x6050]  }
0x101: {  	v9 =	vld [tilespmem:s30+$0x6060]  }
0x102: {  	v10 =	vld [tilespmem:s30+$0x6070]  }
0x103: {  	v11 =	vld [tilespmem:s30+$0x6200]  }
0x104: {  	v12 =	vld [tilespmem:s30+$0x6210]  }
0x105: {  	v13 =	vld [tilespmem:s30+$0x6220]  }
0x106: {  	v14 =	vld [tilespmem:s30+$0x6230]  }
0x107: {  	v15 =	vld [tilespmem:s30+$0x6240]  }
0x108: {  	v16 =	vld [tilespmem:s30+$0x6250]  }
0x109: {  	v2 =	vld [tilespmem:s30+$0x6260]  }
0x10a: {  	[tilespmem:s30+$0xE000] =	vst.add.f32.msk $0xffff, v3  }
0x10b: {  	[tilespmem:s30+$0xE010] =	vst.add.f32.msk $0xffff, v4  }
0x10c: {  	[tilespmem:s30+$0xE020] =	vst.add.f32.msk $0xffff, v5  }
0x10d: {  	[tilespmem:s30+$0xE030] =	vst.add.f32.msk $0xffff, v6  }
0x10e: {  	[tilespmem:s30+$0xE040] =	vst.add.f32.msk $0xffff, v7  }
0x10f: {  	[tilespmem:s30+$0xE050] =	vst.add.f32.msk $0xffff, v8  }
0x110: {  	[tilespmem:s30+$0xE060] =	vst.add.f32.msk $0xffff, v9  }
0x111: {  	[tilespmem:s30+$0xE070] =	vst.add.f32.msk $0xffff, v10  }
0x112: {  	[tilespmem:s30+$0xE200] =	vst.add.f32.msk $0xffff, v11  }
.Ltmp2:
0x113: {  	[tilespmem:s30+$0xE210] =	vst.add.f32.msk $0xffff, v12;
	(pc) =	sbr.rel @p1 .LBB2_8-.Ltmp2, $4  }
0x114: {  	[tilespmem:s30+$0xE220] =	vst.add.f32.msk $0xffff, v13  }
0x115: {  	[tilespmem:s30+$0xE230] =	vst.add.f32.msk $0xffff, v14  }
0x116: {  	[tilespmem:s30+$0xE240] =	vst.add.f32.msk $0xffff, v15  }
0x117: {  	s7 =	sadd.s32 $0x1000, s7;
	[tilespmem:s30+$0xE250] =	vst.add.f32.msk $0xffff, v16  }
0x118: {  	s28 =	sadd.s32 $0x1, s28  }
0x119: {  	p1 =	sne.s32 s28, $0x4  }
.Ltmp3:
0x11a: {  	_ = 	snop;
	(pc) =	sbr.rel @p1 .LBB2_7-.Ltmp3, $2  }
0x11b: {  	_ =	sdelay $0x2  }
0x11c: {  	[tilespmem:s30+$0xE260] =	vst.add.f32.msk $0xffff, v2;
	s9 =	sadd.s32 $0x200, s9  }
0x11d: {  	s7 =	sadd.s32 s29, s17;
	s9 =	simm.s32 $0xE000  }
0x11e: {  	[hbm4b:s7+s25] =	stream.strided.scatter [tilespmem:s9], [sflag:$0xE], $0x2000, s26, s25, $0x38;
	[tilespmem:$0x1C000] =	vst v63  }
0x11f: {  	s30 =	sadd.s32 s16, s11;
	s31 =	simm.s32 $0x6000  }
0x120: {  	[tilespmem:s31], [sflag:$0x2] =	stream.strided.gather [hbm4b:s30+s25], $0x2000, s26, s25, $0x38;
	[tilespmem:$0x1C000] =	vst v63  }
0x121: {  	_ =	swait.ge [sflag:s5], $0x2000  }
0x122: {  	[sflag:s5] =	ssyncset.done $0x0  }
0x123: {  	s9 =	simm.s32 $0x7;
	[sflag:s5] =	ssyncadd.s32 $0xFFFFE000  }
0x124: {  	_ =	swait.ge [sflag:s9], $0x2000  }
0x125: {  	[sflag:s9] =	ssyncset.done $0x0  }
0x126: {  	s7 =	simm.s32 @!p0 $0x13;
	[sflag:s9] =	ssyncadd.s32 $0xFFFFE000  }
0x127: {  	_ =	swait.ge @!p0 [sflag:s7], $0x2000  }
0x128: {  	[sflag:s7] =	ssyncset.done @!p0 $0x0  }
0x129: {  	[sflag:s7] =	ssyncadd.s32 @!p0 $0xFFFFE000  }
0x12a: {  	v2 =	vld.msk [tilespmem:s23+$0x300], $0xf;
	_ =	sdelay $0x4  }
0x12b: {  	v3 =	vshll.u32 v2, $0x4  }
0x12c: {  	v2 =	vand.u32 $0x7, v2;
	v3 =	vand.u32 $0xFFFFFF80, v3  }
0x12d: {  	v2 =	vor.u32 v2, v3  }
0x12e: {  	v2 =	vperm.xlane v2, v0;
	_ =	sdelay $0x1  }
0x12f: {  	v2 =	vadd.s32 v1, v2;
	_ =	sdelay $0x3  }
0x130: {  	s16 =	simm.s32 $0x18000;
	s9 =	simm.s32 $0x0  }
0x131: {  	[tilespmem:s16], [sflag:$0xB] =	stream.indirect_vreg.gather [hbm4b:s3+s9], $0x80, v2, vm0, $0xb8;
	[tilespmem:$0x1C000] =	vst v63  }
0x132: {  	s28 =	simm.s32 $0x18800  }
0x133: {  	[tilespmem:s28], [sflag:$0xB] =	stream.indirect_vreg.gather [hbm4b:s10+s9], $0x80, v2, vm0, $0xb8;
	[tilespmem:$0x1C000] =	vst v63  }
0x134: {  	s30 =	simm.s32 $0x19000  }
0x135: {  	[tilespmem:s30], [sflag:$0xB] =	stream.indirect_vreg.gather [hbm4b:s12+s9], $0x80, v2, vm0, $0xb8;
	[tilespmem:$0x1C000] =	vst v63  }
0x136: {  	s31 =	simm.s32 $0x19800;
	s16 =	simm.s32 $0x0  }
0x137: {  	[tilespmem:s31], [sflag:$0xB] =	stream.indirect_vreg.gather [hbm4b:s13+s9], $0x80, v2, vm0, $0xb8;
	[tilespmem:$0x1C000] =	vst v63  }
.LBB2_11:
0x138: {  	s28 =	sshra.s32 s9, $0x2  }
0x139: {  	v2 =	vld [tilespmem:s28+$0x8270]  }
0x13a: {  	v3 =	vld [tilespmem:s28+$0x8000]  }
0x13b: {  	v4 =	vld [tilespmem:s28+$0x8010]  }
0x13c: {  	v5 =	vld [tilespmem:s28+$0x8020]  }
0x13d: {  	v6 =	vld [tilespmem:s28+$0x8030]  }
0x13e: {  	v7 =	vld [tilespmem:s28+$0x8040]  }
0x13f: {  	v8 =	vld [tilespmem:s28+$0x8050]  }
0x140: {  	v9 =	vld [tilespmem:s28+$0x8060]  }
0x141: {  	v10 =	vld [tilespmem:s28+$0x8070]  }
0x142: {  	v11 =	vld [tilespmem:s28+$0x8200]  }
0x143: {  	v12 =	vld [tilespmem:s28+$0x8210]  }
0x144: {  	v13 =	vld [tilespmem:s28+$0x8220]  }
0x145: {  	v14 =	vld [tilespmem:s28+$0x8230]  }
0x146: {  	v15 =	vld [tilespmem:s28+$0x8240]  }
0x147: {  	v16 =	vld [tilespmem:s28+$0x8250]  }
0x148: {  	[tilespmem:s28+$0x10270] =	vst.add.f32.msk $0xffff, v2  }
0x149: {  	v2 =	vld [tilespmem:s28+$0x8260]  }
0x14a: {  	[tilespmem:s28+$0x10000] =	vst.add.f32.msk $0xffff, v3  }
0x14b: {  	[tilespmem:s28+$0x10010] =	vst.add.f32.msk $0xffff, v4  }
0x14c: {  	[tilespmem:s28+$0x10020] =	vst.add.f32.msk $0xffff, v5  }
0x14d: {  	[tilespmem:s28+$0x10030] =	vst.add.f32.msk $0xffff, v6  }
0x14e: {  	[tilespmem:s28+$0x10040] =	vst.add.f32.msk $0xffff, v7  }
0x14f: {  	[tilespmem:s28+$0x10050] =	vst.add.f32.msk $0xffff, v8  }
0x150: {  	[tilespmem:s28+$0x10060] =	vst.add.f32.msk $0xffff, v9  }
0x151: {  	[tilespmem:s28+$0x10070] =	vst.add.f32.msk $0xffff, v10  }
0x152: {  	[tilespmem:s28+$0x10200] =	vst.add.f32.msk $0xffff, v11  }
0x153: {  	[tilespmem:s28+$0x10210] =	vst.add.f32.msk $0xffff, v12  }
0x154: {  	[tilespmem:s28+$0x10220] =	vst.add.f32.msk $0xffff, v13  }
0x155: {  	[tilespmem:s28+$0x10230] =	vst.add.f32.msk $0xffff, v14  }
0x156: {  	[tilespmem:s28+$0x10240] =	vst.add.f32.msk $0xffff, v15  }
0x157: {  	s30 =	simm.s32 $0x0;
	s7 =	sadd.s32 $0x1000, s9;
	[tilespmem:s28+$0x10250] =	vst.add.f32.msk $0xffff, v16  }
.LBB2_12:
0x158: {  	s30 =	sadd.s32 $0x10, s30;
	[tilespmem:s28+$0x10260] =	vst.add.f32.msk $0xffff, v2;
	s28 =	sshra.s32 s7, $0x2  }
0x159: {  	v2 =	vld [tilespmem:s28+$0x8270];
	p1 =	slt.u32 s30, $0x70  }
0x15a: {  	v3 =	vld [tilespmem:s28+$0x8000]  }
0x15b: {  	v4 =	vld [tilespmem:s28+$0x8010]  }
0x15c: {  	v5 =	vld [tilespmem:s28+$0x8020]  }
0x15d: {  	v6 =	vld [tilespmem:s28+$0x8030]  }
0x15e: {  	[tilespmem:s28+$0x10270] =	vst.add.f32.msk $0xffff, v2  }
0x15f: {  	v7 =	vld [tilespmem:s28+$0x8040]  }
0x160: {  	v8 =	vld [tilespmem:s28+$0x8050]  }
0x161: {  	v9 =	vld [tilespmem:s28+$0x8060]  }
0x162: {  	v10 =	vld [tilespmem:s28+$0x8070]  }
0x163: {  	v11 =	vld [tilespmem:s28+$0x8200]  }
0x164: {  	v12 =	vld [tilespmem:s28+$0x8210]  }
0x165: {  	v13 =	vld [tilespmem:s28+$0x8220]  }
0x166: {  	v14 =	vld [tilespmem:s28+$0x8230]  }
0x167: {  	v15 =	vld [tilespmem:s28+$0x8240]  }
0x168: {  	v16 =	vld [tilespmem:s28+$0x8250]  }
0x169: {  	v2 =	vld [tilespmem:s28+$0x8260]  }
0x16a: {  	[tilespmem:s28+$0x10000] =	vst.add.f32.msk $0xffff, v3  }
0x16b: {  	[tilespmem:s28+$0x10010] =	vst.add.f32.msk $0xffff, v4  }
0x16c: {  	[tilespmem:s28+$0x10020] =	vst.add.f32.msk $0xffff, v5  }
0x16d: {  	[tilespmem:s28+$0x10030] =	vst.add.f32.msk $0xffff, v6  }
0x16e: {  	[tilespmem:s28+$0x10040] =	vst.add.f32.msk $0xffff, v7  }
0x16f: {  	[tilespmem:s28+$0x10050] =	vst.add.f32.msk $0xffff, v8  }
0x170: {  	[tilespmem:s28+$0x10060] =	vst.add.f32.msk $0xffff, v9  }
0x171: {  	[tilespmem:s28+$0x10070] =	vst.add.f32.msk $0xffff, v10  }
0x172: {  	[tilespmem:s28+$0x10200] =	vst.add.f32.msk $0xffff, v11  }
.Ltmp4:
0x173: {  	[tilespmem:s28+$0x10210] =	vst.add.f32.msk $0xffff, v12;
	(pc) =	sbr.rel @p1 .LBB2_12-.Ltmp4, $4  }
0x174: {  	[tilespmem:s28+$0x10220] =	vst.add.f32.msk $0xffff, v13  }
0x175: {  	[tilespmem:s28+$0x10230] =	vst.add.f32.msk $0xffff, v14  }
0x176: {  	[tilespmem:s28+$0x10240] =	vst.add.f32.msk $0xffff, v15  }
0x177: {  	s7 =	sadd.s32 $0x1000, s7;
	[tilespmem:s28+$0x10250] =	vst.add.f32.msk $0xffff, v16  }
0x178: {  	s16 =	sadd.s32 $0x1, s16  }
0x179: {  	p1 =	sne.s32 s16, $0x4  }
.Ltmp5:
0x17a: {  	_ = 	snop;
	(pc) =	sbr.rel @p1 .LBB2_11-.Ltmp5, $2  }
0x17b: {  	_ =	sdelay $0x2  }
0x17c: {  	[tilespmem:s28+$0x10260] =	vst.add.f32.msk $0xffff, v2;
	s9 =	sadd.s32 $0x200, s9  }
0x17d: {  	s7 =	rddreg [dreg:$0xb];
	s0 =	sadd.s32 $0x1800, s0  }
0x17e: {  	s9 =	simm.s32 $0x10000;
	s7 =	sadd.s32 s29, s7;
	s0 =	sand.u32 $0x1FFFF800, s0  }
0x17f: {  	[hbm4b:s7+s25] =	stream.strided.scatter [tilespmem:s9], [sflag:$0xF], $0x2000, s26, s25, $0x38;
	[tilespmem:$0x1C000] =	vst v63  }
0x180: {  	s31 =	simm.s32 $0x8000;
	s30 =	sadd.s32 s1, s0  }
0x181: {  	[tilespmem:s31], [sflag:$0x3] =	stream.strided.gather [hbm4b:s30+s25], $0x2000, s26, s25, $0x38;
	[tilespmem:$0x1C000] =	vst v63  }
0x182: {  	_ =	swait.ge [sflag:s2], $0x2000  }
0x183: {  	[sflag:s2] =	ssyncset.done $0x0  }
0x184: {  	s9 =	simm.s32 $0x8;
	[sflag:s2] =	ssyncadd.s32 $0xFFFFE000  }
0x185: {  	_ =	swait.ge [sflag:s9], $0x2000  }
0x186: {  	[sflag:s9] =	ssyncset.done $0x0  }
0x187: {  	s7 =	simm.s32 @!p0 $0x14;
	[sflag:s9] =	ssyncadd.s32 $0xFFFFE000  }
0x188: {  	_ =	swait.ge @!p0 [sflag:s7], $0x2000  }
0x189: {  	[sflag:s7] =	ssyncset.done @!p0 $0x0  }
0x18a: {  	[sflag:s7] =	ssyncadd.s32 @!p0 $0xFFFFE000  }
0x18b: {  	v2 =	vld.msk [tilespmem:s23+$0x380], $0xf;
	_ =	sdelay $0x4  }
0x18c: {  	v3 =	vshll.u32 v2, $0x4  }
0x18d: {  	v2 =	vand.u32 $0x7, v2;
	v3 =	vand.u32 $0xFFFFFF80, v3  }
0x18e: {  	v2 =	vor.u32 v2, v3  }
0x18f: {  	v2 =	vperm.xlane v2, v0;
	_ =	sdelay $0x1  }
0x190: {  	v2 =	vadd.s32 v1, v2;
	_ =	sdelay $0x3  }
0x191: {  	s16 =	simm.s32 $0x1A000;
	s9 =	simm.s32 $0x0  }
0x192: {  	[tilespmem:s16], [sflag:$0xC] =	stream.indirect_vreg.gather [hbm4b:s3+s9], $0x80, v2, vm0, $0xb8;
	[tilespmem:$0x1C000] =	vst v63  }
0x193: {  	s28 =	simm.s32 $0x1A800  }
0x194: {  	[tilespmem:s28], [sflag:$0xC] =	stream.indirect_vreg.gather [hbm4b:s10+s9], $0x80, v2, vm0, $0xb8;
	[tilespmem:$0x1C000] =	vst v63  }
0x195: {  	s30 =	simm.s32 $0x1B000  }
0x196: {  	[tilespmem:s30], [sflag:$0xC] =	stream.indirect_vreg.gather [hbm4b:s12+s9], $0x80, v2, vm0, $0xb8;
	[tilespmem:$0x1C000] =	vst v63  }
0x197: {  	s31 =	simm.s32 $0x1B800;
	s16 =	simm.s32 $0x0  }
0x198: {  	[tilespmem:s31], [sflag:$0xC] =	stream.indirect_vreg.gather [hbm4b:s13+s9], $0x80, v2, vm0, $0xb8;
	[tilespmem:$0x1C000] =	vst v63  }
.LBB2_15:
0x199: {  	s28 =	sshra.s32 s9, $0x2  }
0x19a: {  	v2 =	vld [tilespmem:s28+$0xA270]  }
0x19b: {  	v3 =	vld [tilespmem:s28+$0xA000]  }
0x19c: {  	v4 =	vld [tilespmem:s28+$0xA010]  }
0x19d: {  	v5 =	vld [tilespmem:s28+$0xA020]  }
0x19e: {  	v6 =	vld [tilespmem:s28+$0xA030]  }
0x19f: {  	v7 =	vld [tilespmem:s28+$0xA040]  }
0x1a0: {  	v8 =	vld [tilespmem:s28+$0xA050]  }
0x1a1: {  	v9 =	vld [tilespmem:s28+$0xA060]  }
0x1a2: {  	v10 =	vld [tilespmem:s28+$0xA070]  }
0x1a3: {  	v11 =	vld [tilespmem:s28+$0xA200]  }
0x1a4: {  	v12 =	vld [tilespmem:s28+$0xA210]  }
0x1a5: {  	v13 =	vld [tilespmem:s28+$0xA220]  }
0x1a6: {  	v14 =	vld [tilespmem:s28+$0xA230]  }
0x1a7: {  	v15 =	vld [tilespmem:s28+$0xA240]  }
0x1a8: {  	v16 =	vld [tilespmem:s28+$0xA250]  }
0x1a9: {  	[tilespmem:s28+$0x12270] =	vst.add.f32.msk $0xffff, v2  }
0x1aa: {  	v2 =	vld [tilespmem:s28+$0xA260]  }
0x1ab: {  	[tilespmem:s28+$0x12000] =	vst.add.f32.msk $0xffff, v3  }
0x1ac: {  	[tilespmem:s28+$0x12010] =	vst.add.f32.msk $0xffff, v4  }
0x1ad: {  	[tilespmem:s28+$0x12020] =	vst.add.f32.msk $0xffff, v5  }
0x1ae: {  	[tilespmem:s28+$0x12030] =	vst.add.f32.msk $0xffff, v6  }
0x1af: {  	[tilespmem:s28+$0x12040] =	vst.add.f32.msk $0xffff, v7  }
0x1b0: {  	[tilespmem:s28+$0x12050] =	vst.add.f32.msk $0xffff, v8  }
0x1b1: {  	[tilespmem:s28+$0x12060] =	vst.add.f32.msk $0xffff, v9  }
0x1b2: {  	[tilespmem:s28+$0x12070] =	vst.add.f32.msk $0xffff, v10  }
0x1b3: {  	[tilespmem:s28+$0x12200] =	vst.add.f32.msk $0xffff, v11  }
0x1b4: {  	[tilespmem:s28+$0x12210] =	vst.add.f32.msk $0xffff, v12  }
0x1b5: {  	[tilespmem:s28+$0x12220] =	vst.add.f32.msk $0xffff, v13  }
0x1b6: {  	[tilespmem:s28+$0x12230] =	vst.add.f32.msk $0xffff, v14  }
0x1b7: {  	[tilespmem:s28+$0x12240] =	vst.add.f32.msk $0xffff, v15  }
0x1b8: {  	s30 =	simm.s32 $0x0;
	s7 =	sadd.s32 $0x1000, s9;
	[tilespmem:s28+$0x12250] =	vst.add.f32.msk $0xffff, v16  }
.LBB2_16:
0x1b9: {  	s30 =	sadd.s32 $0x10, s30;
	[tilespmem:s28+$0x12260] =	vst.add.f32.msk $0xffff, v2;
	s28 =	sshra.s32 s7, $0x2  }
0x1ba: {  	v2 =	vld [tilespmem:s28+$0xA270];
	p0 =	slt.u32 s30, $0x70  }
0x1bb: {  	v3 =	vld [tilespmem:s28+$0xA000]  }
0x1bc: {  	v4 =	vld [tilespmem:s28+$0xA010]  }
0x1bd: {  	v5 =	vld [tilespmem:s28+$0xA020]  }
0x1be: {  	v6 =	vld [tilespmem:s28+$0xA030]  }
0x1bf: {  	[tilespmem:s28+$0x12270] =	vst.add.f32.msk $0xffff, v2  }
0x1c0: {  	v7 =	vld [tilespmem:s28+$0xA040]  }
0x1c1: {  	v8 =	vld [tilespmem:s28+$0xA050]  }
0x1c2: {  	v9 =	vld [tilespmem:s28+$0xA060]  }
0x1c3: {  	v10 =	vld [tilespmem:s28+$0xA070]  }
0x1c4: {  	v11 =	vld [tilespmem:s28+$0xA200]  }
0x1c5: {  	v12 =	vld [tilespmem:s28+$0xA210]  }
0x1c6: {  	v13 =	vld [tilespmem:s28+$0xA220]  }
0x1c7: {  	v14 =	vld [tilespmem:s28+$0xA230]  }
0x1c8: {  	v15 =	vld [tilespmem:s28+$0xA240]  }
0x1c9: {  	v16 =	vld [tilespmem:s28+$0xA250]  }
0x1ca: {  	v2 =	vld [tilespmem:s28+$0xA260]  }
0x1cb: {  	[tilespmem:s28+$0x12000] =	vst.add.f32.msk $0xffff, v3  }
0x1cc: {  	[tilespmem:s28+$0x12010] =	vst.add.f32.msk $0xffff, v4  }
0x1cd: {  	[tilespmem:s28+$0x12020] =	vst.add.f32.msk $0xffff, v5  }
0x1ce: {  	[tilespmem:s28+$0x12030] =	vst.add.f32.msk $0xffff, v6  }
0x1cf: {  	[tilespmem:s28+$0x12040] =	vst.add.f32.msk $0xffff, v7  }
0x1d0: {  	[tilespmem:s28+$0x12050] =	vst.add.f32.msk $0xffff, v8  }
0x1d1: {  	[tilespmem:s28+$0x12060] =	vst.add.f32.msk $0xffff, v9  }
0x1d2: {  	[tilespmem:s28+$0x12070] =	vst.add.f32.msk $0xffff, v10  }
0x1d3: {  	[tilespmem:s28+$0x12200] =	vst.add.f32.msk $0xffff, v11  }
.Ltmp6:
0x1d4: {  	[tilespmem:s28+$0x12210] =	vst.add.f32.msk $0xffff, v12;
	(pc) =	sbr.rel @p0 .LBB2_16-.Ltmp6, $4  }
0x1d5: {  	[tilespmem:s28+$0x12220] =	vst.add.f32.msk $0xffff, v13  }
0x1d6: {  	[tilespmem:s28+$0x12230] =	vst.add.f32.msk $0xffff, v14  }
0x1d7: {  	[tilespmem:s28+$0x12240] =	vst.add.f32.msk $0xffff, v15  }
0x1d8: {  	s7 =	sadd.s32 $0x1000, s7;
	[tilespmem:s28+$0x12250] =	vst.add.f32.msk $0xffff, v16  }
0x1d9: {  	s16 =	sadd.s32 $0x1, s16  }
0x1da: {  	p0 =	sne.s32 s16, $0x4  }
.Ltmp7:
0x1db: {  	_ = 	snop;
	(pc) =	sbr.rel @p0 .LBB2_15-.Ltmp7, $2  }
0x1dc: {  	_ =	sdelay $0x2  }
0x1dd: {  	[tilespmem:s28+$0x12260] =	vst.add.f32.msk $0xffff, v2;
	s9 =	sadd.s32 $0x200, s9  }
0x1de: {  	s7 =	rddreg [dreg:$0xc]  }
0x1df: {  	s9 =	simm.s32 $0x12000;
	s7 =	sadd.s32 s29, s7  }
0x1e0: {  	[hbm4b:s7+s25] =	stream.strided.scatter [tilespmem:s9], [sflag:$0x10], $0x2000, s26, s25, $0x38;
	[tilespmem:$0x1C000] =	vst v63  }
0x1e1: {  	s0 =	sadd.s32 s0, s11;
	s28 =	simm.s32 $0xA000  }
0x1e2: {  	[tilespmem:s28], [sflag:$0x4] =	stream.strided.gather [hbm4b:s0+s25], $0x2000, s26, s25, $0x38;
	[tilespmem:$0x1C000] =	vst v63  }
0x1e3: {  	_ =	swait.ge [sflag:s15], $0x2000  }
0x1e4: {  	[sflag:s15] =	ssyncset.done $0x0  }
0x1e5: {  	s29 =	simm.s32 $0x9;
	[sflag:s15] =	ssyncadd.s32 $0xFFFFE000  }
0x1e6: {  	s0 =	sor.u32 $0x4, s24;
	_ =	swait.ge [sflag:s29], $0x2000  }
0x1e7: {  	p0 =	sgt.u32 s0, $0x7B;
	[sflag:s29] =	ssyncset.done $0x0  }
0x1e8: {  	s7 =	simm.s32 @!p0 $0xD;
	[sflag:s29] =	ssyncadd.s32 $0xFFFFE000  }
0x1e9: {  	_ =	swait.ge @!p0 [sflag:s7], $0x2000  }
0x1ea: {  	[sflag:s7] =	ssyncset.done @!p0 $0x0  }
0x1eb: {  	[sflag:s7] =	ssyncadd.s32 @!p0 $0xFFFFE000  }
0x1ec: {  	v2 =	vld.msk @!p0 [tilespmem:s23+$0x400], $0xf;
	_ =	sdelay $0x4  }
0x1ed: {  	v3 =	vshll.u32 @!p0 v2, $0x4  }
0x1ee: {  	v4 =	vlaneseq.u32 @!p0;
	v2 =	vand.u32 @!p0 $0x7, v2;
	v3 =	vand.u32 @!p0 $0xFFFFFF80, v3  }
0x1ef: {  	v2 =	vor.u32 @!p0 v2, v3;
	v3 =	vand.u32 @!p0 $0x3, v4;
	v4 =	vshrl.u32 @!p0 v4, $0x2  }
0x1f0: {  	v2 =	vperm.xlane @!p0 v2, v3;
	v3 =	vmul.u32 @!p0 $0x8, v4;
	_ =	sdelay $0x1  }
0x1f1: {  	v2 =	vadd.s32 @!p0 v3, v2;
	_ =	sdelay $0x3  }
0x1f2: {  	vm1 =	vmmov @!p0 $0xffff;
	s9 =	simm.s32 @!p0 $0xC000;
	s7 =	simm.s32 @!p0 $0x0  }
0x1f3: {  	[tilespmem:s9], [sflag:$0x5] =	stream.indirect_vreg.gather @!p0 [hbm4b:s3+s7], $0x80, v2, vm1, $0xb8;
	[tilespmem:$0x1C000] =	vst v63  }
0x1f4: {  	s9 =	simm.s32 @!p0 $0xC800  }
0x1f5: {  	[tilespmem:s9], [sflag:$0x5] =	stream.indirect_vreg.gather @!p0 [hbm4b:s10+s7], $0x80, v2, vm1, $0xb8;
	[tilespmem:$0x1C000] =	vst v63  }
0x1f6: {  	s9 =	simm.s32 @!p0 $0xD000  }
0x1f7: {  	[tilespmem:s9], [sflag:$0x5] =	stream.indirect_vreg.gather @!p0 [hbm4b:s12+s7], $0x80, v2, vm1, $0xb8;
	[tilespmem:$0x1C000] =	vst v63  }
0x1f8: {  	s16 =	simm.s32 $0x0;
	s9 =	simm.s32 @!p0 $0xD800  }
0x1f9: {  	[tilespmem:s9], [sflag:$0x5] =	stream.indirect_vreg.gather @!p0 [hbm4b:s13+s7], $0x80, v2, vm1, $0xb8;
	[tilespmem:$0x1C000] =	vst v63  }
0x1fa: {  	s30 =	simm.s32 $0x14000;
	s31 =	simm.s32 $0x16000;
	s9 =	simm.s32 $0x0  }
.LBB2_19:
0x1fb: {  	s28 =	sshra.s32 s9, $0x2  }
0x1fc: {  	v2 =	vld [tilespmem:s28+$0x4270]  }
0x1fd: {  	v3 =	vld [tilespmem:s28+$0x4000]  }
0x1fe: {  	v4 =	vld [tilespmem:s28+$0x4010]  }
0x1ff: {  	v5 =	vld [tilespmem:s28+$0x4020]  }
0x200: {  	v6 =	vld [tilespmem:s28+$0x4030]  }
0x201: {  	v7 =	vld [tilespmem:s28+$0x4040]  }
0x202: {  	v8 =	vld [tilespmem:s28+$0x4050]  }
0x203: {  	v9 =	vld [tilespmem:s28+$0x4060]  }
0x204: {  	v10 =	vld [tilespmem:s28+$0x4070]  }
0x205: {  	v11 =	vld [tilespmem:s28+$0x4200]  }
0x206: {  	v12 =	vld [tilespmem:s28+$0x4210]  }
0x207: {  	v13 =	vld [tilespmem:s28+$0x4220]  }
0x208: {  	v14 =	vld [tilespmem:s28+$0x4230]  }
0x209: {  	v15 =	vld [tilespmem:s28+$0x4240]  }
0x20a: {  	v16 =	vld [tilespmem:s28+$0x4250]  }
0x20b: {  	[tilespmem:s28+$0x14270] =	vst.add.f32.msk $0xffff, v2  }
0x20c: {  	v2 =	vld [tilespmem:s28+$0x4260]  }
0x20d: {  	[tilespmem:s28+$0x14000] =	vst.add.f32.msk $0xffff, v3  }
0x20e: {  	[tilespmem:s28+$0x14010] =	vst.add.f32.msk $0xffff, v4  }
0x20f: {  	[tilespmem:s28+$0x14020] =	vst.add.f32.msk $0xffff, v5  }
0x210: {  	[tilespmem:s28+$0x14030] =	vst.add.f32.msk $0xffff, v6  }
0x211: {  	[tilespmem:s28+$0x14040] =	vst.add.f32.msk $0xffff, v7  }
0x212: {  	[tilespmem:s28+$0x14050] =	vst.add.f32.msk $0xffff, v8  }
0x213: {  	[tilespmem:s28+$0x14060] =	vst.add.f32.msk $0xffff, v9  }
0x214: {  	[tilespmem:s28+$0x14070] =	vst.add.f32.msk $0xffff, v10  }
0x215: {  	[tilespmem:s28+$0x14200] =	vst.add.f32.msk $0xffff, v11  }
0x216: {  	[tilespmem:s28+$0x14210] =	vst.add.f32.msk $0xffff, v12  }
0x217: {  	[tilespmem:s28+$0x14220] =	vst.add.f32.msk $0xffff, v13  }
0x218: {  	[tilespmem:s28+$0x14230] =	vst.add.f32.msk $0xffff, v14  }
0x219: {  	[tilespmem:s28+$0x14240] =	vst.add.f32.msk $0xffff, v15  }
0x21a: {  	s29 =	simm.s32 $0x0;
	s7 =	sadd.s32 $0x1000, s9;
	[tilespmem:s28+$0x14250] =	vst.add.f32.msk $0xffff, v16  }
.LBB2_20:
0x21b: {  	s29 =	sadd.s32 $0x10, s29;
	[tilespmem:s28+$0x14260] =	vst.add.f32.msk $0xffff, v2;
	s28 =	sshra.s32 s7, $0x2  }
0x21c: {  	v2 =	vld [tilespmem:s28+$0x4270];
	p1 =	slt.u32 s29, $0x70  }
0x21d: {  	v3 =	vld [tilespmem:s28+$0x4000]  }
0x21e: {  	v4 =	vld [tilespmem:s28+$0x4010]  }
0x21f: {  	v5 =	vld [tilespmem:s28+$0x4020]  }
0x220: {  	v6 =	vld [tilespmem:s28+$0x4030]  }
0x221: {  	[tilespmem:s28+$0x14270] =	vst.add.f32.msk $0xffff, v2  }
0x222: {  	v7 =	vld [tilespmem:s28+$0x4040]  }
0x223: {  	v8 =	vld [tilespmem:s28+$0x4050]  }
0x224: {  	v9 =	vld [tilespmem:s28+$0x4060]  }
0x225: {  	v10 =	vld [tilespmem:s28+$0x4070]  }
0x226: {  	v11 =	vld [tilespmem:s28+$0x4200]  }
0x227: {  	v12 =	vld [tilespmem:s28+$0x4210]  }
0x228: {  	v13 =	vld [tilespmem:s28+$0x4220]  }
0x229: {  	v14 =	vld [tilespmem:s28+$0x4230]  }
0x22a: {  	v15 =	vld [tilespmem:s28+$0x4240]  }
0x22b: {  	v16 =	vld [tilespmem:s28+$0x4250]  }
0x22c: {  	v2 =	vld [tilespmem:s28+$0x4260]  }
0x22d: {  	[tilespmem:s28+$0x14000] =	vst.add.f32.msk $0xffff, v3  }
0x22e: {  	[tilespmem:s28+$0x14010] =	vst.add.f32.msk $0xffff, v4  }
0x22f: {  	[tilespmem:s28+$0x14020] =	vst.add.f32.msk $0xffff, v5  }
0x230: {  	[tilespmem:s28+$0x14030] =	vst.add.f32.msk $0xffff, v6  }
0x231: {  	[tilespmem:s28+$0x14040] =	vst.add.f32.msk $0xffff, v7  }
0x232: {  	[tilespmem:s28+$0x14050] =	vst.add.f32.msk $0xffff, v8  }
0x233: {  	[tilespmem:s28+$0x14060] =	vst.add.f32.msk $0xffff, v9  }
0x234: {  	[tilespmem:s28+$0x14070] =	vst.add.f32.msk $0xffff, v10  }
0x235: {  	[tilespmem:s28+$0x14200] =	vst.add.f32.msk $0xffff, v11  }
.Ltmp8:
0x236: {  	[tilespmem:s28+$0x14210] =	vst.add.f32.msk $0xffff, v12;
	(pc) =	sbr.rel @p1 .LBB2_20-.Ltmp8, $4  }
0x237: {  	[tilespmem:s28+$0x14220] =	vst.add.f32.msk $0xffff, v13  }
0x238: {  	[tilespmem:s28+$0x14230] =	vst.add.f32.msk $0xffff, v14  }
0x239: {  	[tilespmem:s28+$0x14240] =	vst.add.f32.msk $0xffff, v15  }
0x23a: {  	s7 =	sadd.s32 $0x1000, s7;
	[tilespmem:s28+$0x14250] =	vst.add.f32.msk $0xffff, v16  }
0x23b: {  	s16 =	sadd.s32 $0x1, s16  }
0x23c: {  	p1 =	sne.s32 s16, $0x4  }
.Ltmp9:
0x23d: {  	_ = 	snop;
	(pc) =	sbr.rel @p1 .LBB2_19-.Ltmp9, $2  }
0x23e: {  	_ =	sdelay $0x2  }
0x23f: {  	[tilespmem:s28+$0x14260] =	vst.add.f32.msk $0xffff, v2;
	s9 =	sadd.s32 $0x200, s9  }
0x240: {  	s0 =	sshll.u32 s0, $0xA  }
0x241: {  	s0 =	sadd.s32 s0, s20  }
0x242: {  	[hbm4b:s0+s25] =	stream.strided.scatter [tilespmem:s30], [sflag:$0x11], $0x2000, s26, s25, $0x38;
	[tilespmem:$0x1C000] =	vst v63  }
0x243: {  	s0 =	sadd.s32 @!p0 s19, s21  }
0x244: {  	s0 =	sshll.u32 @!p0 s0, $0x8  }
0x245: {  	s7 =	simm.s32 @!p0 $0x200;
	s0 =	sand.u32 @!p0 $0x1FFFE000, s0  }
0x246: {  	s9 =	simm.s32 @!p0 $0x400;
	s16 =	simm.s32 @!p0 $0x4000;
	s0 =	sadd.s32 @!p0 s1, s0  }
0x247: {  	[tilespmem:s16], [sflag:$0x1] =	stream.strided.gather @!p0 [hbm4b:s0+s7], $0x2000, s9, s7, $0x38;
	[tilespmem:$0x1C000] =	vst v63  }
0x248: {  	_ =	swait.ge [sflag:s4], $0x2000  }
0x249: {  	[sflag:s4] =	ssyncset.done $0x0  }
0x24a: {  	s29 =	simm.s32 $0xA;
	[sflag:s4] =	ssyncadd.s32 $0xFFFFE000  }
0x24b: {  	s0 =	sor.u32 $0x5, s24;
	_ =	swait.ge [sflag:s29], $0x2000  }
0x24c: {  	p0 =	sgt.u32 s0, $0x7B;
	[sflag:s29] =	ssyncset.done $0x0  }
0x24d: {  	s7 =	simm.s32 @!p0 $0xE;
	[sflag:s29] =	ssyncadd.s32 $0xFFFFE000  }
0x24e: {  	_ =	swait.ge @!p0 [sflag:s7], $0x2000  }
0x24f: {  	[sflag:s7] =	ssyncset.done @!p0 $0x0  }
0x250: {  	[sflag:s7] =	ssyncadd.s32 @!p0 $0xFFFFE000  }
0x251: {  	v2 =	vld.msk @!p0 [tilespmem:s23+$0x480], $0xf;
	_ =	sdelay $0x4  }
0x252: {  	v3 =	vshll.u32 @!p0 v2, $0x4  }
0x253: {  	v4 =	vlaneseq.u32 @!p0;
	v2 =	vand.u32 @!p0 $0x7, v2;
	v3 =	vand.u32 @!p0 $0xFFFFFF80, v3  }
0x254: {  	v2 =	vor.u32 @!p0 v2, v3;
	v3 =	vand.u32 @!p0 $0x3, v4;
	v4 =	vshrl.u32 @!p0 v4, $0x2  }
0x255: {  	v2 =	vperm.xlane @!p0 v2, v3;
	v3 =	vmul.u32 @!p0 $0x8, v4;
	_ =	sdelay $0x1  }
0x256: {  	v2 =	vadd.s32 @!p0 v3, v2;
	_ =	sdelay $0x3  }
0x257: {  	vm1 =	vmmov @!p0 $0xffff;
	s9 =	simm.s32 @!p0 $0xE000;
	s7 =	simm.s32 @!p0 $0x0  }
0x258: {  	[tilespmem:s9], [sflag:$0x6] =	stream.indirect_vreg.gather @!p0 [hbm4b:s3+s7], $0x80, v2, vm1, $0xb8;
	[tilespmem:$0x1C000] =	vst v63  }
0x259: {  	s9 =	simm.s32 @!p0 $0xE800  }
0x25a: {  	[tilespmem:s9], [sflag:$0x6] =	stream.indirect_vreg.gather @!p0 [hbm4b:s10+s7], $0x80, v2, vm1, $0xb8;
	[tilespmem:$0x1C000] =	vst v63  }
0x25b: {  	s9 =	simm.s32 @!p0 $0xF000  }
0x25c: {  	[tilespmem:s9], [sflag:$0x6] =	stream.indirect_vreg.gather @!p0 [hbm4b:s12+s7], $0x80, v2, vm1, $0xb8;
	[tilespmem:$0x1C000] =	vst v63  }
0x25d: {  	s9 =	simm.s32 @!p0 $0xF800  }
0x25e: {  	[tilespmem:s9], [sflag:$0x6] =	stream.indirect_vreg.gather @!p0 [hbm4b:s13+s7], $0x80, v2, vm1, $0xb8;
	[tilespmem:$0x1C000] =	vst v63  }
0x25f: {  	s16 =	simm.s32 $0x0;
	s9 =	simm.s32 $0x0  }
.LBB2_23:
0x260: {  	s28 =	sshra.s32 s9, $0x2  }
0x261: {  	v2 =	vld [tilespmem:s28+$0x6270]  }
0x262: {  	v3 =	vld [tilespmem:s28+$0x6000]  }
0x263: {  	v4 =	vld [tilespmem:s28+$0x6010]  }
0x264: {  	v5 =	vld [tilespmem:s28+$0x6020]  }
0x265: {  	v6 =	vld [tilespmem:s28+$0x6030]  }
0x266: {  	v7 =	vld [tilespmem:s28+$0x6040]  }
0x267: {  	v8 =	vld [tilespmem:s28+$0x6050]  }
0x268: {  	v9 =	vld [tilespmem:s28+$0x6060]  }
0x269: {  	v10 =	vld [tilespmem:s28+$0x6070]  }
0x26a: {  	v11 =	vld [tilespmem:s28+$0x6200]  }
0x26b: {  	v12 =	vld [tilespmem:s28+$0x6210]  }
0x26c: {  	v13 =	vld [tilespmem:s28+$0x6220]  }
0x26d: {  	v14 =	vld [tilespmem:s28+$0x6230]  }
0x26e: {  	v15 =	vld [tilespmem:s28+$0x6240]  }
0x26f: {  	v16 =	vld [tilespmem:s28+$0x6250]  }
0x270: {  	[tilespmem:s28+$0x16270] =	vst.add.f32.msk $0xffff, v2  }
0x271: {  	v2 =	vld [tilespmem:s28+$0x6260]  }
0x272: {  	[tilespmem:s28+$0x16000] =	vst.add.f32.msk $0xffff, v3  }
0x273: {  	[tilespmem:s28+$0x16010] =	vst.add.f32.msk $0xffff, v4  }
0x274: {  	[tilespmem:s28+$0x16020] =	vst.add.f32.msk $0xffff, v5  }
0x275: {  	[tilespmem:s28+$0x16030] =	vst.add.f32.msk $0xffff, v6  }
0x276: {  	[tilespmem:s28+$0x16040] =	vst.add.f32.msk $0xffff, v7  }
0x277: {  	[tilespmem:s28+$0x16050] =	vst.add.f32.msk $0xffff, v8  }
0x278: {  	[tilespmem:s28+$0x16060] =	vst.add.f32.msk $0xffff, v9  }
0x279: {  	[tilespmem:s28+$0x16070] =	vst.add.f32.msk $0xffff, v10  }
0x27a: {  	[tilespmem:s28+$0x16200] =	vst.add.f32.msk $0xffff, v11  }
0x27b: {  	[tilespmem:s28+$0x16210] =	vst.add.f32.msk $0xffff, v12  }
0x27c: {  	[tilespmem:s28+$0x16220] =	vst.add.f32.msk $0xffff, v13  }
0x27d: {  	[tilespmem:s28+$0x16230] =	vst.add.f32.msk $0xffff, v14  }
0x27e: {  	[tilespmem:s28+$0x16240] =	vst.add.f32.msk $0xffff, v15  }
0x27f: {  	s29 =	simm.s32 $0x0;
	s7 =	sadd.s32 $0x1000, s9;
	[tilespmem:s28+$0x16250] =	vst.add.f32.msk $0xffff, v16  }
.LBB2_24:
0x280: {  	s29 =	sadd.s32 $0x10, s29;
	[tilespmem:s28+$0x16260] =	vst.add.f32.msk $0xffff, v2;
	s28 =	sshra.s32 s7, $0x2  }
0x281: {  	v2 =	vld [tilespmem:s28+$0x6270];
	p1 =	slt.u32 s29, $0x70  }
0x282: {  	v3 =	vld [tilespmem:s28+$0x6000]  }
0x283: {  	v4 =	vld [tilespmem:s28+$0x6010]  }
0x284: {  	v5 =	vld [tilespmem:s28+$0x6020]  }
0x285: {  	v6 =	vld [tilespmem:s28+$0x6030]  }
0x286: {  	[tilespmem:s28+$0x16270] =	vst.add.f32.msk $0xffff, v2  }
0x287: {  	v7 =	vld [tilespmem:s28+$0x6040]  }
0x288: {  	v8 =	vld [tilespmem:s28+$0x6050]  }
0x289: {  	v9 =	vld [tilespmem:s28+$0x6060]  }
0x28a: {  	v10 =	vld [tilespmem:s28+$0x6070]  }
0x28b: {  	v11 =	vld [tilespmem:s28+$0x6200]  }
0x28c: {  	v12 =	vld [tilespmem:s28+$0x6210]  }
0x28d: {  	v13 =	vld [tilespmem:s28+$0x6220]  }
0x28e: {  	v14 =	vld [tilespmem:s28+$0x6230]  }
0x28f: {  	v15 =	vld [tilespmem:s28+$0x6240]  }
0x290: {  	v16 =	vld [tilespmem:s28+$0x6250]  }
0x291: {  	v2 =	vld [tilespmem:s28+$0x6260]  }
0x292: {  	[tilespmem:s28+$0x16000] =	vst.add.f32.msk $0xffff, v3  }
0x293: {  	[tilespmem:s28+$0x16010] =	vst.add.f32.msk $0xffff, v4  }
0x294: {  	[tilespmem:s28+$0x16020] =	vst.add.f32.msk $0xffff, v5  }
0x295: {  	[tilespmem:s28+$0x16030] =	vst.add.f32.msk $0xffff, v6  }
0x296: {  	[tilespmem:s28+$0x16040] =	vst.add.f32.msk $0xffff, v7  }
0x297: {  	[tilespmem:s28+$0x16050] =	vst.add.f32.msk $0xffff, v8  }
0x298: {  	[tilespmem:s28+$0x16060] =	vst.add.f32.msk $0xffff, v9  }
0x299: {  	[tilespmem:s28+$0x16070] =	vst.add.f32.msk $0xffff, v10  }
0x29a: {  	[tilespmem:s28+$0x16200] =	vst.add.f32.msk $0xffff, v11  }
.Ltmp10:
0x29b: {  	[tilespmem:s28+$0x16210] =	vst.add.f32.msk $0xffff, v12;
	(pc) =	sbr.rel @p1 .LBB2_24-.Ltmp10, $4  }
0x29c: {  	[tilespmem:s28+$0x16220] =	vst.add.f32.msk $0xffff, v13  }
0x29d: {  	[tilespmem:s28+$0x16230] =	vst.add.f32.msk $0xffff, v14  }
0x29e: {  	[tilespmem:s28+$0x16240] =	vst.add.f32.msk $0xffff, v15  }
0x29f: {  	s7 =	sadd.s32 $0x1000, s7;
	[tilespmem:s28+$0x16250] =	vst.add.f32.msk $0xffff, v16  }
0x2a0: {  	s16 =	sadd.s32 $0x1, s16  }
0x2a1: {  	p1 =	sne.s32 s16, $0x4  }
.Ltmp11:
0x2a2: {  	_ = 	snop;
	(pc) =	sbr.rel @p1 .LBB2_23-.Ltmp11, $2  }
0x2a3: {  	_ =	sdelay $0x2  }
0x2a4: {  	[tilespmem:s28+$0x16260] =	vst.add.f32.msk $0xffff, v2;
	s9 =	sadd.s32 $0x200, s9  }
0x2a5: {  	s0 =	sshll.u32 s0, $0xA  }
0x2a6: {  	s0 =	sand.u32 $0x1F000, s0  }
0x2a7: {  	s0 =	sor.u32 s0, s8  }
0x2a8: {  	s0 =	sadd.s32 s0, s17  }
0x2a9: {  	[hbm4b:s0+s25] =	stream.strided.scatter [tilespmem:s31], [sflag:$0x12], $0x2000, s26, s25, $0x38;
	[tilespmem:$0x1C000] =	vst v63  }
0x2aa: {  	s0 =	sadd.s32 @!p0 s19, s21  }
0x2ab: {  	s0 =	sshll.u32 @!p0 s0, $0x8  }
0x2ac: {  	s7 =	simm.s32 @!p0 $0x200;
	s0 =	sand.u32 @!p0 $0x1FFFE000, s0  }
0x2ad: {  	s9 =	simm.s32 @!p0 $0x400;
	s16 =	simm.s32 @!p0 $0x6000;
	s0 =	sadd.s32 @!p0 s0, s11  }
0x2ae: {  	[tilespmem:s16], [sflag:$0x2] =	stream.strided.gather @!p0 [hbm4b:s0+s7], $0x2000, s9, s7, $0x38;
	[tilespmem:$0x1C000] =	vst v63  }
0x2af: {  	_ =	swait.ge [sflag:s5], $0x2000  }
0x2b0: {  	[sflag:s5] =	ssyncset.done $0x0  }
0x2b1: {  	[sflag:s5] =	ssyncadd.s32 $0xFFFFE000  }
0x2b2: {  	s0 =	sor.u32 $0x6, s24;
	_ =	swait.ge [sflag:s14], $0x2000  }
0x2b3: {  	p0 =	sgt.u32 s0, $0x7B;
	[sflag:s14] =	ssyncset.done $0x0  }
0x2b4: {  	s7 =	simm.s32 @!p0 $0xF;
	[sflag:s14] =	ssyncadd.s32 $0xFFFFE000  }
0x2b5: {  	_ =	swait.ge @!p0 [sflag:s7], $0x2000  }
0x2b6: {  	[sflag:s7] =	ssyncset.done @!p0 $0x0  }
0x2b7: {  	[sflag:s7] =	ssyncadd.s32 @!p0 $0xFFFFE000  }
0x2b8: {  	v2 =	vld.msk @!p0 [tilespmem:s23+$0x500], $0xf;
	_ =	sdelay $0x4  }
0x2b9: {  	v3 =	vshll.u32 @!p0 v2, $0x4  }
0x2ba: {  	v4 =	vlaneseq.u32 @!p0;
	v2 =	vand.u32 @!p0 $0x7, v2;
	v3 =	vand.u32 @!p0 $0xFFFFFF80, v3  }
0x2bb: {  	v2 =	vor.u32 @!p0 v2, v3;
	v3 =	vand.u32 @!p0 $0x3, v4;
	v4 =	vshrl.u32 @!p0 v4, $0x2  }
0x2bc: {  	v2 =	vperm.xlane @!p0 v2, v3;
	v3 =	vmul.u32 @!p0 $0x8, v4;
	_ =	sdelay $0x1  }
0x2bd: {  	v2 =	vadd.s32 @!p0 v3, v2;
	_ =	sdelay $0x3  }
0x2be: {  	vm1 =	vmmov @!p0 $0xffff;
	s9 =	simm.s32 @!p0 $0x10000;
	s7 =	simm.s32 @!p0 $0x0  }
0x2bf: {  	[tilespmem:s9], [sflag:$0x7] =	stream.indirect_vreg.gather @!p0 [hbm4b:s3+s7], $0x80, v2, vm1, $0xb8;
	[tilespmem:$0x1C000] =	vst v63  }
0x2c0: {  	s9 =	simm.s32 @!p0 $0x10800  }
0x2c1: {  	[tilespmem:s9], [sflag:$0x7] =	stream.indirect_vreg.gather @!p0 [hbm4b:s10+s7], $0x80, v2, vm1, $0xb8;
	[tilespmem:$0x1C000] =	vst v63  }
0x2c2: {  	s9 =	simm.s32 @!p0 $0x11000  }
0x2c3: {  	[tilespmem:s9], [sflag:$0x7] =	stream.indirect_vreg.gather @!p0 [hbm4b:s12+s7], $0x80, v2, vm1, $0xb8;
	[tilespmem:$0x1C000] =	vst v63  }
0x2c4: {  	s9 =	simm.s32 @!p0 $0x11800  }
0x2c5: {  	[tilespmem:s9], [sflag:$0x7] =	stream.indirect_vreg.gather @!p0 [hbm4b:s13+s7], $0x80, v2, vm1, $0xb8;
	[tilespmem:$0x1C000] =	vst v63  }
0x2c6: {  	s16 =	simm.s32 $0x0;
	s9 =	simm.s32 $0x0  }
.LBB2_27:
0x2c7: {  	s28 =	sshra.s32 s9, $0x2  }
0x2c8: {  	v2 =	vld [tilespmem:s28+$0x8270]  }
0x2c9: {  	v3 =	vld [tilespmem:s28+$0x8000]  }
0x2ca: {  	v4 =	vld [tilespmem:s28+$0x8010]  }
0x2cb: {  	v5 =	vld [tilespmem:s28+$0x8020]  }
0x2cc: {  	v6 =	vld [tilespmem:s28+$0x8030]  }
0x2cd: {  	v7 =	vld [tilespmem:s28+$0x8040]  }
0x2ce: {  	v8 =	vld [tilespmem:s28+$0x8050]  }
0x2cf: {  	v9 =	vld [tilespmem:s28+$0x8060]  }
0x2d0: {  	v10 =	vld [tilespmem:s28+$0x8070]  }
0x2d1: {  	v11 =	vld [tilespmem:s28+$0x8200]  }
0x2d2: {  	v12 =	vld [tilespmem:s28+$0x8210]  }
0x2d3: {  	v13 =	vld [tilespmem:s28+$0x8220]  }
0x2d4: {  	v14 =	vld [tilespmem:s28+$0x8230]  }
0x2d5: {  	v15 =	vld [tilespmem:s28+$0x8240]  }
0x2d6: {  	v16 =	vld [tilespmem:s28+$0x8250]  }
0x2d7: {  	[tilespmem:s28+$0x18270] =	vst.add.f32.msk $0xffff, v2  }
0x2d8: {  	v2 =	vld [tilespmem:s28+$0x8260]  }
0x2d9: {  	[tilespmem:s28+$0x18000] =	vst.add.f32.msk $0xffff, v3  }
0x2da: {  	[tilespmem:s28+$0x18010] =	vst.add.f32.msk $0xffff, v4  }
0x2db: {  	[tilespmem:s28+$0x18020] =	vst.add.f32.msk $0xffff, v5  }
0x2dc: {  	[tilespmem:s28+$0x18030] =	vst.add.f32.msk $0xffff, v6  }
0x2dd: {  	[tilespmem:s28+$0x18040] =	vst.add.f32.msk $0xffff, v7  }
0x2de: {  	[tilespmem:s28+$0x18050] =	vst.add.f32.msk $0xffff, v8  }
0x2df: {  	[tilespmem:s28+$0x18060] =	vst.add.f32.msk $0xffff, v9  }
0x2e0: {  	[tilespmem:s28+$0x18070] =	vst.add.f32.msk $0xffff, v10  }
0x2e1: {  	[tilespmem:s28+$0x18200] =	vst.add.f32.msk $0xffff, v11  }
0x2e2: {  	[tilespmem:s28+$0x18210] =	vst.add.f32.msk $0xffff, v12  }
0x2e3: {  	[tilespmem:s28+$0x18220] =	vst.add.f32.msk $0xffff, v13  }
0x2e4: {  	[tilespmem:s28+$0x18230] =	vst.add.f32.msk $0xffff, v14  }
0x2e5: {  	[tilespmem:s28+$0x18240] =	vst.add.f32.msk $0xffff, v15  }
0x2e6: {  	s29 =	simm.s32 $0x0;
	s7 =	sadd.s32 $0x1000, s9;
	[tilespmem:s28+$0x18250] =	vst.add.f32.msk $0xffff, v16  }
.LBB2_28:
0x2e7: {  	s29 =	sadd.s32 $0x10, s29;
	[tilespmem:s28+$0x18260] =	vst.add.f32.msk $0xffff, v2;
	s28 =	sshra.s32 s7, $0x2  }
0x2e8: {  	v2 =	vld [tilespmem:s28+$0x8270];
	p1 =	slt.u32 s29, $0x70  }
0x2e9: {  	v3 =	vld [tilespmem:s28+$0x8000]  }
0x2ea: {  	v4 =	vld [tilespmem:s28+$0x8010]  }
0x2eb: {  	v5 =	vld [tilespmem:s28+$0x8020]  }
0x2ec: {  	v6 =	vld [tilespmem:s28+$0x8030]  }
0x2ed: {  	[tilespmem:s28+$0x18270] =	vst.add.f32.msk $0xffff, v2  }
0x2ee: {  	v7 =	vld [tilespmem:s28+$0x8040]  }
0x2ef: {  	v8 =	vld [tilespmem:s28+$0x8050]  }
0x2f0: {  	v9 =	vld [tilespmem:s28+$0x8060]  }
0x2f1: {  	v10 =	vld [tilespmem:s28+$0x8070]  }
0x2f2: {  	v11 =	vld [tilespmem:s28+$0x8200]  }
0x2f3: {  	v12 =	vld [tilespmem:s28+$0x8210]  }
0x2f4: {  	v13 =	vld [tilespmem:s28+$0x8220]  }
0x2f5: {  	v14 =	vld [tilespmem:s28+$0x8230]  }
0x2f6: {  	v15 =	vld [tilespmem:s28+$0x8240]  }
0x2f7: {  	v16 =	vld [tilespmem:s28+$0x8250]  }
0x2f8: {  	v2 =	vld [tilespmem:s28+$0x8260]  }
0x2f9: {  	[tilespmem:s28+$0x18000] =	vst.add.f32.msk $0xffff, v3  }
0x2fa: {  	[tilespmem:s28+$0x18010] =	vst.add.f32.msk $0xffff, v4  }
0x2fb: {  	[tilespmem:s28+$0x18020] =	vst.add.f32.msk $0xffff, v5  }
0x2fc: {  	[tilespmem:s28+$0x18030] =	vst.add.f32.msk $0xffff, v6  }
0x2fd: {  	[tilespmem:s28+$0x18040] =	vst.add.f32.msk $0xffff, v7  }
0x2fe: {  	[tilespmem:s28+$0x18050] =	vst.add.f32.msk $0xffff, v8  }
0x2ff: {  	[tilespmem:s28+$0x18060] =	vst.add.f32.msk $0xffff, v9  }
0x300: {  	[tilespmem:s28+$0x18070] =	vst.add.f32.msk $0xffff, v10  }
0x301: {  	[tilespmem:s28+$0x18200] =	vst.add.f32.msk $0xffff, v11  }
.Ltmp12:
0x302: {  	[tilespmem:s28+$0x18210] =	vst.add.f32.msk $0xffff, v12;
	(pc) =	sbr.rel @p1 .LBB2_28-.Ltmp12, $4  }
0x303: {  	[tilespmem:s28+$0x18220] =	vst.add.f32.msk $0xffff, v13  }
0x304: {  	[tilespmem:s28+$0x18230] =	vst.add.f32.msk $0xffff, v14  }
0x305: {  	[tilespmem:s28+$0x18240] =	vst.add.f32.msk $0xffff, v15  }
0x306: {  	s7 =	sadd.s32 $0x1000, s7;
	[tilespmem:s28+$0x18250] =	vst.add.f32.msk $0xffff, v16  }
0x307: {  	s16 =	sadd.s32 $0x1, s16  }
0x308: {  	p1 =	sne.s32 s16, $0x4  }
.Ltmp13:
0x309: {  	_ = 	snop;
	(pc) =	sbr.rel @p1 .LBB2_27-.Ltmp13, $2  }
0x30a: {  	_ =	sdelay $0x2  }
0x30b: {  	[tilespmem:s28+$0x18260] =	vst.add.f32.msk $0xffff, v2;
	s9 =	sadd.s32 $0x200, s9  }
0x30c: {  	s0 =	sshll.u32 s0, $0xA  }
0x30d: {  	s7 =	simm.s32 $0x18000;
	s0 =	sadd.s32 s0, s20  }
0x30e: {  	[hbm4b:s0+s25] =	stream.strided.scatter [tilespmem:s7], [sflag:$0x13], $0x2000, s26, s25, $0x38;
	[tilespmem:$0x1C000] =	vst v63  }
0x30f: {  	s0 =	sadd.s32 @!p0 s19, s22  }
0x310: {  	s0 =	sshll.u32 @!p0 s0, $0x8  }
0x311: {  	s9 =	simm.s32 @!p0 $0x400;
	s0 =	sand.u32 @!p0 $0x1FFFE800, s0  }
0x312: {  	s16 =	simm.s32 @!p0 $0x8000;
	s7 =	simm.s32 @!p0 $0x200;
	s0 =	sadd.s32 @!p0 s1, s0  }
0x313: {  	[tilespmem:s16], [sflag:$0x3] =	stream.strided.gather @!p0 [hbm4b:s0+s7], $0x2000, s9, s7, $0x38;
	[tilespmem:$0x1C000] =	vst v63  }
0x314: {  	_ =	swait.ge [sflag:s2], $0x2000  }
0x315: {  	[sflag:s2] =	ssyncset.done $0x0  }
0x316: {  	[sflag:s2] =	ssyncadd.s32 $0xFFFFE000  }
0x317: {  	s0 =	sor.u32 $0x7, s24;
	_ =	swait.ge [sflag:s6], $0x2000  }
0x318: {  	p0 =	sgt.u32 s0, $0x7B;
	[sflag:s6] =	ssyncset.done $0x0  }
0x319: {  	s7 =	simm.s32 @!p0 $0x10;
	[sflag:s6] =	ssyncadd.s32 $0xFFFFE000  }
0x31a: {  	_ =	swait.ge @!p0 [sflag:s7], $0x2000  }
0x31b: {  	[sflag:s7] =	ssyncset.done @!p0 $0x0  }
0x31c: {  	[sflag:s7] =	ssyncadd.s32 @!p0 $0xFFFFE000  }
0x31d: {  	v2 =	vld.msk @!p0 [tilespmem:s23+$0x580], $0xf;
	_ =	sdelay $0x4  }
0x31e: {  	v3 =	vshll.u32 @!p0 v2, $0x4  }
0x31f: {  	v4 =	vlaneseq.u32 @!p0;
	v2 =	vand.u32 @!p0 $0x7, v2;
	v3 =	vand.u32 @!p0 $0xFFFFFF80, v3  }
0x320: {  	v2 =	vor.u32 @!p0 v2, v3;
	v3 =	vand.u32 @!p0 $0x3, v4;
	v4 =	vshrl.u32 @!p0 v4, $0x2  }
0x321: {  	v2 =	vperm.xlane @!p0 v2, v3;
	v3 =	vmul.u32 @!p0 $0x8, v4;
	_ =	sdelay $0x1  }
0x322: {  	v2 =	vadd.s32 @!p0 v3, v2;
	_ =	sdelay $0x3  }
0x323: {  	vm1 =	vmmov @!p0 $0xffff;
	s9 =	simm.s32 @!p0 $0x12000;
	s7 =	simm.s32 @!p0 $0x0  }
0x324: {  	[tilespmem:s9], [sflag:$0x8] =	stream.indirect_vreg.gather @!p0 [hbm4b:s3+s7], $0x80, v2, vm1, $0xb8;
	[tilespmem:$0x1C000] =	vst v63  }
0x325: {  	s9 =	simm.s32 @!p0 $0x12800  }
0x326: {  	[tilespmem:s9], [sflag:$0x8] =	stream.indirect_vreg.gather @!p0 [hbm4b:s10+s7], $0x80, v2, vm1, $0xb8;
	[tilespmem:$0x1C000] =	vst v63  }
0x327: {  	s9 =	simm.s32 @!p0 $0x13000  }
0x328: {  	[tilespmem:s9], [sflag:$0x8] =	stream.indirect_vreg.gather @!p0 [hbm4b:s12+s7], $0x80, v2, vm1, $0xb8;
	[tilespmem:$0x1C000] =	vst v63  }
0x329: {  	s9 =	simm.s32 @!p0 $0x13800  }
0x32a: {  	[tilespmem:s9], [sflag:$0x8] =	stream.indirect_vreg.gather @!p0 [hbm4b:s13+s7], $0x80, v2, vm1, $0xb8;
	[tilespmem:$0x1C000] =	vst v63  }
0x32b: {  	s16 =	simm.s32 $0x0;
	s9 =	simm.s32 $0x0  }
.LBB2_31:
0x32c: {  	s23 =	sshra.s32 s9, $0x2  }
0x32d: {  	v2 =	vld [tilespmem:s23+$0xA270]  }
0x32e: {  	v3 =	vld [tilespmem:s23+$0xA000]  }
0x32f: {  	v4 =	vld [tilespmem:s23+$0xA010]  }
0x330: {  	v5 =	vld [tilespmem:s23+$0xA020]  }
0x331: {  	v6 =	vld [tilespmem:s23+$0xA030]  }
0x332: {  	v7 =	vld [tilespmem:s23+$0xA040]  }
0x333: {  	v8 =	vld [tilespmem:s23+$0xA050]  }
0x334: {  	v9 =	vld [tilespmem:s23+$0xA060]  }
0x335: {  	v10 =	vld [tilespmem:s23+$0xA070]  }
0x336: {  	v11 =	vld [tilespmem:s23+$0xA200]  }
0x337: {  	v12 =	vld [tilespmem:s23+$0xA210]  }
0x338: {  	v13 =	vld [tilespmem:s23+$0xA220]  }
0x339: {  	v14 =	vld [tilespmem:s23+$0xA230]  }
0x33a: {  	v15 =	vld [tilespmem:s23+$0xA240]  }
0x33b: {  	v16 =	vld [tilespmem:s23+$0xA250]  }
0x33c: {  	[tilespmem:s23+$0x1A270] =	vst.add.f32.msk $0xffff, v2  }
0x33d: {  	v2 =	vld [tilespmem:s23+$0xA260]  }
0x33e: {  	[tilespmem:s23+$0x1A000] =	vst.add.f32.msk $0xffff, v3  }
0x33f: {  	[tilespmem:s23+$0x1A010] =	vst.add.f32.msk $0xffff, v4  }
0x340: {  	[tilespmem:s23+$0x1A020] =	vst.add.f32.msk $0xffff, v5  }
0x341: {  	[tilespmem:s23+$0x1A030] =	vst.add.f32.msk $0xffff, v6  }
0x342: {  	[tilespmem:s23+$0x1A040] =	vst.add.f32.msk $0xffff, v7  }
0x343: {  	[tilespmem:s23+$0x1A050] =	vst.add.f32.msk $0xffff, v8  }
0x344: {  	[tilespmem:s23+$0x1A060] =	vst.add.f32.msk $0xffff, v9  }
0x345: {  	[tilespmem:s23+$0x1A070] =	vst.add.f32.msk $0xffff, v10  }
0x346: {  	[tilespmem:s23+$0x1A200] =	vst.add.f32.msk $0xffff, v11  }
0x347: {  	[tilespmem:s23+$0x1A210] =	vst.add.f32.msk $0xffff, v12  }
0x348: {  	[tilespmem:s23+$0x1A220] =	vst.add.f32.msk $0xffff, v13  }
0x349: {  	[tilespmem:s23+$0x1A230] =	vst.add.f32.msk $0xffff, v14  }
0x34a: {  	[tilespmem:s23+$0x1A240] =	vst.add.f32.msk $0xffff, v15  }
0x34b: {  	s24 =	simm.s32 $0x0;
	s7 =	sadd.s32 $0x1000, s9;
	[tilespmem:s23+$0x1A250] =	vst.add.f32.msk $0xffff, v16  }
.LBB2_32:
0x34c: {  	s24 =	sadd.s32 $0x10, s24;
	[tilespmem:s23+$0x1A260] =	vst.add.f32.msk $0xffff, v2;
	s23 =	sshra.s32 s7, $0x2  }
0x34d: {  	v2 =	vld [tilespmem:s23+$0xA270];
	p1 =	slt.u32 s24, $0x70  }
0x34e: {  	v3 =	vld [tilespmem:s23+$0xA000]  }
0x34f: {  	v4 =	vld [tilespmem:s23+$0xA010]  }
0x350: {  	v5 =	vld [tilespmem:s23+$0xA020]  }
0x351: {  	v6 =	vld [tilespmem:s23+$0xA030]  }
0x352: {  	[tilespmem:s23+$0x1A270] =	vst.add.f32.msk $0xffff, v2  }
0x353: {  	v7 =	vld [tilespmem:s23+$0xA040]  }
0x354: {  	v8 =	vld [tilespmem:s23+$0xA050]  }
0x355: {  	v9 =	vld [tilespmem:s23+$0xA060]  }
0x356: {  	v10 =	vld [tilespmem:s23+$0xA070]  }
0x357: {  	v11 =	vld [tilespmem:s23+$0xA200]  }
0x358: {  	v12 =	vld [tilespmem:s23+$0xA210]  }
0x359: {  	v13 =	vld [tilespmem:s23+$0xA220]  }
0x35a: {  	v14 =	vld [tilespmem:s23+$0xA230]  }
0x35b: {  	v15 =	vld [tilespmem:s23+$0xA240]  }
0x35c: {  	v16 =	vld [tilespmem:s23+$0xA250]  }
0x35d: {  	v2 =	vld [tilespmem:s23+$0xA260]  }
0x35e: {  	[tilespmem:s23+$0x1A000] =	vst.add.f32.msk $0xffff, v3  }
0x35f: {  	[tilespmem:s23+$0x1A010] =	vst.add.f32.msk $0xffff, v4  }
0x360: {  	[tilespmem:s23+$0x1A020] =	vst.add.f32.msk $0xffff, v5  }
0x361: {  	[tilespmem:s23+$0x1A030] =	vst.add.f32.msk $0xffff, v6  }
0x362: {  	[tilespmem:s23+$0x1A040] =	vst.add.f32.msk $0xffff, v7  }
0x363: {  	[tilespmem:s23+$0x1A050] =	vst.add.f32.msk $0xffff, v8  }
0x364: {  	[tilespmem:s23+$0x1A060] =	vst.add.f32.msk $0xffff, v9  }
0x365: {  	[tilespmem:s23+$0x1A070] =	vst.add.f32.msk $0xffff, v10  }
0x366: {  	[tilespmem:s23+$0x1A200] =	vst.add.f32.msk $0xffff, v11  }
.Ltmp14:
0x367: {  	[tilespmem:s23+$0x1A210] =	vst.add.f32.msk $0xffff, v12;
	(pc) =	sbr.rel @p1 .LBB2_32-.Ltmp14, $4  }
0x368: {  	[tilespmem:s23+$0x1A220] =	vst.add.f32.msk $0xffff, v13  }
0x369: {  	[tilespmem:s23+$0x1A230] =	vst.add.f32.msk $0xffff, v14  }
0x36a: {  	[tilespmem:s23+$0x1A240] =	vst.add.f32.msk $0xffff, v15  }
0x36b: {  	s7 =	sadd.s32 $0x1000, s7;
	[tilespmem:s23+$0x1A250] =	vst.add.f32.msk $0xffff, v16  }
0x36c: {  	s16 =	sadd.s32 $0x1, s16  }
0x36d: {  	p1 =	sne.s32 s16, $0x4  }
.Ltmp15:
0x36e: {  	_ = 	snop;
	(pc) =	sbr.rel @p1 .LBB2_31-.Ltmp15, $2  }
0x36f: {  	_ =	sdelay $0x2  }
0x370: {  	[tilespmem:s23+$0x1A260] =	vst.add.f32.msk $0xffff, v2;
	s9 =	sadd.s32 $0x200, s9  }
0x371: {  	s0 =	sshll.u32 s0, $0xA  }
0x372: {  	s0 =	sand.u32 $0x1F800, s0  }
0x373: {  	s0 =	sor.u32 s0, s8  }
0x374: {  	s7 =	simm.s32 $0x1A000;
	s0 =	sadd.s32 s0, s17  }
0x375: {  	[hbm4b:s0+s25] =	stream.strided.scatter [tilespmem:s7], [sflag:$0x14], $0x2000, s26, s25, $0x38;
	[tilespmem:$0x1C000] =	vst v63  }
0x376: {  	s0 =	sadd.s32 @!p0 s19, s22  }
0x377: {  	s0 =	sshll.u32 @!p0 s0, $0x8  }
0x378: {  	s9 =	simm.s32 @!p0 $0x400;
	s16 =	simm.s32 @!p0 $0xA000;
	s0 =	sand.u32 @!p0 $0x1FFFE800, s0  }
0x379: {  	s18 =	sadd.s32 $0x1, s18;
	s7 =	simm.s32 @!p0 $0x200;
	s0 =	sadd.s32 @!p0 s0, s11  }
0x37a: {  	[tilespmem:s16], [sflag:$0x4] =	stream.strided.gather @!p0 [hbm4b:s0+s7], $0x2000, s9, s7, $0x38;
	[tilespmem:$0x1C000] =	vst v63  }
0x37b: {  	p0 =	sne.s32 s18, $0x10  }
.Ltmp16:
0x37c: {  	_ = 	snop;
	(pc) =	sbr.rel @p0 .LBB2_2-.Ltmp16, $1  }
0x37d: {  	_ =	sdelay $0x3  }
0x37e: {  	s0 =	simm.s32 $0xD  }
0x37f: {  	_ =	swait.ge [sflag:s0], $0x2000  }
0x380: {  	[sflag:s0] =	ssyncset.done $0x0  }
0x381: {  	s16 =	simm.s32 $0xE;
	[sflag:s0] =	ssyncadd.s32 $0xFFFFE000  }
0x382: {  	_ =	swait.ge [sflag:s16], $0x2000  }
0x383: {  	[sflag:s16] =	ssyncset.done $0x0  }
0x384: {  	s18 =	simm.s32 $0xF;
	[sflag:s16] =	ssyncadd.s32 $0xFFFFE000  }
0x385: {  	_ =	swait.ge [sflag:s18], $0x2000  }
0x386: {  	[sflag:s18] =	ssyncset.done $0x0  }
0x387: {  	s19 =	simm.s32 $0x10;
	[sflag:s18] =	ssyncadd.s32 $0xFFFFE000  }
0x388: {  	_ =	swait.ge [sflag:s19], $0x2000  }
0x389: {  	[sflag:s19] =	ssyncset.done $0x0  }
0x38a: {  	s23 =	simm.s32 $0x11;
	[sflag:s19] =	ssyncadd.s32 $0xFFFFE000  }
0x38b: {  	_ =	swait.ge [sflag:s23], $0x2000  }
0x38c: {  	[sflag:s23] =	ssyncset.done $0x0  }
0x38d: {  	s24 =	simm.s32 $0x12;
	[sflag:s23] =	ssyncadd.s32 $0xFFFFE000  }
0x38e: {  	_ =	swait.ge [sflag:s24], $0x2000  }
0x38f: {  	[sflag:s24] =	ssyncset.done $0x0  }
0x390: {  	s28 =	simm.s32 $0x13;
	[sflag:s24] =	ssyncadd.s32 $0xFFFFE000  }
0x391: {  	_ =	swait.ge [sflag:s28], $0x2000  }
0x392: {  	[sflag:s28] =	ssyncset.done $0x0  }
0x393: {  	s7 =	simm.s32 $0x14;
	[sflag:s28] =	ssyncadd.s32 $0xFFFFE000  }
0x394: {  	_ =	swait.ge [sflag:s7], $0x2000  }
0x395: {  	s9 =	rddreg [dreg:$0xe]  }
0x396: {  	s29 =	rddreg [dreg:$0xd];
	s9 =	sadd.s32 $0x1, s9  }
0x397: {  	p0 =	sne.s32 s9, s29  }
.Ltmp17:
0x398: {  	_ = 	snop;
	(pc) =	sbr.rel @p0 .LBB2_1-.Ltmp17, $3  }
0x399: {  	_ =	sdelay $0x1  }
0x39a: {  	[sflag:s7] =	ssyncset.done $0x0  }
0x39b: {  	[sflag:s7] =	ssyncadd.s32 $0xFFFFE000  }
0x39c: {  	_ =	sfence.sel $0x180000  }
0x39d: {  	[bflag:$0x0] =	sbarrier.arrive $0xFFFF  }
0x39e: {  	_ =	strace $0x90000047  }
0x39f: {  	s0 =	stileid.u32;
	[bflag:$0x2] =	sbarrier.arrive $0xFFFF  }
0x3a0: {  	p0 =	sne.s32 s0, $0x0;
	s0 =	rddreg [dreg:$0x4]  }
0x3a1: {  	s0 =	sadd.s32 @!p0 $0x100000, s0  }
0x3a2: {  	[sflag:s0] =	ssyncadd.tile.s32 @!p0 $0x1;
	_ =	shalt  }
.Lfunc_end2:
_tile_overlayer_lowered:
.L_overlay_start_2:
0x3a3: {  	(tag) =	ssettag $0x2  }
0x3a4: {  	s0 =	rddreg [dreg:$0x0];
	s2 =	stileid.u32  }
0x3a5: {  	s1 =	rddreg [dreg:$0x1];
	p0 =	sne.s32 s2, $0x0  }
0x3a6: {  	s3 =	rddreg [dreg:$0x2];
	[bflag:$0x3] =	sbarrier.arrive $0xFFFF;
	s2 =	simm.s32 @!p0 $0x1C15  }
0x3a7: {  	[timem:s3], [sflag:s2] =	dma.local @!p0 [hbm:s0], s1  }
0x3a8: {  	s0 =	simm.s32 @!p0 $0x15  }
0x3a9: {  	_ =	swait.ge @!p0 [sflag:s0], s1  }
0x3aa: {  	s1 =	ssub.s32 @!p0 $0x0, s1;
	[sflag:s0] =	ssyncset.done @!p0 $0x0  }
0x3ab: {  	[sflag:s0] =	ssyncadd.s32 @!p0 s1  }
0x3ac: {  	[bflag:$0x3] =	sbarrier.arrive $0xFFFF  }
0x3ad: {  	_ =	shalt  }

</sc_bundles>
